<compile_context>
chip_gen: v7x
topology: tpu7x:2x2x1
jax: 0.10.2.dev20260603
libtpu: 0.0.44.dev20260713+nightly
codegen_flags: <defaults>
</compile_context>

<pallas_src>
import functools

import jax
import jax.numpy as jnp
from jax import lax
from jax.experimental import pallas as pl
from jax.experimental.pallas import tpu as pltpu
from jax.experimental.pallas import tpu_sc as plsc

N = 10000
D = 128
E = 320000

NC = 2
NS = 16
NW = NC * NS
CE = 125
CPT = 80
NPAD = 10240
STRIPE = NPAD // NS
HC = CPT // 2

_mesh = plsc.VectorSubcoreMesh(
    core_axis_name="c", subcore_axis_name="s", num_cores=NC, num_subcores=NS
)


def _deg_body(dst_hbm, out_hbm, idx_v, ones_v, zb_v, acc_sh, sem):
    c = lax.axis_index("c")
    s = lax.axis_index("s")
    wid = s * NC + c

    for k in range(128 // 16):
        ones_v[pl.ds(16 * k, 16)] = jnp.ones((16,), jnp.float32)

    def zrow(k, carry):
        zb_v[pl.ds(16 * k, 16)] = jnp.zeros((16,), jnp.float32)
        return carry

    lax.fori_loop(0, STRIPE // 16, zrow, 0)
    pltpu.sync_copy(zb_v, acc_sh.at[pl.ds(s * STRIPE, STRIPE)])
    plsc.subcore_barrier()

    pltpu.async_copy(dst_hbm.at[pl.ds(wid * CPT, CPT)], idx_v, sem).wait()

    def body(j, carry):
        pltpu.sync_copy(ones_v.at[pl.ds(0, CE)], acc_sh.at[idx_v.at[j]],
                        add=True)
        return carry

    lax.fori_loop(0, CPT, body, 0)
    plsc.subcore_barrier()

    pltpu.sync_copy(
        acc_sh.at[pl.ds(s * STRIPE, STRIPE)],
        out_hbm.at[pl.ds(c * NPAD + s * STRIPE, STRIPE)],
    )


@functools.partial(
    pl.kernel,
    out_type=jax.ShapeDtypeStruct((NC * NPAD,), jnp.float32),
    mesh=_mesh,
    scratch_types=[
        pltpu.VMEM((CPT, CE), jnp.int32),
        pltpu.VMEM((128,), jnp.float32),
        pltpu.VMEM((STRIPE,), jnp.float32),
        pltpu.VMEM_SHARED((NPAD,), jnp.float32),
        pltpu.SemaphoreType.DMA,
    ],
)
def _deg_call(dst_hbm, out_hbm, idx_v, ones_v, zb_v, acc_sh, sem):
    _deg_body(dst_hbm, out_hbm, idx_v, ones_v, zb_v, acc_sh, sem)


TAIL = N - (NS - 1) * STRIPE


def _agg_body(src_hbm, dst_hbm, hs_hbm, out_hbm, sidx_v, didx_v, rows0_v,
              rows1_v, zb_v, acc_sh, sem0, sem1, isem):
    c = lax.axis_index("c")
    s = lax.axis_index("s")
    wid = s * NC + c

    @pl.when((c == 0) & (s < NS - 1))
    def _():
        pltpu.sync_copy(hs_hbm.at[pl.ds(s * STRIPE, STRIPE)],
                        acc_sh.at[pl.ds(s * STRIPE, STRIPE)])

    @pl.when((c == 0) & (s == NS - 1))
    def _():
        pltpu.sync_copy(hs_hbm.at[pl.ds((NS - 1) * STRIPE, TAIL)],
                        acc_sh.at[pl.ds((NS - 1) * STRIPE, TAIL)])

    @pl.when(c == 1)
    def _():
        def zrow(i, carry):
            for jj in range(D // 16):
                zb_v[i, pl.ds(16 * jj, 16)] = jnp.zeros((16,), jnp.float32)
            return carry

        lax.fori_loop(0, 32, zrow, 0)
        for t in range(STRIPE // 32):
            pltpu.sync_copy(zb_v, acc_sh.at[pl.ds(s * STRIPE + 32 * t, 32)])

    plsc.subcore_barrier()

    for h in range(CPT // HC):
        pltpu.async_copy(src_hbm.at[pl.ds(wid * CPT + h * HC, HC)], sidx_v,
                         isem).wait()
        pltpu.async_copy(dst_hbm.at[pl.ds(wid * CPT + h * HC, HC)], didx_v,
                         isem).wait()

        pltpu.async_copy(hs_hbm.at[sidx_v.at[0]], rows0_v, sem0)

        def body(j, carry):
            pltpu.async_copy(hs_hbm.at[sidx_v.at[2 * j + 1]], rows1_v, sem1)
            pltpu.make_async_copy(hs_hbm.at[sidx_v.at[2 * j]], rows0_v,
                                  sem0).wait()
            pltpu.sync_copy(rows0_v, acc_sh.at[didx_v.at[2 * j]], add=True)

            @pl.when(j < HC // 2 - 1)
            def _():
                pltpu.async_copy(hs_hbm.at[sidx_v.at[2 * j + 2]], rows0_v,
                                 sem0)

            pltpu.make_async_copy(hs_hbm.at[sidx_v.at[2 * j + 1]], rows1_v,
                                  sem1).wait()
            pltpu.sync_copy(rows1_v, acc_sh.at[didx_v.at[2 * j + 1]], add=True)
            return carry

        lax.fori_loop(0, HC // 2, body, 0)

    plsc.subcore_barrier()

    pltpu.sync_copy(
        acc_sh.at[pl.ds(s * STRIPE, STRIPE)],
        out_hbm.at[pl.ds(c * NPAD + s * STRIPE, STRIPE)],
    )


@functools.partial(
    pl.kernel,
    out_type=jax.ShapeDtypeStruct((NC * NPAD, D), jnp.float32),
    mesh=_mesh,
    scratch_types=[
        pltpu.VMEM((HC, CE), jnp.int32),
        pltpu.VMEM((HC, CE), jnp.int32),
        pltpu.VMEM((CE, D), jnp.float32),
        pltpu.VMEM((CE, D), jnp.float32),
        pltpu.VMEM((32, D), jnp.float32),
        pltpu.VMEM_SHARED((NPAD, D), jnp.float32),
        pltpu.SemaphoreType.DMA,
        pltpu.SemaphoreType.DMA,
        pltpu.SemaphoreType.DMA,
    ],
)
def _agg_call(src_hbm, dst_hbm, hs_hbm, out_hbm, sidx_v, didx_v, rows0_v,
              rows1_v, zb_v, acc_sh, sem0, sem1, isem):
    _agg_body(src_hbm, dst_hbm, hs_hbm, out_hbm, sidx_v, didx_v, rows0_v,
              rows1_v, zb_v, acc_sh, sem0, sem1, isem)


def _dis_col(degp_ref):
    deg = degp_ref[pl.ds(0, N)] + degp_ref[pl.ds(NPAD, N)] + 1.0
    return jnp.reshape(lax.rsqrt(deg), (N, 1))


def _lin_body(degp_ref, x_ref, w_ref, o_ref):
    dis = _dis_col(degp_ref)
    h = jnp.dot(x_ref[...], w_ref[...], preferred_element_type=jnp.float32)
    o_ref[...] = h * dis


def _mid_body(aggp_ref, degp_ref, b_ref, g_ref, be_ref, a_ref, w_ref,
              o_ref):
    dis = _dis_col(degp_ref)
    t = (aggp_ref[0, :N] + aggp_ref[1, :N]) * dis + b_ref[...]
    mean = jnp.mean(t, axis=0, keepdims=True)
    msq = jnp.mean(t * t, axis=0, keepdims=True)
    var = msq - mean * mean
    u = (t - mean) * lax.rsqrt(var + 1e-5) * g_ref[...] + be_ref[...]
    u = jnp.where(u > 0, u, u * a_ref[...])
    o_ref[...] = jnp.dot(u, w_ref[...], preferred_element_type=jnp.float32) * dis


def _fin_body(aggp_ref, degp_ref, b_ref, g_ref, be_ref, a_ref, o_ref):
    dis = _dis_col(degp_ref)
    t = (aggp_ref[0, :N] + aggp_ref[1, :N]) * dis + b_ref[...]
    mean = jnp.mean(t, axis=0, keepdims=True)
    msq = jnp.mean(t * t, axis=0, keepdims=True)
    var = msq - mean * mean
    u = (t - mean) * lax.rsqrt(var + 1e-5) * g_ref[...] + be_ref[...]
    o_ref[...] = jnp.where(u > 0, u, u * a_ref[...])


def kernel(x, edge_index, W1, b1, g1, be1, a1, W2, b2, g2, be2, a2):
    srcp = edge_index[0].astype(jnp.int32).reshape(NW * CPT, CE)
    dstp = edge_index[1].astype(jnp.int32).reshape(NW * CPT, CE)

    degp = _deg_call(dstp)

    hs1 = pl.pallas_call(
        _lin_body,
        out_shape=jax.ShapeDtypeStruct((N, D), jnp.float32),
    )(degp, x, W1)

    agg1 = _agg_call(srcp, dstp, hs1).reshape(NC, NPAD, D)

    b1r = jnp.reshape(b1, (1, D))
    g1r = jnp.reshape(g1, (1, D))
    be1r = jnp.reshape(be1, (1, D))
    a1r = jnp.broadcast_to(jnp.reshape(a1, (1, 1)), (1, D))
    hs2 = pl.pallas_call(
        _mid_body,
        out_shape=jax.ShapeDtypeStruct((N, D), jnp.float32),
    )(agg1, degp, b1r, g1r, be1r, a1r, W2)

    agg2 = _agg_call(srcp, dstp, hs2).reshape(NC, NPAD, D)

    b2r = jnp.reshape(b2, (1, D))
    g2r = jnp.reshape(g2, (1, D))
    be2r = jnp.reshape(be2, (1, D))
    a2r = jnp.broadcast_to(jnp.reshape(a2, (1, 1)), (1, D))
    out = pl.pallas_call(
        _fin_body,
        out_shape=jax.ShapeDtypeStruct((N, D), jnp.float32),
    )(agg2, degp, b2r, g2r, be2r, a2r)
    return out

# --- scband reference (transcript-rebuilt; emitter-appended) ---
"""Pipeline reference for scband-gcn-44547400794167 (READ-ONLY COPY).

The authoritative reference and input builder live on the scoring server;
editing this copy changes nothing except your own understanding.
"""

import jax, jax.numpy as jnp
import numpy as np

N = 10000
D = 128
E = 320000


def gcn_layer(x, src, dst, norm, W, b):
    h = x @ W
    msg = norm[:, None] * h[src]
    out = jnp.zeros((x.shape[0], W.shape[1]), dtype=x.dtype).at[dst].add(msg)
    return out + b


def batch_norm(x, gamma, beta, eps=1e-5):
    mean = jnp.mean(x, axis=0)
    var = jnp.var(x, axis=0)
    return (x - mean) / jnp.sqrt(var + eps) * gamma + beta


def prelu(x, a):
    return jnp.where(x > 0, x, a * x)


def setup_inputs(seed: int = 0) -> dict:
    key = jax.random.key(seed)
    ks = jax.random.split(key, 12)
    x = jax.random.normal(ks[0], (N, D), dtype=jnp.float32)
    edge_index = jax.random.randint(ks[1], (2, E), 0, N)
    W1 = jax.random.normal(ks[2], (D, D), dtype=jnp.float32) * 0.05
    b1 = jnp.zeros((D,), dtype=jnp.float32)
    g1 = jnp.ones((D,), dtype=jnp.float32)
    be1 = jnp.zeros((D,), dtype=jnp.float32)
    a1 = jnp.full((), 0.25, dtype=jnp.float32)
    W2 = jax.random.normal(ks[3], (D, D), dtype=jnp.float32) * 0.05
    b2 = jnp.zeros((D,), dtype=jnp.float32)
    g2 = jnp.ones((D,), dtype=jnp.float32)
    be2 = jnp.zeros((D,), dtype=jnp.float32)
    a2 = jnp.full((), 0.25, dtype=jnp.float32)
    return {"x": x, "edge_index": edge_index, "W1": W1, "b1": b1, "g1": g1, "be1": be1, "a1": a1, "W2": W2, "b2": b2, "g2": g2, "be2": be2, "a2": a2}


def reference(x, edge_index, W1, b1, g1, be1, a1, W2, b2, g2, be2, a2):
    n = x.shape[0]
    loop = jnp.arange(n, dtype=edge_index.dtype)
    src = jnp.concatenate([edge_index[0], loop])
    dst = jnp.concatenate([edge_index[1], loop])
    # GCN symmetric normalization with self-loops (PyG gcn_norm)
    deg = jnp.zeros((n,), dtype=x.dtype).at[dst].add(1.0)
    dis = jnp.where(deg > 0, deg ** -0.5, 0.0)
    norm = dis[src] * dis[dst]
    h = gcn_layer(x, src, dst, norm, W1, b1)
    h = batch_norm(h, g1, be1)
    h = prelu(h, a1)
    h = gcn_layer(h, src, dst, norm, W2, b2)
    h = batch_norm(h, g2, be2)
    h = prelu(h, a2)
    return h

if __name__ == "__main__":
    import jax
    _d = setup_inputs()
    print(jax.jit(kernel)(*tuple(_d.values())))

</pallas_src>

<mosaic_0001>
#map = affine_map<(d0, d1) -> (0, 0)>
module attributes {stable_mosaic.version = 14 : i64} {
  func.func @_agg_call(%arg0: i32, %arg1: i32, %arg2: memref<2560x125xi32, #tpu.memory_space<hbm>>, %arg3: memref<2560x125xi32, #tpu.memory_space<hbm>>, %arg4: memref<10000x128xf32, #tpu.memory_space<hbm>>, %arg5: memref<20480x128xf32, #tpu.memory_space<hbm>>, %arg6: memref<40x125xi32, #tpu.memory_space<vmem>>, %arg7: memref<40x125xi32, #tpu.memory_space<vmem>>, %arg8: memref<125x128xf32, #tpu.memory_space<vmem>>, %arg9: memref<125x128xf32, #tpu.memory_space<vmem>>, %arg10: memref<32x128xf32, #tpu.memory_space<vmem>>, %arg11: memref<10240x128xf32, #tpu.memory_space<vmem_shared>>, %arg12: memref<!tpu.dma_semaphore, #tpu.memory_space<semaphore_mem>>, %arg13: memref<!tpu.dma_semaphore, #tpu.memory_space<semaphore_mem>>, %arg14: memref<!tpu.dma_semaphore, #tpu.memory_space<semaphore_mem>>) attributes {dimension_semantics = [#tpu.dimension_semantics<core_parallel>, #tpu.dimension_semantics<subcore_parallel>], iteration_bounds = array<i64: 2, 16>, scalar_prefetch = 0 : i64, scratch_operands = 9 : i64, tpu.core_type = #tpu.core_type<sc_vector_subcore>, window_params = [{transform_indices = #map}, {transform_indices = #map}, {transform_indices = #map}, {transform_indices = #map}]} {
    %mul3A = arith.constant 2 : i32
    %mul3A_0 = arith.muli %arg1, %mul3A : i32
    %add3A = arith.addi %mul3A_0, %arg0 : i32
    %eq3A = arith.constant 0 : i32
    %eq3A_1 = arith.cmpi eq, %arg0, %eq3A : i32
    %lt3A = arith.constant 15 : i32
    %lt3A_2 = arith.cmpi slt, %arg1, %lt3A : i32
    %and3A = arith.andi %eq3A_1, %lt3A_2 : i1
    %convert_element_type3A = arith.extui %and3A : i1 to i32
    %cond3A = arith.constant 0 : i32
    %cond3A_3 = arith.cmpi ne, %convert_element_type3A, %cond3A : i32
    scf.if %cond3A_3 {
      %mul3A_96 = arith.constant 640 : i32
      %mul3A_97 = arith.muli %arg1, %mul3A_96 : i32
      %mul3A_98 = arith.constant 640 : i32
      %mul3A_99 = arith.muli %arg1, %mul3A_98 : i32
      "tpu.region"() ({
        %run_scoped3A = tpu.sem_alloc : memref<!tpu.dma_semaphore, #tpu.memory_space<semaphore_mem>>
        %dma_start3A_100 = arith.constant 0 : i32
        %dma_start3A_101 = tpu.memref_slice %arg11[%mul3A_99, %dma_start3A_100] : memref<10240x128xf32, #tpu.memory_space<vmem_shared>> -> memref<640x128xf32, #tpu.memory_space<vmem_shared>>
        %dma_start3A_102 = arith.constant 0 : i32
        %dma_start3A_103 = tpu.memref_slice %arg4[%mul3A_97, %dma_start3A_102] : memref<10000x128xf32, #tpu.memory_space<hbm>> -> memref<640x128xf32, #tpu.memory_space<hbm>>
        tpu.enqueue_dma source(%dma_start3A_103 : memref<640x128xf32, #tpu.memory_space<hbm>>) target(%dma_start3A_101 : memref<640x128xf32, #tpu.memory_space<vmem_shared>>) target_semaphore(%run_scoped3A : memref<!tpu.dma_semaphore, #tpu.memory_space<semaphore_mem>>)
        %dma_wait3A_104 = arith.constant 0 : i32
        %dma_wait3A_105 = tpu.memref_slice %arg11[%mul3A_99, %dma_wait3A_104] : memref<10240x128xf32, #tpu.memory_space<vmem_shared>> -> memref<640x128xf32, #tpu.memory_space<vmem_shared>>
        %dma_wait3A_106 = arith.constant 0 : i32
        %dma_wait3A_107 = tpu.memref_slice %arg4[%mul3A_97, %dma_wait3A_106] : memref<10000x128xf32, #tpu.memory_space<hbm>> -> memref<640x128xf32, #tpu.memory_space<hbm>>
        tpu.wait_dma2 semaphore(%run_scoped3A : memref<!tpu.dma_semaphore, #tpu.memory_space<semaphore_mem>>) src(%dma_wait3A_107 : memref<640x128xf32, #tpu.memory_space<hbm>>) dst(%dma_wait3A_105 : memref<640x128xf32, #tpu.memory_space<vmem_shared>>)
        tpu.yield
      }) : () -> ()
    } else {
    }
    %eq3A_4 = arith.constant 0 : i32
    %eq3A_5 = arith.cmpi eq, %arg0, %eq3A_4 : i32
    %eq3A_6 = arith.constant 15 : i32
    %eq3A_7 = arith.cmpi eq, %arg1, %eq3A_6 : i32
    %and3A_8 = arith.andi %eq3A_5, %eq3A_7 : i1
    %convert_element_type3A_9 = arith.extui %and3A_8 : i1 to i32
    %cond3A_10 = arith.constant 0 : i32
    %cond3A_11 = arith.cmpi ne, %convert_element_type3A_9, %cond3A_10 : i32
    scf.if %cond3A_11 {
      "tpu.region"() ({
        %run_scoped3A = tpu.sem_alloc : memref<!tpu.dma_semaphore, #tpu.memory_space<semaphore_mem>>
        %dma_start3A_96 = arith.constant 9600 : i32
        %dma_start3A_97 = arith.constant 0 : i32
        %dma_start3A_98 = tpu.memref_slice %arg11[%dma_start3A_96, %dma_start3A_97] : memref<10240x128xf32, #tpu.memory_space<vmem_shared>> -> memref<400x128xf32, #tpu.memory_space<vmem_shared>>
        %dma_start3A_99 = arith.constant 9600 : i32
        %dma_start3A_100 = arith.constant 0 : i32
        %dma_start3A_101 = tpu.memref_slice %arg4[%dma_start3A_99, %dma_start3A_100] : memref<10000x128xf32, #tpu.memory_space<hbm>> -> memref<400x128xf32, #tpu.memory_space<hbm>>
        tpu.enqueue_dma source(%dma_start3A_101 : memref<400x128xf32, #tpu.memory_space<hbm>>) target(%dma_start3A_98 : memref<400x128xf32, #tpu.memory_space<vmem_shared>>) target_semaphore(%run_scoped3A : memref<!tpu.dma_semaphore, #tpu.memory_space<semaphore_mem>>)
        %dma_wait3A_102 = arith.constant 9600 : i32
        %dma_wait3A_103 = arith.constant 0 : i32
        %dma_wait3A_104 = tpu.memref_slice %arg11[%dma_wait3A_102, %dma_wait3A_103] : memref<10240x128xf32, #tpu.memory_space<vmem_shared>> -> memref<400x128xf32, #tpu.memory_space<vmem_shared>>
        %dma_wait3A_105 = arith.constant 9600 : i32
        %dma_wait3A_106 = arith.constant 0 : i32
        %dma_wait3A_107 = tpu.memref_slice %arg4[%dma_wait3A_105, %dma_wait3A_106] : memref<10000x128xf32, #tpu.memory_space<hbm>> -> memref<400x128xf32, #tpu.memory_space<hbm>>
        tpu.wait_dma2 semaphore(%run_scoped3A : memref<!tpu.dma_semaphore, #tpu.memory_space<semaphore_mem>>) src(%dma_wait3A_107 : memref<400x128xf32, #tpu.memory_space<hbm>>) dst(%dma_wait3A_104 : memref<400x128xf32, #tpu.memory_space<vmem_shared>>)
        tpu.yield
      }) : () -> ()
    } else {
    }
    %eq3A_12 = arith.constant 1 : i32
    %eq3A_13 = arith.cmpi eq, %arg0, %eq3A_12 : i32
    %convert_element_type3A_14 = arith.extui %eq3A_13 : i1 to i32
    %cond3A_15 = arith.constant 0 : i32
    %cond3A_16 = arith.cmpi ne, %convert_element_type3A_14, %cond3A_15 : i32
    scf.if %cond3A_16 {
      %scan3A_96 = arith.constant 0 : i32
      %scan3A_97 = arith.constant 0 : i32
      %scan3A_98 = arith.constant 32 : i32
      %scan3A_99 = arith.addi %scan3A_97, %scan3A_98 : i32
      %scan3A_100 = arith.constant 1 : i32
      scf.for %scan3A_182 = %scan3A_97 to %scan3A_99 step %scan3A_100  : i32 {
        %broadcast_in_dim3A = arith.constant 0.000000e+00 : f32
        %broadcast_in_dim3A_183 = vector.broadcast %broadcast_in_dim3A : f32 to vector<16xf32>
        %swap3A = arith.index_cast %scan3A_182 : i32 to index
        %swap3A_184 = arith.constant 0 : index
        %swap3A_185 = tpu.vector_load %arg10[%swap3A, %swap3A_184] {strides = array<i32>} : memref<32x128xf32, #tpu.memory_space<vmem>>, vector<1x16xf32>,
        %swap3A_186 = vector.shape_cast %swap3A_185 : vector<1x16xf32> to vector<16xf32>
        %swap3A_187 = vector.shape_cast %broadcast_in_dim3A_183 : vector<16xf32> to vector<1x16xf32>
        tpu.vector_store %arg10[%swap3A, %swap3A_184], %swap3A_187 {strides = array<i32>} : memref<32x128xf32, #tpu.memory_space<vmem>>, vector<1x16xf32>,
        %broadcast_in_dim3A_188 = arith.constant 0.000000e+00 : f32
        %broadcast_in_dim3A_189 = vector.broadcast %broadcast_in_dim3A_188 : f32 to vector<16xf32>
        %swap3A_190 = arith.index_cast %scan3A_182 : i32 to index
        %swap3A_191 = arith.constant 16 : index
        %swap3A_192 = tpu.vector_load %arg10[%swap3A_190, %swap3A_191] {strides = array<i32>} : memref<32x128xf32, #tpu.memory_space<vmem>>, vector<1x16xf32>,
        %swap3A_193 = vector.shape_cast %swap3A_192 : vector<1x16xf32> to vector<16xf32>
        %swap3A_194 = vector.shape_cast %broadcast_in_dim3A_189 : vector<16xf32> to vector<1x16xf32>
        tpu.vector_store %arg10[%swap3A_190, %swap3A_191], %swap3A_194 {strides = array<i32>} : memref<32x128xf32, #tpu.memory_space<vmem>>, vector<1x16xf32>,
        %broadcast_in_dim3A_195 = arith.constant 0.000000e+00 : f32
        %broadcast_in_dim3A_196 = vector.broadcast %broadcast_in_dim3A_195 : f32 to vector<16xf32>
        %swap3A_197 = arith.index_cast %scan3A_182 : i32 to index
        %swap3A_198 = arith.constant 32 : index
        %swap3A_199 = tpu.vector_load %arg10[%swap3A_197, %swap3A_198] {strides = array<i32>} : memref<32x128xf32, #tpu.memory_space<vmem>>, vector<1x16xf32>,
        %swap3A_200 = vector.shape_cast %swap3A_199 : vector<1x16xf32> to vector<16xf32>
        %swap3A_201 = vector.shape_cast %broadcast_in_dim3A_196 : vector<16xf32> to vector<1x16xf32>
        tpu.vector_store %arg10[%swap3A_197, %swap3A_198], %swap3A_201 {strides = array<i32>} : memref<32x128xf32, #tpu.memory_space<vmem>>, vector<1x16xf32>,
        %broadcast_in_dim3A_202 = arith.constant 0.000000e+00 : f32
        %broadcast_in_dim3A_203 = vector.broadcast %broadcast_in_dim3A_202 : f32 to vector<16xf32>
        %swap3A_204 = arith.index_cast %scan3A_182 : i32 to index
        %swap3A_205 = arith.constant 48 : index
        %swap3A_206 = tpu.vector_load %arg10[%swap3A_204, %swap3A_205] {strides = array<i32>} : memref<32x128xf32, #tpu.memory_space<vmem>>, vector<1x16xf32>,
        %swap3A_207 = vector.shape_cast %swap3A_206 : vector<1x16xf32> to vector<16xf32>
        %swap3A_208 = vector.shape_cast %broadcast_in_dim3A_203 : vector<16xf32> to vector<1x16xf32>
        tpu.vector_store %arg10[%swap3A_204, %swap3A_205], %swap3A_208 {strides = array<i32>} : memref<32x128xf32, #tpu.memory_space<vmem>>, vector<1x16xf32>,
        %broadcast_in_dim3A_209 = arith.constant 0.000000e+00 : f32
        %broadcast_in_dim3A_210 = vector.broadcast %broadcast_in_dim3A_209 : f32 to vector<16xf32>
        %swap3A_211 = arith.index_cast %scan3A_182 : i32 to index
        %swap3A_212 = arith.constant 64 : index
        %swap3A_213 = tpu.vector_load %arg10[%swap3A_211, %swap3A_212] {strides = array<i32>} : memref<32x128xf32, #tpu.memory_space<vmem>>, vector<1x16xf32>,
        %swap3A_214 = vector.shape_cast %swap3A_213 : vector<1x16xf32> to vector<16xf32>
        %swap3A_215 = vector.shape_cast %broadcast_in_dim3A_210 : vector<16xf32> to vector<1x16xf32>
        tpu.vector_store %arg10[%swap3A_211, %swap3A_212], %swap3A_215 {strides = array<i32>} : memref<32x128xf32, #tpu.memory_space<vmem>>, vector<1x16xf32>,
        %broadcast_in_dim3A_216 = arith.constant 0.000000e+00 : f32
        %broadcast_in_dim3A_217 = vector.broadcast %broadcast_in_dim3A_216 : f32 to vector<16xf32>
        %swap3A_218 = arith.index_cast %scan3A_182 : i32 to index
        %swap3A_219 = arith.constant 80 : index
        %swap3A_220 = tpu.vector_load %arg10[%swap3A_218, %swap3A_219] {strides = array<i32>} : memref<32x128xf32, #tpu.memory_space<vmem>>, vector<1x16xf32>,
        %swap3A_221 = vector.shape_cast %swap3A_220 : vector<1x16xf32> to vector<16xf32>
        %swap3A_222 = vector.shape_cast %broadcast_in_dim3A_217 : vector<16xf32> to vector<1x16xf32>
        tpu.vector_store %arg10[%swap3A_218, %swap3A_219], %swap3A_222 {strides = array<i32>} : memref<32x128xf32, #tpu.memory_space<vmem>>, vector<1x16xf32>,
        %broadcast_in_dim3A_223 = arith.constant 0.000000e+00 : f32
        %broadcast_in_dim3A_224 = vector.broadcast %broadcast_in_dim3A_223 : f32 to vector<16xf32>
        %swap3A_225 = arith.index_cast %scan3A_182 : i32 to index
        %swap3A_226 = arith.constant 96 : index
        %swap3A_227 = tpu.vector_load %arg10[%swap3A_225, %swap3A_226] {strides = array<i32>} : memref<32x128xf32, #tpu.memory_space<vmem>>, vector<1x16xf32>,
        %swap3A_228 = vector.shape_cast %swap3A_227 : vector<1x16xf32> to vector<16xf32>
        %swap3A_229 = vector.shape_cast %broadcast_in_dim3A_224 : vector<16xf32> to vector<1x16xf32>
        tpu.vector_store %arg10[%swap3A_225, %swap3A_226], %swap3A_229 {strides = array<i32>} : memref<32x128xf32, #tpu.memory_space<vmem>>, vector<1x16xf32>,
        %broadcast_in_dim3A_230 = arith.constant 0.000000e+00 : f32
        %broadcast_in_dim3A_231 = vector.broadcast %broadcast_in_dim3A_230 : f32 to vector<16xf32>
        %swap3A_232 = arith.index_cast %scan3A_182 : i32 to index
        %swap3A_233 = arith.constant 112 : index
        %swap3A_234 = tpu.vector_load %arg10[%swap3A_232, %swap3A_233] {strides = array<i32>} : memref<32x128xf32, #tpu.memory_space<vmem>>, vector<1x16xf32>,
        %swap3A_235 = vector.shape_cast %swap3A_234 : vector<1x16xf32> to vector<16xf32>
        %swap3A_236 = vector.shape_cast %broadcast_in_dim3A_231 : vector<16xf32> to vector<1x16xf32>
        tpu.vector_store %arg10[%swap3A_232, %swap3A_233], %swap3A_236 {strides = array<i32>} : memref<32x128xf32, #tpu.memory_space<vmem>>, vector<1x16xf32>,
      }
      %scan3A_101 = arith.constant 32 : i32
      %mul3A_102 = arith.constant 640 : i32
      %mul3A_103 = arith.muli %arg1, %mul3A_102 : i32
      %add3A_104 = arith.constant 0 : i32
      %add3A_105 = arith.addi %mul3A_103, %add3A_104 : i32
      "tpu.region"() ({
        %run_scoped3A = tpu.sem_alloc : memref<!tpu.dma_semaphore, #tpu.memory_space<semaphore_mem>>
        %dma_start3A_182 = arith.constant 0 : i32
        %dma_start3A_183 = tpu.memref_slice %arg11[%add3A_105, %dma_start3A_182] : memref<10240x128xf32, #tpu.memory_space<vmem_shared>> -> memref<32x128xf32, #tpu.memory_space<vmem_shared>>
        %dma_start3A_184 = arith.constant 0 : i32
        %dma_start3A_185 = tpu.memref_slice %arg11[%add3A_105, %dma_start3A_184] : memref<10240x128xf32, #tpu.memory_space<vmem_shared>> -> memref<32x128xf32, #tpu.memory_space<vmem_shared>>
        tpu.enqueue_dma source(%arg10 : memref<32x128xf32, #tpu.memory_space<vmem>>) target(%dma_start3A_185 : memref<32x128xf32, #tpu.memory_space<vmem_shared>>) target_semaphore(%run_scoped3A : memref<!tpu.dma_semaphore, #tpu.memory_space<semaphore_mem>>)
        %dma_wait3A_186 = arith.constant 0 : i32
        %dma_wait3A_187 = tpu.memref_slice %arg11[%add3A_105, %dma_wait3A_186] : memref<10240x128xf32, #tpu.memory_space<vmem_shared>> -> memref<32x128xf32, #tpu.memory_space<vmem_shared>>
        %dma_wait3A_188 = arith.constant 0 : i32
        %dma_wait3A_189 = tpu.memref_slice %arg11[%add3A_105, %dma_wait3A_188] : memref<10240x128xf32, #tpu.memory_space<vmem_shared>> -> memref<32x128xf32, #tpu.memory_space<vmem_shared>>
        tpu.wait_dma2 semaphore(%run_scoped3A : memref<!tpu.dma_semaphore, #tpu.memory_space<semaphore_mem>>) src(%arg10 : memref<32x128xf32, #tpu.memory_space<vmem>>) dst(%dma_wait3A_189 : memref<32x128xf32, #tpu.memory_space<vmem_shared>>)
        tpu.yield
      }) : () -> ()
      %mul3A_106 = arith.constant 640 : i32
      %mul3A_107 = arith.muli %arg1, %mul3A_106 : i32
      %add3A_108 = arith.constant 32 : i32
      %add3A_109 = arith.addi %mul3A_107, %add3A_108 : i32
      "tpu.region"() ({
        %run_scoped3A = tpu.sem_alloc : memref<!tpu.dma_semaphore, #tpu.memory_space<semaphore_mem>>
        %dma_start3A_182 = arith.constant 0 : i32
        %dma_start3A_183 = tpu.memref_slice %arg11[%add3A_109, %dma_start3A_182] : memref<10240x128xf32, #tpu.memory_space<vmem_shared>> -> memref<32x128xf32, #tpu.memory_space<vmem_shared>>
        %dma_start3A_184 = arith.constant 0 : i32
        %dma_start3A_185 = tpu.memref_slice %arg11[%add3A_109, %dma_start3A_184] : memref<10240x128xf32, #tpu.memory_space<vmem_shared>> -> memref<32x128xf32, #tpu.memory_space<vmem_shared>>
        tpu.enqueue_dma source(%arg10 : memref<32x128xf32, #tpu.memory_space<vmem>>) target(%dma_start3A_185 : memref<32x128xf32, #tpu.memory_space<vmem_shared>>) target_semaphore(%run_scoped3A : memref<!tpu.dma_semaphore, #tpu.memory_space<semaphore_mem>>)
        %dma_wait3A_186 = arith.constant 0 : i32
        %dma_wait3A_187 = tpu.memref_slice %arg11[%add3A_109, %dma_wait3A_186] : memref<10240x128xf32, #tpu.memory_space<vmem_shared>> -> memref<32x128xf32, #tpu.memory_space<vmem_shared>>
        %dma_wait3A_188 = arith.constant 0 : i32
        %dma_wait3A_189 = tpu.memref_slice %arg11[%add3A_109, %dma_wait3A_188] : memref<10240x128xf32, #tpu.memory_space<vmem_shared>> -> memref<32x128xf32, #tpu.memory_space<vmem_shared>>
        tpu.wait_dma2 semaphore(%run_scoped3A : memref<!tpu.dma_semaphore, #tpu.memory_space<semaphore_mem>>) src(%arg10 : memref<32x128xf32, #tpu.memory_space<vmem>>) dst(%dma_wait3A_189 : memref<32x128xf32, #tpu.memory_space<vmem_shared>>)
        tpu.yield
      }) : () -> ()
      %mul3A_110 = arith.constant 640 : i32
      %mul3A_111 = arith.muli %arg1, %mul3A_110 : i32
      %add3A_112 = arith.constant 64 : i32
      %add3A_113 = arith.addi %mul3A_111, %add3A_112 : i32
      "tpu.region"() ({
        %run_scoped3A = tpu.sem_alloc : memref<!tpu.dma_semaphore, #tpu.memory_space<semaphore_mem>>
        %dma_start3A_182 = arith.constant 0 : i32
        %dma_start3A_183 = tpu.memref_slice %arg11[%add3A_113, %dma_start3A_182] : memref<10240x128xf32, #tpu.memory_space<vmem_shared>> -> memref<32x128xf32, #tpu.memory_space<vmem_shared>>
        %dma_start3A_184 = arith.constant 0 : i32
        %dma_start3A_185 = tpu.memref_slice %arg11[%add3A_113, %dma_start3A_184] : memref<10240x128xf32, #tpu.memory_space<vmem_shared>> -> memref<32x128xf32, #tpu.memory_space<vmem_shared>>
        tpu.enqueue_dma source(%arg10 : memref<32x128xf32, #tpu.memory_space<vmem>>) target(%dma_start3A_185 : memref<32x128xf32, #tpu.memory_space<vmem_shared>>) target_semaphore(%run_scoped3A : memref<!tpu.dma_semaphore, #tpu.memory_space<semaphore_mem>>)
        %dma_wait3A_186 = arith.constant 0 : i32
        %dma_wait3A_187 = tpu.memref_slice %arg11[%add3A_113, %dma_wait3A_186] : memref<10240x128xf32, #tpu.memory_space<vmem_shared>> -> memref<32x128xf32, #tpu.memory_space<vmem_shared>>
        %dma_wait3A_188 = arith.constant 0 : i32
        %dma_wait3A_189 = tpu.memref_slice %arg11[%add3A_113, %dma_wait3A_188] : memref<10240x128xf32, #tpu.memory_space<vmem_shared>> -> memref<32x128xf32, #tpu.memory_space<vmem_shared>>
        tpu.wait_dma2 semaphore(%run_scoped3A : memref<!tpu.dma_semaphore, #tpu.memory_space<semaphore_mem>>) src(%arg10 : memref<32x128xf32, #tpu.memory_space<vmem>>) dst(%dma_wait3A_189 : memref<32x128xf32, #tpu.memory_space<vmem_shared>>)
        tpu.yield
      }) : () -> ()
      %mul3A_114 = arith.constant 640 : i32
      %mul3A_115 = arith.muli %arg1, %mul3A_114 : i32
      %add3A_116 = arith.constant 96 : i32
      %add3A_117 = arith.addi %mul3A_115, %add3A_116 : i32
      "tpu.region"() ({
        %run_scoped3A = tpu.sem_alloc : memref<!tpu.dma_semaphore, #tpu.memory_space<semaphore_mem>>
        %dma_start3A_182 = arith.constant 0 : i32
        %dma_start3A_183 = tpu.memref_slice %arg11[%add3A_117, %dma_start3A_182] : memref<10240x128xf32, #tpu.memory_space<vmem_shared>> -> memref<32x128xf32, #tpu.memory_space<vmem_shared>>
        %dma_start3A_184 = arith.constant 0 : i32
        %dma_start3A_185 = tpu.memref_slice %arg11[%add3A_117, %dma_start3A_184] : memref<10240x128xf32, #tpu.memory_space<vmem_shared>> -> memref<32x128xf32, #tpu.memory_space<vmem_shared>>
        tpu.enqueue_dma source(%arg10 : memref<32x128xf32, #tpu.memory_space<vmem>>) target(%dma_start3A_185 : memref<32x128xf32, #tpu.memory_space<vmem_shared>>) target_semaphore(%run_scoped3A : memref<!tpu.dma_semaphore, #tpu.memory_space<semaphore_mem>>)
        %dma_wait3A_186 = arith.constant 0 : i32
        %dma_wait3A_187 = tpu.memref_slice %arg11[%add3A_117, %dma_wait3A_186] : memref<10240x128xf32, #tpu.memory_space<vmem_shared>> -> memref<32x128xf32, #tpu.memory_space<vmem_shared>>
        %dma_wait3A_188 = arith.constant 0 : i32
        %dma_wait3A_189 = tpu.memref_slice %arg11[%add3A_117, %dma_wait3A_188] : memref<10240x128xf32, #tpu.memory_space<vmem_shared>> -> memref<32x128xf32, #tpu.memory_space<vmem_shared>>
        tpu.wait_dma2 semaphore(%run_scoped3A : memref<!tpu.dma_semaphore, #tpu.memory_space<semaphore_mem>>) src(%arg10 : memref<32x128xf32, #tpu.memory_space<vmem>>) dst(%dma_wait3A_189 : memref<32x128xf32, #tpu.memory_space<vmem_shared>>)
        tpu.yield
      }) : () -> ()
      %mul3A_118 = arith.constant 640 : i32
      %mul3A_119 = arith.muli %arg1, %mul3A_118 : i32
      %add3A_120 = arith.constant 128 : i32
      %add3A_121 = arith.addi %mul3A_119, %add3A_120 : i32
      "tpu.region"() ({
        %run_scoped3A = tpu.sem_alloc : memref<!tpu.dma_semaphore, #tpu.memory_space<semaphore_mem>>
        %dma_start3A_182 = arith.constant 0 : i32
        %dma_start3A_183 = tpu.memref_slice %arg11[%add3A_121, %dma_start3A_182] : memref<10240x128xf32, #tpu.memory_space<vmem_shared>> -> memref<32x128xf32, #tpu.memory_space<vmem_shared>>
        %dma_start3A_184 = arith.constant 0 : i32
        %dma_start3A_185 = tpu.memref_slice %arg11[%add3A_121, %dma_start3A_184] : memref<10240x128xf32, #tpu.memory_space<vmem_shared>> -> memref<32x128xf32, #tpu.memory_space<vmem_shared>>
        tpu.enqueue_dma source(%arg10 : memref<32x128xf32, #tpu.memory_space<vmem>>) target(%dma_start3A_185 : memref<32x128xf32, #tpu.memory_space<vmem_shared>>) target_semaphore(%run_scoped3A : memref<!tpu.dma_semaphore, #tpu.memory_space<semaphore_mem>>)
        %dma_wait3A_186 = arith.constant 0 : i32
        %dma_wait3A_187 = tpu.memref_slice %arg11[%add3A_121, %dma_wait3A_186] : memref<10240x128xf32, #tpu.memory_space<vmem_shared>> -> memref<32x128xf32, #tpu.memory_space<vmem_shared>>
        %dma_wait3A_188 = arith.constant 0 : i32
        %dma_wait3A_189 = tpu.memref_slice %arg11[%add3A_121, %dma_wait3A_188] : memref<10240x128xf32, #tpu.memory_space<vmem_shared>> -> memref<32x128xf32, #tpu.memory_space<vmem_shared>>
        tpu.wait_dma2 semaphore(%run_scoped3A : memref<!tpu.dma_semaphore, #tpu.memory_space<semaphore_mem>>) src(%arg10 : memref<32x128xf32, #tpu.memory_space<vmem>>) dst(%dma_wait3A_189 : memref<32x128xf32, #tpu.memory_space<vmem_shared>>)
        tpu.yield
      }) : () -> ()
      %mul3A_122 = arith.constant 640 : i32
      %mul3A_123 = arith.muli %arg1, %mul3A_122 : i32
      %add3A_124 = arith.constant 160 : i32
      %add3A_125 = arith.addi %mul3A_123, %add3A_124 : i32
      "tpu.region"() ({
        %run_scoped3A = tpu.sem_alloc : memref<!tpu.dma_semaphore, #tpu.memory_space<semaphore_mem>>
        %dma_start3A_182 = arith.constant 0 : i32
        %dma_start3A_183 = tpu.memref_slice %arg11[%add3A_125, %dma_start3A_182] : memref<10240x128xf32, #tpu.memory_space<vmem_shared>> -> memref<32x128xf32, #tpu.memory_space<vmem_shared>>
        %dma_start3A_184 = arith.constant 0 : i32
        %dma_start3A_185 = tpu.memref_slice %arg11[%add3A_125, %dma_start3A_184] : memref<10240x128xf32, #tpu.memory_space<vmem_shared>> -> memref<32x128xf32, #tpu.memory_space<vmem_shared>>
        tpu.enqueue_dma source(%arg10 : memref<32x128xf32, #tpu.memory_space<vmem>>) target(%dma_start3A_185 : memref<32x128xf32, #tpu.memory_space<vmem_shared>>) target_semaphore(%run_scoped3A : memref<!tpu.dma_semaphore, #tpu.memory_space<semaphore_mem>>)
        %dma_wait3A_186 = arith.constant 0 : i32
        %dma_wait3A_187 = tpu.memref_slice %arg11[%add3A_125, %dma_wait3A_186] : memref<10240x128xf32, #tpu.memory_space<vmem_shared>> -> memref<32x128xf32, #tpu.memory_space<vmem_shared>>
        %dma_wait3A_188 = arith.constant 0 : i32
        %dma_wait3A_189 = tpu.memref_slice %arg11[%add3A_125, %dma_wait3A_188] : memref<10240x128xf32, #tpu.memory_space<vmem_shared>> -> memref<32x128xf32, #tpu.memory_space<vmem_shared>>
        tpu.wait_dma2 semaphore(%run_scoped3A : memref<!tpu.dma_semaphore, #tpu.memory_space<semaphore_mem>>) src(%arg10 : memref<32x128xf32, #tpu.memory_space<vmem>>) dst(%dma_wait3A_189 : memref<32x128xf32, #tpu.memory_space<vmem_shared>>)
        tpu.yield
      }) : () -> ()
      %mul3A_126 = arith.constant 640 : i32
      %mul3A_127 = arith.muli %arg1, %mul3A_126 : i32
      %add3A_128 = arith.constant 192 : i32
      %add3A_129 = arith.addi %mul3A_127, %add3A_128 : i32
      "tpu.region"() ({
        %run_scoped3A = tpu.sem_alloc : memref<!tpu.dma_semaphore, #tpu.memory_space<semaphore_mem>>
        %dma_start3A_182 = arith.constant 0 : i32
        %dma_start3A_183 = tpu.memref_slice %arg11[%add3A_129, %dma_start3A_182] : memref<10240x128xf32, #tpu.memory_space<vmem_shared>> -> memref<32x128xf32, #tpu.memory_space<vmem_shared>>
        %dma_start3A_184 = arith.constant 0 : i32
        %dma_start3A_185 = tpu.memref_slice %arg11[%add3A_129, %dma_start3A_184] : memref<10240x128xf32, #tpu.memory_space<vmem_shared>> -> memref<32x128xf32, #tpu.memory_space<vmem_shared>>
        tpu.enqueue_dma source(%arg10 : memref<32x128xf32, #tpu.memory_space<vmem>>) target(%dma_start3A_185 : memref<32x128xf32, #tpu.memory_space<vmem_shared>>) target_semaphore(%run_scoped3A : memref<!tpu.dma_semaphore, #tpu.memory_space<semaphore_mem>>)
        %dma_wait3A_186 = arith.constant 0 : i32
        %dma_wait3A_187 = tpu.memref_slice %arg11[%add3A_129, %dma_wait3A_186] : memref<10240x128xf32, #tpu.memory_space<vmem_shared>> -> memref<32x128xf32, #tpu.memory_space<vmem_shared>>
        %dma_wait3A_188 = arith.constant 0 : i32
        %dma_wait3A_189 = tpu.memref_slice %arg11[%add3A_129, %dma_wait3A_188] : memref<10240x128xf32, #tpu.memory_space<vmem_shared>> -> memref<32x128xf32, #tpu.memory_space<vmem_shared>>
        tpu.wait_dma2 semaphore(%run_scoped3A : memref<!tpu.dma_semaphore, #tpu.memory_space<semaphore_mem>>) src(%arg10 : memref<32x128xf32, #tpu.memory_space<vmem>>) dst(%dma_wait3A_189 : memref<32x128xf32, #tpu.memory_space<vmem_shared>>)
        tpu.yield
      }) : () -> ()
      %mul3A_130 = arith.constant 640 : i32
      %mul3A_131 = arith.muli %arg1, %mul3A_130 : i32
      %add3A_132 = arith.constant 224 : i32
      %add3A_133 = arith.addi %mul3A_131, %add3A_132 : i32
      "tpu.region"() ({
        %run_scoped3A = tpu.sem_alloc : memref<!tpu.dma_semaphore, #tpu.memory_space<semaphore_mem>>
        %dma_start3A_182 = arith.constant 0 : i32
        %dma_start3A_183 = tpu.memref_slice %arg11[%add3A_133, %dma_start3A_182] : memref<10240x128xf32, #tpu.memory_space<vmem_shared>> -> memref<32x128xf32, #tpu.memory_space<vmem_shared>>
        %dma_start3A_184 = arith.constant 0 : i32
        %dma_start3A_185 = tpu.memref_slice %arg11[%add3A_133, %dma_start3A_184] : memref<10240x128xf32, #tpu.memory_space<vmem_shared>> -> memref<32x128xf32, #tpu.memory_space<vmem_shared>>
        tpu.enqueue_dma source(%arg10 : memref<32x128xf32, #tpu.memory_space<vmem>>) target(%dma_start3A_185 : memref<32x128xf32, #tpu.memory_space<vmem_shared>>) target_semaphore(%run_scoped3A : memref<!tpu.dma_semaphore, #tpu.memory_space<semaphore_mem>>)
        %dma_wait3A_186 = arith.constant 0 : i32
        %dma_wait3A_187 = tpu.memref_slice %arg11[%add3A_133, %dma_wait3A_186] : memref<10240x128xf32, #tpu.memory_space<vmem_shared>> -> memref<32x128xf32, #tpu.memory_space<vmem_shared>>
        %dma_wait3A_188 = arith.constant 0 : i32
        %dma_wait3A_189 = tpu.memref_slice %arg11[%add3A_133, %dma_wait3A_188] : memref<10240x128xf32, #tpu.memory_space<vmem_shared>> -> memref<32x128xf32, #tpu.memory_space<vmem_shared>>
        tpu.wait_dma2 semaphore(%run_scoped3A : memref<!tpu.dma_semaphore, #tpu.memory_space<semaphore_mem>>) src(%arg10 : memref<32x128xf32, #tpu.memory_space<vmem>>) dst(%dma_wait3A_189 : memref<32x128xf32, #tpu.memory_space<vmem_shared>>)
        tpu.yield
      }) : () -> ()
      %mul3A_134 = arith.constant 640 : i32
      %mul3A_135 = arith.muli %arg1, %mul3A_134 : i32
      %add3A_136 = arith.constant 256 : i32
      %add3A_137 = arith.addi %mul3A_135, %add3A_136 : i32
      "tpu.region"() ({
        %run_scoped3A = tpu.sem_alloc : memref<!tpu.dma_semaphore, #tpu.memory_space<semaphore_mem>>
        %dma_start3A_182 = arith.constant 0 : i32
        %dma_start3A_183 = tpu.memref_slice %arg11[%add3A_137, %dma_start3A_182] : memref<10240x128xf32, #tpu.memory_space<vmem_shared>> -> memref<32x128xf32, #tpu.memory_space<vmem_shared>>
        %dma_start3A_184 = arith.constant 0 : i32
        %dma_start3A_185 = tpu.memref_slice %arg11[%add3A_137, %dma_start3A_184] : memref<10240x128xf32, #tpu.memory_space<vmem_shared>> -> memref<32x128xf32, #tpu.memory_space<vmem_shared>>
        tpu.enqueue_dma source(%arg10 : memref<32x128xf32, #tpu.memory_space<vmem>>) target(%dma_start3A_185 : memref<32x128xf32, #tpu.memory_space<vmem_shared>>) target_semaphore(%run_scoped3A : memref<!tpu.dma_semaphore, #tpu.memory_space<semaphore_mem>>)
        %dma_wait3A_186 = arith.constant 0 : i32
        %dma_wait3A_187 = tpu.memref_slice %arg11[%add3A_137, %dma_wait3A_186] : memref<10240x128xf32, #tpu.memory_space<vmem_shared>> -> memref<32x128xf32, #tpu.memory_space<vmem_shared>>
        %dma_wait3A_188 = arith.constant 0 : i32
        %dma_wait3A_189 = tpu.memref_slice %arg11[%add3A_137, %dma_wait3A_188] : memref<10240x128xf32, #tpu.memory_space<vmem_shared>> -> memref<32x128xf32, #tpu.memory_space<vmem_shared>>
        tpu.wait_dma2 semaphore(%run_scoped3A : memref<!tpu.dma_semaphore, #tpu.memory_space<semaphore_mem>>) src(%arg10 : memref<32x128xf32, #tpu.memory_space<vmem>>) dst(%dma_wait3A_189 : memref<32x128xf32, #tpu.memory_space<vmem_shared>>)
        tpu.yield
      }) : () -> ()
      %mul3A_138 = arith.constant 640 : i32
      %mul3A_139 = arith.muli %arg1, %mul3A_138 : i32
      %add3A_140 = arith.constant 288 : i32
      %add3A_141 = arith.addi %mul3A_139, %add3A_140 : i32
      "tpu.region"() ({
        %run_scoped3A = tpu.sem_alloc : memref<!tpu.dma_semaphore, #tpu.memory_space<semaphore_mem>>
        %dma_start3A_182 = arith.constant 0 : i32
        %dma_start3A_183 = tpu.memref_slice %arg11[%add3A_141, %dma_start3A_182] : memref<10240x128xf32, #tpu.memory_space<vmem_shared>> -> memref<32x128xf32, #tpu.memory_space<vmem_shared>>
        %dma_start3A_184 = arith.constant 0 : i32
        %dma_start3A_185 = tpu.memref_slice %arg11[%add3A_141, %dma_start3A_184] : memref<10240x128xf32, #tpu.memory_space<vmem_shared>> -> memref<32x128xf32, #tpu.memory_space<vmem_shared>>
        tpu.enqueue_dma source(%arg10 : memref<32x128xf32, #tpu.memory_space<vmem>>) target(%dma_start3A_185 : memref<32x128xf32, #tpu.memory_space<vmem_shared>>) target_semaphore(%run_scoped3A : memref<!tpu.dma_semaphore, #tpu.memory_space<semaphore_mem>>)
        %dma_wait3A_186 = arith.constant 0 : i32
        %dma_wait3A_187 = tpu.memref_slice %arg11[%add3A_141, %dma_wait3A_186] : memref<10240x128xf32, #tpu.memory_space<vmem_shared>> -> memref<32x128xf32, #tpu.memory_space<vmem_shared>>
        %dma_wait3A_188 = arith.constant 0 : i32
        %dma_wait3A_189 = tpu.memref_slice %arg11[%add3A_141, %dma_wait3A_188] : memref<10240x128xf32, #tpu.memory_space<vmem_shared>> -> memref<32x128xf32, #tpu.memory_space<vmem_shared>>
        tpu.wait_dma2 semaphore(%run_scoped3A : memref<!tpu.dma_semaphore, #tpu.memory_space<semaphore_mem>>) src(%arg10 : memref<32x128xf32, #tpu.memory_space<vmem>>) dst(%dma_wait3A_189 : memref<32x128xf32, #tpu.memory_space<vmem_shared>>)
        tpu.yield
      }) : () -> ()
      %mul3A_142 = arith.constant 640 : i32
      %mul3A_143 = arith.muli %arg1, %mul3A_142 : i32
      %add3A_144 = arith.constant 320 : i32
      %add3A_145 = arith.addi %mul3A_143, %add3A_144 : i32
      "tpu.region"() ({
        %run_scoped3A = tpu.sem_alloc : memref<!tpu.dma_semaphore, #tpu.memory_space<semaphore_mem>>
        %dma_start3A_182 = arith.constant 0 : i32
        %dma_start3A_183 = tpu.memref_slice %arg11[%add3A_145, %dma_start3A_182] : memref<10240x128xf32, #tpu.memory_space<vmem_shared>> -> memref<32x128xf32, #tpu.memory_space<vmem_shared>>
        %dma_start3A_184 = arith.constant 0 : i32
        %dma_start3A_185 = tpu.memref_slice %arg11[%add3A_145, %dma_start3A_184] : memref<10240x128xf32, #tpu.memory_space<vmem_shared>> -> memref<32x128xf32, #tpu.memory_space<vmem_shared>>
        tpu.enqueue_dma source(%arg10 : memref<32x128xf32, #tpu.memory_space<vmem>>) target(%dma_start3A_185 : memref<32x128xf32, #tpu.memory_space<vmem_shared>>) target_semaphore(%run_scoped3A : memref<!tpu.dma_semaphore, #tpu.memory_space<semaphore_mem>>)
        %dma_wait3A_186 = arith.constant 0 : i32
        %dma_wait3A_187 = tpu.memref_slice %arg11[%add3A_145, %dma_wait3A_186] : memref<10240x128xf32, #tpu.memory_space<vmem_shared>> -> memref<32x128xf32, #tpu.memory_space<vmem_shared>>
        %dma_wait3A_188 = arith.constant 0 : i32
        %dma_wait3A_189 = tpu.memref_slice %arg11[%add3A_145, %dma_wait3A_188] : memref<10240x128xf32, #tpu.memory_space<vmem_shared>> -> memref<32x128xf32, #tpu.memory_space<vmem_shared>>
        tpu.wait_dma2 semaphore(%run_scoped3A : memref<!tpu.dma_semaphore, #tpu.memory_space<semaphore_mem>>) src(%arg10 : memref<32x128xf32, #tpu.memory_space<vmem>>) dst(%dma_wait3A_189 : memref<32x128xf32, #tpu.memory_space<vmem_shared>>)
        tpu.yield
      }) : () -> ()
      %mul3A_146 = arith.constant 640 : i32
      %mul3A_147 = arith.muli %arg1, %mul3A_146 : i32
      %add3A_148 = arith.constant 352 : i32
      %add3A_149 = arith.addi %mul3A_147, %add3A_148 : i32
      "tpu.region"() ({
        %run_scoped3A = tpu.sem_alloc : memref<!tpu.dma_semaphore, #tpu.memory_space<semaphore_mem>>
        %dma_start3A_182 = arith.constant 0 : i32
        %dma_start3A_183 = tpu.memref_slice %arg11[%add3A_149, %dma_start3A_182] : memref<10240x128xf32, #tpu.memory_space<vmem_shared>> -> memref<32x128xf32, #tpu.memory_space<vmem_shared>>
        %dma_start3A_184 = arith.constant 0 : i32
        %dma_start3A_185 = tpu.memref_slice %arg11[%add3A_149, %dma_start3A_184] : memref<10240x128xf32, #tpu.memory_space<vmem_shared>> -> memref<32x128xf32, #tpu.memory_space<vmem_shared>>
        tpu.enqueue_dma source(%arg10 : memref<32x128xf32, #tpu.memory_space<vmem>>) target(%dma_start3A_185 : memref<32x128xf32, #tpu.memory_space<vmem_shared>>) target_semaphore(%run_scoped3A : memref<!tpu.dma_semaphore, #tpu.memory_space<semaphore_mem>>)
        %dma_wait3A_186 = arith.constant 0 : i32
        %dma_wait3A_187 = tpu.memref_slice %arg11[%add3A_149, %dma_wait3A_186] : memref<10240x128xf32, #tpu.memory_space<vmem_shared>> -> memref<32x128xf32, #tpu.memory_space<vmem_shared>>
        %dma_wait3A_188 = arith.constant 0 : i32
        %dma_wait3A_189 = tpu.memref_slice %arg11[%add3A_149, %dma_wait3A_188] : memref<10240x128xf32, #tpu.memory_space<vmem_shared>> -> memref<32x128xf32, #tpu.memory_space<vmem_shared>>
        tpu.wait_dma2 semaphore(%run_scoped3A : memref<!tpu.dma_semaphore, #tpu.memory_space<semaphore_mem>>) src(%arg10 : memref<32x128xf32, #tpu.memory_space<vmem>>) dst(%dma_wait3A_189 : memref<32x128xf32, #tpu.memory_space<vmem_shared>>)
        tpu.yield
      }) : () -> ()
      %mul3A_150 = arith.constant 640 : i32
      %mul3A_151 = arith.muli %arg1, %mul3A_150 : i32
      %add3A_152 = arith.constant 384 : i32
      %add3A_153 = arith.addi %mul3A_151, %add3A_152 : i32
      "tpu.region"() ({
        %run_scoped3A = tpu.sem_alloc : memref<!tpu.dma_semaphore, #tpu.memory_space<semaphore_mem>>
        %dma_start3A_182 = arith.constant 0 : i32
        %dma_start3A_183 = tpu.memref_slice %arg11[%add3A_153, %dma_start3A_182] : memref<10240x128xf32, #tpu.memory_space<vmem_shared>> -> memref<32x128xf32, #tpu.memory_space<vmem_shared>>
        %dma_start3A_184 = arith.constant 0 : i32
        %dma_start3A_185 = tpu.memref_slice %arg11[%add3A_153, %dma_start3A_184] : memref<10240x128xf32, #tpu.memory_space<vmem_shared>> -> memref<32x128xf32, #tpu.memory_space<vmem_shared>>
        tpu.enqueue_dma source(%arg10 : memref<32x128xf32, #tpu.memory_space<vmem>>) target(%dma_start3A_185 : memref<32x128xf32, #tpu.memory_space<vmem_shared>>) target_semaphore(%run_scoped3A : memref<!tpu.dma_semaphore, #tpu.memory_space<semaphore_mem>>)
        %dma_wait3A_186 = arith.constant 0 : i32
        %dma_wait3A_187 = tpu.memref_slice %arg11[%add3A_153, %dma_wait3A_186] : memref<10240x128xf32, #tpu.memory_space<vmem_shared>> -> memref<32x128xf32, #tpu.memory_space<vmem_shared>>
        %dma_wait3A_188 = arith.constant 0 : i32
        %dma_wait3A_189 = tpu.memref_slice %arg11[%add3A_153, %dma_wait3A_188] : memref<10240x128xf32, #tpu.memory_space<vmem_shared>> -> memref<32x128xf32, #tpu.memory_space<vmem_shared>>
        tpu.wait_dma2 semaphore(%run_scoped3A : memref<!tpu.dma_semaphore, #tpu.memory_space<semaphore_mem>>) src(%arg10 : memref<32x128xf32, #tpu.memory_space<vmem>>) dst(%dma_wait3A_189 : memref<32x128xf32, #tpu.memory_space<vmem_shared>>)
        tpu.yield
      }) : () -> ()
      %mul3A_154 = arith.constant 640 : i32
      %mul3A_155 = arith.muli %arg1, %mul3A_154 : i32
      %add3A_156 = arith.constant 416 : i32
      %add3A_157 = arith.addi %mul3A_155, %add3A_156 : i32
      "tpu.region"() ({
        %run_scoped3A = tpu.sem_alloc : memref<!tpu.dma_semaphore, #tpu.memory_space<semaphore_mem>>
        %dma_start3A_182 = arith.constant 0 : i32
        %dma_start3A_183 = tpu.memref_slice %arg11[%add3A_157, %dma_start3A_182] : memref<10240x128xf32, #tpu.memory_space<vmem_shared>> -> memref<32x128xf32, #tpu.memory_space<vmem_shared>>
        %dma_start3A_184 = arith.constant 0 : i32
        %dma_start3A_185 = tpu.memref_slice %arg11[%add3A_157, %dma_start3A_184] : memref<10240x128xf32, #tpu.memory_space<vmem_shared>> -> memref<32x128xf32, #tpu.memory_space<vmem_shared>>
        tpu.enqueue_dma source(%arg10 : memref<32x128xf32, #tpu.memory_space<vmem>>) target(%dma_start3A_185 : memref<32x128xf32, #tpu.memory_space<vmem_shared>>) target_semaphore(%run_scoped3A : memref<!tpu.dma_semaphore, #tpu.memory_space<semaphore_mem>>)
        %dma_wait3A_186 = arith.constant 0 : i32
        %dma_wait3A_187 = tpu.memref_slice %arg11[%add3A_157, %dma_wait3A_186] : memref<10240x128xf32, #tpu.memory_space<vmem_shared>> -> memref<32x128xf32, #tpu.memory_space<vmem_shared>>
        %dma_wait3A_188 = arith.constant 0 : i32
        %dma_wait3A_189 = tpu.memref_slice %arg11[%add3A_157, %dma_wait3A_188] : memref<10240x128xf32, #tpu.memory_space<vmem_shared>> -> memref<32x128xf32, #tpu.memory_space<vmem_shared>>
        tpu.wait_dma2 semaphore(%run_scoped3A : memref<!tpu.dma_semaphore, #tpu.memory_space<semaphore_mem>>) src(%arg10 : memref<32x128xf32, #tpu.memory_space<vmem>>) dst(%dma_wait3A_189 : memref<32x128xf32, #tpu.memory_space<vmem_shared>>)
        tpu.yield
      }) : () -> ()
      %mul3A_158 = arith.constant 640 : i32
      %mul3A_159 = arith.muli %arg1, %mul3A_158 : i32
      %add3A_160 = arith.constant 448 : i32
      %add3A_161 = arith.addi %mul3A_159, %add3A_160 : i32
      "tpu.region"() ({
        %run_scoped3A = tpu.sem_alloc : memref<!tpu.dma_semaphore, #tpu.memory_space<semaphore_mem>>
        %dma_start3A_182 = arith.constant 0 : i32
        %dma_start3A_183 = tpu.memref_slice %arg11[%add3A_161, %dma_start3A_182] : memref<10240x128xf32, #tpu.memory_space<vmem_shared>> -> memref<32x128xf32, #tpu.memory_space<vmem_shared>>
        %dma_start3A_184 = arith.constant 0 : i32
        %dma_start3A_185 = tpu.memref_slice %arg11[%add3A_161, %dma_start3A_184] : memref<10240x128xf32, #tpu.memory_space<vmem_shared>> -> memref<32x128xf32, #tpu.memory_space<vmem_shared>>
        tpu.enqueue_dma source(%arg10 : memref<32x128xf32, #tpu.memory_space<vmem>>) target(%dma_start3A_185 : memref<32x128xf32, #tpu.memory_space<vmem_shared>>) target_semaphore(%run_scoped3A : memref<!tpu.dma_semaphore, #tpu.memory_space<semaphore_mem>>)
        %dma_wait3A_186 = arith.constant 0 : i32
        %dma_wait3A_187 = tpu.memref_slice %arg11[%add3A_161, %dma_wait3A_186] : memref<10240x128xf32, #tpu.memory_space<vmem_shared>> -> memref<32x128xf32, #tpu.memory_space<vmem_shared>>
        %dma_wait3A_188 = arith.constant 0 : i32
        %dma_wait3A_189 = tpu.memref_slice %arg11[%add3A_161, %dma_wait3A_188] : memref<10240x128xf32, #tpu.memory_space<vmem_shared>> -> memref<32x128xf32, #tpu.memory_space<vmem_shared>>
        tpu.wait_dma2 semaphore(%run_scoped3A : memref<!tpu.dma_semaphore, #tpu.memory_space<semaphore_mem>>) src(%arg10 : memref<32x128xf32, #tpu.memory_space<vmem>>) dst(%dma_wait3A_189 : memref<32x128xf32, #tpu.memory_space<vmem_shared>>)
        tpu.yield
      }) : () -> ()
      %mul3A_162 = arith.constant 640 : i32
      %mul3A_163 = arith.muli %arg1, %mul3A_162 : i32
      %add3A_164 = arith.constant 480 : i32
      %add3A_165 = arith.addi %mul3A_163, %add3A_164 : i32
      "tpu.region"() ({
        %run_scoped3A = tpu.sem_alloc : memref<!tpu.dma_semaphore, #tpu.memory_space<semaphore_mem>>
        %dma_start3A_182 = arith.constant 0 : i32
        %dma_start3A_183 = tpu.memref_slice %arg11[%add3A_165, %dma_start3A_182] : memref<10240x128xf32, #tpu.memory_space<vmem_shared>> -> memref<32x128xf32, #tpu.memory_space<vmem_shared>>
        %dma_start3A_184 = arith.constant 0 : i32
        %dma_start3A_185 = tpu.memref_slice %arg11[%add3A_165, %dma_start3A_184] : memref<10240x128xf32, #tpu.memory_space<vmem_shared>> -> memref<32x128xf32, #tpu.memory_space<vmem_shared>>
        tpu.enqueue_dma source(%arg10 : memref<32x128xf32, #tpu.memory_space<vmem>>) target(%dma_start3A_185 : memref<32x128xf32, #tpu.memory_space<vmem_shared>>) target_semaphore(%run_scoped3A : memref<!tpu.dma_semaphore, #tpu.memory_space<semaphore_mem>>)
        %dma_wait3A_186 = arith.constant 0 : i32
        %dma_wait3A_187 = tpu.memref_slice %arg11[%add3A_165, %dma_wait3A_186] : memref<10240x128xf32, #tpu.memory_space<vmem_shared>> -> memref<32x128xf32, #tpu.memory_space<vmem_shared>>
        %dma_wait3A_188 = arith.constant 0 : i32
        %dma_wait3A_189 = tpu.memref_slice %arg11[%add3A_165, %dma_wait3A_188] : memref<10240x128xf32, #tpu.memory_space<vmem_shared>> -> memref<32x128xf32, #tpu.memory_space<vmem_shared>>
        tpu.wait_dma2 semaphore(%run_scoped3A : memref<!tpu.dma_semaphore, #tpu.memory_space<semaphore_mem>>) src(%arg10 : memref<32x128xf32, #tpu.memory_space<vmem>>) dst(%dma_wait3A_189 : memref<32x128xf32, #tpu.memory_space<vmem_shared>>)
        tpu.yield
      }) : () -> ()
      %mul3A_166 = arith.constant 640 : i32
      %mul3A_167 = arith.muli %arg1, %mul3A_166 : i32
      %add3A_168 = arith.constant 512 : i32
      %add3A_169 = arith.addi %mul3A_167, %add3A_168 : i32
      "tpu.region"() ({
        %run_scoped3A = tpu.sem_alloc : memref<!tpu.dma_semaphore, #tpu.memory_space<semaphore_mem>>
        %dma_start3A_182 = arith.constant 0 : i32
        %dma_start3A_183 = tpu.memref_slice %arg11[%add3A_169, %dma_start3A_182] : memref<10240x128xf32, #tpu.memory_space<vmem_shared>> -> memref<32x128xf32, #tpu.memory_space<vmem_shared>>
        %dma_start3A_184 = arith.constant 0 : i32
        %dma_start3A_185 = tpu.memref_slice %arg11[%add3A_169, %dma_start3A_184] : memref<10240x128xf32, #tpu.memory_space<vmem_shared>> -> memref<32x128xf32, #tpu.memory_space<vmem_shared>>
        tpu.enqueue_dma source(%arg10 : memref<32x128xf32, #tpu.memory_space<vmem>>) target(%dma_start3A_185 : memref<32x128xf32, #tpu.memory_space<vmem_shared>>) target_semaphore(%run_scoped3A : memref<!tpu.dma_semaphore, #tpu.memory_space<semaphore_mem>>)
        %dma_wait3A_186 = arith.constant 0 : i32
        %dma_wait3A_187 = tpu.memref_slice %arg11[%add3A_169, %dma_wait3A_186] : memref<10240x128xf32, #tpu.memory_space<vmem_shared>> -> memref<32x128xf32, #tpu.memory_space<vmem_shared>>
        %dma_wait3A_188 = arith.constant 0 : i32
        %dma_wait3A_189 = tpu.memref_slice %arg11[%add3A_169, %dma_wait3A_188] : memref<10240x128xf32, #tpu.memory_space<vmem_shared>> -> memref<32x128xf32, #tpu.memory_space<vmem_shared>>
        tpu.wait_dma2 semaphore(%run_scoped3A : memref<!tpu.dma_semaphore, #tpu.memory_space<semaphore_mem>>) src(%arg10 : memref<32x128xf32, #tpu.memory_space<vmem>>) dst(%dma_wait3A_189 : memref<32x128xf32, #tpu.memory_space<vmem_shared>>)
        tpu.yield
      }) : () -> ()
      %mul3A_170 = arith.constant 640 : i32
      %mul3A_171 = arith.muli %arg1, %mul3A_170 : i32
      %add3A_172 = arith.constant 544 : i32
      %add3A_173 = arith.addi %mul3A_171, %add3A_172 : i32
      "tpu.region"() ({
        %run_scoped3A = tpu.sem_alloc : memref<!tpu.dma_semaphore, #tpu.memory_space<semaphore_mem>>
        %dma_start3A_182 = arith.constant 0 : i32
        %dma_start3A_183 = tpu.memref_slice %arg11[%add3A_173, %dma_start3A_182] : memref<10240x128xf32, #tpu.memory_space<vmem_shared>> -> memref<32x128xf32, #tpu.memory_space<vmem_shared>>
        %dma_start3A_184 = arith.constant 0 : i32
        %dma_start3A_185 = tpu.memref_slice %arg11[%add3A_173, %dma_start3A_184] : memref<10240x128xf32, #tpu.memory_space<vmem_shared>> -> memref<32x128xf32, #tpu.memory_space<vmem_shared>>
        tpu.enqueue_dma source(%arg10 : memref<32x128xf32, #tpu.memory_space<vmem>>) target(%dma_start3A_185 : memref<32x128xf32, #tpu.memory_space<vmem_shared>>) target_semaphore(%run_scoped3A : memref<!tpu.dma_semaphore, #tpu.memory_space<semaphore_mem>>)
        %dma_wait3A_186 = arith.constant 0 : i32
        %dma_wait3A_187 = tpu.memref_slice %arg11[%add3A_173, %dma_wait3A_186] : memref<10240x128xf32, #tpu.memory_space<vmem_shared>> -> memref<32x128xf32, #tpu.memory_space<vmem_shared>>
        %dma_wait3A_188 = arith.constant 0 : i32
        %dma_wait3A_189 = tpu.memref_slice %arg11[%add3A_173, %dma_wait3A_188] : memref<10240x128xf32, #tpu.memory_space<vmem_shared>> -> memref<32x128xf32, #tpu.memory_space<vmem_shared>>
        tpu.wait_dma2 semaphore(%run_scoped3A : memref<!tpu.dma_semaphore, #tpu.memory_space<semaphore_mem>>) src(%arg10 : memref<32x128xf32, #tpu.memory_space<vmem>>) dst(%dma_wait3A_189 : memref<32x128xf32, #tpu.memory_space<vmem_shared>>)
        tpu.yield
      }) : () -> ()
      %mul3A_174 = arith.constant 640 : i32
      %mul3A_175 = arith.muli %arg1, %mul3A_174 : i32
      %add3A_176 = arith.constant 576 : i32
      %add3A_177 = arith.addi %mul3A_175, %add3A_176 : i32
      "tpu.region"() ({
        %run_scoped3A = tpu.sem_alloc : memref<!tpu.dma_semaphore, #tpu.memory_space<semaphore_mem>>
        %dma_start3A_182 = arith.constant 0 : i32
        %dma_start3A_183 = tpu.memref_slice %arg11[%add3A_177, %dma_start3A_182] : memref<10240x128xf32, #tpu.memory_space<vmem_shared>> -> memref<32x128xf32, #tpu.memory_space<vmem_shared>>
        %dma_start3A_184 = arith.constant 0 : i32
        %dma_start3A_185 = tpu.memref_slice %arg11[%add3A_177, %dma_start3A_184] : memref<10240x128xf32, #tpu.memory_space<vmem_shared>> -> memref<32x128xf32, #tpu.memory_space<vmem_shared>>
        tpu.enqueue_dma source(%arg10 : memref<32x128xf32, #tpu.memory_space<vmem>>) target(%dma_start3A_185 : memref<32x128xf32, #tpu.memory_space<vmem_shared>>) target_semaphore(%run_scoped3A : memref<!tpu.dma_semaphore, #tpu.memory_space<semaphore_mem>>)
        %dma_wait3A_186 = arith.constant 0 : i32
        %dma_wait3A_187 = tpu.memref_slice %arg11[%add3A_177, %dma_wait3A_186] : memref<10240x128xf32, #tpu.memory_space<vmem_shared>> -> memref<32x128xf32, #tpu.memory_space<vmem_shared>>
        %dma_wait3A_188 = arith.constant 0 : i32
        %dma_wait3A_189 = tpu.memref_slice %arg11[%add3A_177, %dma_wait3A_188] : memref<10240x128xf32, #tpu.memory_space<vmem_shared>> -> memref<32x128xf32, #tpu.memory_space<vmem_shared>>
        tpu.wait_dma2 semaphore(%run_scoped3A : memref<!tpu.dma_semaphore, #tpu.memory_space<semaphore_mem>>) src(%arg10 : memref<32x128xf32, #tpu.memory_space<vmem>>) dst(%dma_wait3A_189 : memref<32x128xf32, #tpu.memory_space<vmem_shared>>)
        tpu.yield
      }) : () -> ()
      %mul3A_178 = arith.constant 640 : i32
      %mul3A_179 = arith.muli %arg1, %mul3A_178 : i32
      %add3A_180 = arith.constant 608 : i32
      %add3A_181 = arith.addi %mul3A_179, %add3A_180 : i32
      "tpu.region"() ({
        %run_scoped3A = tpu.sem_alloc : memref<!tpu.dma_semaphore, #tpu.memory_space<semaphore_mem>>
        %dma_start3A_182 = arith.constant 0 : i32
        %dma_start3A_183 = tpu.memref_slice %arg11[%add3A_181, %dma_start3A_182] : memref<10240x128xf32, #tpu.memory_space<vmem_shared>> -> memref<32x128xf32, #tpu.memory_space<vmem_shared>>
        %dma_start3A_184 = arith.constant 0 : i32
        %dma_start3A_185 = tpu.memref_slice %arg11[%add3A_181, %dma_start3A_184] : memref<10240x128xf32, #tpu.memory_space<vmem_shared>> -> memref<32x128xf32, #tpu.memory_space<vmem_shared>>
        tpu.enqueue_dma source(%arg10 : memref<32x128xf32, #tpu.memory_space<vmem>>) target(%dma_start3A_185 : memref<32x128xf32, #tpu.memory_space<vmem_shared>>) target_semaphore(%run_scoped3A : memref<!tpu.dma_semaphore, #tpu.memory_space<semaphore_mem>>)
        %dma_wait3A_186 = arith.constant 0 : i32
        %dma_wait3A_187 = tpu.memref_slice %arg11[%add3A_181, %dma_wait3A_186] : memref<10240x128xf32, #tpu.memory_space<vmem_shared>> -> memref<32x128xf32, #tpu.memory_space<vmem_shared>>
        %dma_wait3A_188 = arith.constant 0 : i32
        %dma_wait3A_189 = tpu.memref_slice %arg11[%add3A_181, %dma_wait3A_188] : memref<10240x128xf32, #tpu.memory_space<vmem_shared>> -> memref<32x128xf32, #tpu.memory_space<vmem_shared>>
        tpu.wait_dma2 semaphore(%run_scoped3A : memref<!tpu.dma_semaphore, #tpu.memory_space<semaphore_mem>>) src(%arg10 : memref<32x128xf32, #tpu.memory_space<vmem>>) dst(%dma_wait3A_189 : memref<32x128xf32, #tpu.memory_space<vmem_shared>>)
        tpu.yield
      }) : () -> ()
    } else {
    }
    %barrier3A = arith.constant 0 : index
    tpu.barrier barrier_id(%barrier3A)
    %mul3A_17 = arith.constant 80 : i32
    %mul3A_18 = arith.muli %add3A, %mul3A_17 : i32
    %add3A_19 = arith.constant 0 : i32
    %add3A_20 = arith.addi %mul3A_18, %add3A_19 : i32
    %dma_start3A = arith.constant 0 : i32
    %dma_start3A_21 = tpu.memref_slice %arg2[%add3A_20, %dma_start3A] : memref<2560x125xi32, #tpu.memory_space<hbm>> -> memref<40x125xi32, #tpu.memory_space<hbm>>
    %dma_start3A_22 = arith.constant 0 : i32
    %dma_start3A_23 = tpu.memref_slice %arg2[%add3A_20, %dma_start3A_22] : memref<2560x125xi32, #tpu.memory_space<hbm>> -> memref<40x125xi32, #tpu.memory_space<hbm>>
    tpu.enqueue_dma source(%dma_start3A_23 : memref<40x125xi32, #tpu.memory_space<hbm>>) target(%arg6 : memref<40x125xi32, #tpu.memory_space<vmem>>) target_semaphore(%arg14 : memref<!tpu.dma_semaphore, #tpu.memory_space<semaphore_mem>>)
    %dma_wait3A = arith.constant 0 : i32
    %dma_wait3A_24 = tpu.memref_slice %arg2[%add3A_20, %dma_wait3A] : memref<2560x125xi32, #tpu.memory_space<hbm>> -> memref<40x125xi32, #tpu.memory_space<hbm>>
    %dma_wait3A_25 = arith.constant 0 : i32
    %dma_wait3A_26 = tpu.memref_slice %arg2[%add3A_20, %dma_wait3A_25] : memref<2560x125xi32, #tpu.memory_space<hbm>> -> memref<40x125xi32, #tpu.memory_space<hbm>>
    tpu.wait_dma2 semaphore(%arg14 : memref<!tpu.dma_semaphore, #tpu.memory_space<semaphore_mem>>) src(%dma_wait3A_26 : memref<40x125xi32, #tpu.memory_space<hbm>>) dst(%arg6 : memref<40x125xi32, #tpu.memory_space<vmem>>)
    %mul3A_27 = arith.constant 80 : i32
    %mul3A_28 = arith.muli %add3A, %mul3A_27 : i32
    %add3A_29 = arith.constant 0 : i32
    %add3A_30 = arith.addi %mul3A_28, %add3A_29 : i32
    %dma_start3A_31 = arith.constant 0 : i32
    %dma_start3A_32 = tpu.memref_slice %arg3[%add3A_30, %dma_start3A_31] : memref<2560x125xi32, #tpu.memory_space<hbm>> -> memref<40x125xi32, #tpu.memory_space<hbm>>
    %dma_start3A_33 = arith.constant 0 : i32
    %dma_start3A_34 = tpu.memref_slice %arg3[%add3A_30, %dma_start3A_33] : memref<2560x125xi32, #tpu.memory_space<hbm>> -> memref<40x125xi32, #tpu.memory_space<hbm>>
    tpu.enqueue_dma source(%dma_start3A_34 : memref<40x125xi32, #tpu.memory_space<hbm>>) target(%arg7 : memref<40x125xi32, #tpu.memory_space<vmem>>) target_semaphore(%arg14 : memref<!tpu.dma_semaphore, #tpu.memory_space<semaphore_mem>>)
    %dma_wait3A_35 = arith.constant 0 : i32
    %dma_wait3A_36 = tpu.memref_slice %arg3[%add3A_30, %dma_wait3A_35] : memref<2560x125xi32, #tpu.memory_space<hbm>> -> memref<40x125xi32, #tpu.memory_space<hbm>>
    %dma_wait3A_37 = arith.constant 0 : i32
    %dma_wait3A_38 = tpu.memref_slice %arg3[%add3A_30, %dma_wait3A_37] : memref<2560x125xi32, #tpu.memory_space<hbm>> -> memref<40x125xi32, #tpu.memory_space<hbm>>
    tpu.wait_dma2 semaphore(%arg14 : memref<!tpu.dma_semaphore, #tpu.memory_space<semaphore_mem>>) src(%dma_wait3A_38 : memref<40x125xi32, #tpu.memory_space<hbm>>) dst(%arg7 : memref<40x125xi32, #tpu.memory_space<vmem>>)
    %dma_start3A_39 = arith.constant 0 : i32
    %dma_start3A_40 = arith.constant 0 : i32
    %dma_start3A_41 = tpu.memref_slice %arg6[%dma_start3A_39, %dma_start3A_40] : memref<40x125xi32, #tpu.memory_space<vmem>> -> memref<1x125xi32, #tpu.memory_space<vmem>>
    %dma_start3A_42 = tpu.memref_squeeze %dma_start3A_41 : memref<1x125xi32, #tpu.memory_space<vmem>> -> memref<125xi32, #tpu.memory_space<vmem>>
    %dma_start3A_43 = arith.constant 0 : i32
    %dma_start3A_44 = arith.constant 0 : i32
    %dma_start3A_45 = tpu.memref_slice %arg4[%dma_start3A_43, %dma_start3A_44] : memref<10000x128xf32, #tpu.memory_space<hbm>> -> memref<10000x128xf32, #tpu.memory_space<hbm>>
    tpu.enqueue_indirect_dma source(%dma_start3A_45 : memref<10000x128xf32, #tpu.memory_space<hbm>>) target(%arg8 : memref<125x128xf32, #tpu.memory_space<vmem>>) offsets(%dma_start3A_42 : memref<125xi32, #tpu.memory_space<vmem>>) semaphore(%arg12 : memref<!tpu.dma_semaphore, #tpu.memory_space<semaphore_mem>>)
    %scan3A = arith.constant 0 : i32
    %scan3A_46 = arith.constant 0 : i32
    %scan3A_47 = arith.constant 20 : i32
    %scan3A_48 = arith.addi %scan3A_46, %scan3A_47 : i32
    %scan3A_49 = arith.constant 1 : i32
    scf.for %scan3A_96 = %scan3A_46 to %scan3A_48 step %scan3A_49  : i32 {
      %mul3A_97 = arith.constant 2 : i32
      %mul3A_98 = arith.muli %mul3A_97, %scan3A_96 : i32
      %add3A_99 = arith.constant 1 : i32
      %add3A_100 = arith.addi %mul3A_98, %add3A_99 : i32
      %dma_start3A_101 = arith.constant 0 : i32
      %dma_start3A_102 = tpu.memref_slice %arg6[%add3A_100, %dma_start3A_101] : memref<40x125xi32, #tpu.memory_space<vmem>> -> memref<1x125xi32, #tpu.memory_space<vmem>>
      %dma_start3A_103 = tpu.memref_squeeze %dma_start3A_102 : memref<1x125xi32, #tpu.memory_space<vmem>> -> memref<125xi32, #tpu.memory_space<vmem>>
      %dma_start3A_104 = arith.constant 0 : i32
      %dma_start3A_105 = arith.constant 0 : i32
      %dma_start3A_106 = tpu.memref_slice %arg4[%dma_start3A_104, %dma_start3A_105] : memref<10000x128xf32, #tpu.memory_space<hbm>> -> memref<10000x128xf32, #tpu.memory_space<hbm>>
      tpu.enqueue_indirect_dma source(%dma_start3A_106 : memref<10000x128xf32, #tpu.memory_space<hbm>>) target(%arg9 : memref<125x128xf32, #tpu.memory_space<vmem>>) offsets(%dma_start3A_103 : memref<125xi32, #tpu.memory_space<vmem>>) semaphore(%arg13 : memref<!tpu.dma_semaphore, #tpu.memory_space<semaphore_mem>>)
      %mul3A_107 = arith.constant 2 : i32
      %mul3A_108 = arith.muli %mul3A_107, %scan3A_96 : i32
      %dma_wait3A_109 = arith.constant 0 : i32
      %dma_wait3A_110 = tpu.memref_slice %arg6[%mul3A_108, %dma_wait3A_109] : memref<40x125xi32, #tpu.memory_space<vmem>> -> memref<1x125xi32, #tpu.memory_space<vmem>>
      %dma_wait3A_111 = tpu.memref_squeeze %dma_wait3A_110 : memref<1x125xi32, #tpu.memory_space<vmem>> -> memref<125xi32, #tpu.memory_space<vmem>>
      %dma_wait3A_112 = arith.constant 0 : i32
      %dma_wait3A_113 = arith.constant 0 : i32
      %dma_wait3A_114 = tpu.memref_slice %arg4[%dma_wait3A_112, %dma_wait3A_113] : memref<10000x128xf32, #tpu.memory_space<hbm>> -> memref<10000x128xf32, #tpu.memory_space<hbm>>
      tpu.wait_indirect_dma semaphore(%arg12 : memref<!tpu.dma_semaphore, #tpu.memory_space<semaphore_mem>>) src(%dma_wait3A_114 : memref<10000x128xf32, #tpu.memory_space<hbm>>) dst(%arg8 : memref<125x128xf32, #tpu.memory_space<vmem>>)
      %mul3A_115 = arith.constant 2 : i32
      %mul3A_116 = arith.muli %mul3A_115, %scan3A_96 : i32
      "tpu.region"() ({
        %run_scoped3A = tpu.sem_alloc : memref<!tpu.dma_semaphore, #tpu.memory_space<semaphore_mem>>
        %dma_start3A_136 = arith.constant 0 : i32
        %dma_start3A_137 = tpu.memref_slice %arg7[%mul3A_116, %dma_start3A_136] : memref<40x125xi32, #tpu.memory_space<vmem>> -> memref<1x125xi32, #tpu.memory_space<vmem>>
        %dma_start3A_138 = tpu.memref_squeeze %dma_start3A_137 : memref<1x125xi32, #tpu.memory_space<vmem>> -> memref<125xi32, #tpu.memory_space<vmem>>
        %dma_start3A_139 = arith.constant 0 : i32
        %dma_start3A_140 = arith.constant 0 : i32
        %dma_start3A_141 = tpu.memref_slice %arg11[%dma_start3A_139, %dma_start3A_140] : memref<10240x128xf32, #tpu.memory_space<vmem_shared>> -> memref<10240x128xf32, #tpu.memory_space<vmem_shared>>
        tpu.enqueue_indirect_dma source(%arg8 : memref<125x128xf32, #tpu.memory_space<vmem>>) target(%dma_start3A_141 : memref<10240x128xf32, #tpu.memory_space<vmem_shared>>) offsets(%dma_start3A_138 : memref<125xi32, #tpu.memory_space<vmem>>) semaphore(%run_scoped3A : memref<!tpu.dma_semaphore, #tpu.memory_space<semaphore_mem>>) {add = true}
        %dma_wait3A_142 = arith.constant 0 : i32
        %dma_wait3A_143 = tpu.memref_slice %arg7[%mul3A_116, %dma_wait3A_142] : memref<40x125xi32, #tpu.memory_space<vmem>> -> memref<1x125xi32, #tpu.memory_space<vmem>>
        %dma_wait3A_144 = tpu.memref_squeeze %dma_wait3A_143 : memref<1x125xi32, #tpu.memory_space<vmem>> -> memref<125xi32, #tpu.memory_space<vmem>>
        %dma_wait3A_145 = arith.constant 0 : i32
        %dma_wait3A_146 = arith.constant 0 : i32
        %dma_wait3A_147 = tpu.memref_slice %arg11[%dma_wait3A_145, %dma_wait3A_146] : memref<10240x128xf32, #tpu.memory_space<vmem_shared>> -> memref<10240x128xf32, #tpu.memory_space<vmem_shared>>
        tpu.wait_indirect_dma semaphore(%run_scoped3A : memref<!tpu.dma_semaphore, #tpu.memory_space<semaphore_mem>>) src(%arg8 : memref<125x128xf32, #tpu.memory_space<vmem>>) dst(%dma_wait3A_147 : memref<10240x128xf32, #tpu.memory_space<vmem_shared>>)
        tpu.yield
      }) : () -> ()
      %lt3A_117 = arith.constant 19 : i32
      %lt3A_118 = arith.cmpi slt, %scan3A_96, %lt3A_117 : i32
      %convert_element_type3A_119 = arith.extui %lt3A_118 : i1 to i32
      %cond3A_120 = arith.constant 0 : i32
      %cond3A_121 = arith.cmpi ne, %convert_element_type3A_119, %cond3A_120 : i32
      scf.if %cond3A_121 {
        %mul3A_136 = arith.constant 2 : i32
        %mul3A_137 = arith.muli %mul3A_136, %scan3A_96 : i32
        %add3A_138 = arith.constant 2 : i32
        %add3A_139 = arith.addi %mul3A_137, %add3A_138 : i32
        %dma_start3A_140 = arith.constant 0 : i32
        %dma_start3A_141 = tpu.memref_slice %arg6[%add3A_139, %dma_start3A_140] : memref<40x125xi32, #tpu.memory_space<vmem>> -> memref<1x125xi32, #tpu.memory_space<vmem>>
        %dma_start3A_142 = tpu.memref_squeeze %dma_start3A_141 : memref<1x125xi32, #tpu.memory_space<vmem>> -> memref<125xi32, #tpu.memory_space<vmem>>
        %dma_start3A_143 = arith.constant 0 : i32
        %dma_start3A_144 = arith.constant 0 : i32
        %dma_start3A_145 = tpu.memref_slice %arg4[%dma_start3A_143, %dma_start3A_144] : memref<10000x128xf32, #tpu.memory_space<hbm>> -> memref<10000x128xf32, #tpu.memory_space<hbm>>
        tpu.enqueue_indirect_dma source(%dma_start3A_145 : memref<10000x128xf32, #tpu.memory_space<hbm>>) target(%arg8 : memref<125x128xf32, #tpu.memory_space<vmem>>) offsets(%dma_start3A_142 : memref<125xi32, #tpu.memory_space<vmem>>) semaphore(%arg12 : memref<!tpu.dma_semaphore, #tpu.memory_space<semaphore_mem>>)
      } else {
      }
      %mul3A_122 = arith.constant 2 : i32
      %mul3A_123 = arith.muli %mul3A_122, %scan3A_96 : i32
      %add3A_124 = arith.constant 1 : i32
      %add3A_125 = arith.addi %mul3A_123, %add3A_124 : i32
      %dma_wait3A_126 = arith.constant 0 : i32
      %dma_wait3A_127 = tpu.memref_slice %arg6[%add3A_125, %dma_wait3A_126] : memref<40x125xi32, #tpu.memory_space<vmem>> -> memref<1x125xi32, #tpu.memory_space<vmem>>
      %dma_wait3A_128 = tpu.memref_squeeze %dma_wait3A_127 : memref<1x125xi32, #tpu.memory_space<vmem>> -> memref<125xi32, #tpu.memory_space<vmem>>
      %dma_wait3A_129 = arith.constant 0 : i32
      %dma_wait3A_130 = arith.constant 0 : i32
      %dma_wait3A_131 = tpu.memref_slice %arg4[%dma_wait3A_129, %dma_wait3A_130] : memref<10000x128xf32, #tpu.memory_space<hbm>> -> memref<10000x128xf32, #tpu.memory_space<hbm>>
      tpu.wait_indirect_dma semaphore(%arg13 : memref<!tpu.dma_semaphore, #tpu.memory_space<semaphore_mem>>) src(%dma_wait3A_131 : memref<10000x128xf32, #tpu.memory_space<hbm>>) dst(%arg9 : memref<125x128xf32, #tpu.memory_space<vmem>>)
      %mul3A_132 = arith.constant 2 : i32
      %mul3A_133 = arith.muli %mul3A_132, %scan3A_96 : i32
      %add3A_134 = arith.constant 1 : i32
      %add3A_135 = arith.addi %mul3A_133, %add3A_134 : i32
      "tpu.region"() ({
        %run_scoped3A = tpu.sem_alloc : memref<!tpu.dma_semaphore, #tpu.memory_space<semaphore_mem>>
        %dma_start3A_136 = arith.constant 0 : i32
        %dma_start3A_137 = tpu.memref_slice %arg7[%add3A_135, %dma_start3A_136] : memref<40x125xi32, #tpu.memory_space<vmem>> -> memref<1x125xi32, #tpu.memory_space<vmem>>
        %dma_start3A_138 = tpu.memref_squeeze %dma_start3A_137 : memref<1x125xi32, #tpu.memory_space<vmem>> -> memref<125xi32, #tpu.memory_space<vmem>>
        %dma_start3A_139 = arith.constant 0 : i32
        %dma_start3A_140 = arith.constant 0 : i32
        %dma_start3A_141 = tpu.memref_slice %arg11[%dma_start3A_139, %dma_start3A_140] : memref<10240x128xf32, #tpu.memory_space<vmem_shared>> -> memref<10240x128xf32, #tpu.memory_space<vmem_shared>>
        tpu.enqueue_indirect_dma source(%arg9 : memref<125x128xf32, #tpu.memory_space<vmem>>) target(%dma_start3A_141 : memref<10240x128xf32, #tpu.memory_space<vmem_shared>>) offsets(%dma_start3A_138 : memref<125xi32, #tpu.memory_space<vmem>>) semaphore(%run_scoped3A : memref<!tpu.dma_semaphore, #tpu.memory_space<semaphore_mem>>) {add = true}
        %dma_wait3A_142 = arith.constant 0 : i32
        %dma_wait3A_143 = tpu.memref_slice %arg7[%add3A_135, %dma_wait3A_142] : memref<40x125xi32, #tpu.memory_space<vmem>> -> memref<1x125xi32, #tpu.memory_space<vmem>>
        %dma_wait3A_144 = tpu.memref_squeeze %dma_wait3A_143 : memref<1x125xi32, #tpu.memory_space<vmem>> -> memref<125xi32, #tpu.memory_space<vmem>>
        %dma_wait3A_145 = arith.constant 0 : i32
        %dma_wait3A_146 = arith.constant 0 : i32
        %dma_wait3A_147 = tpu.memref_slice %arg11[%dma_wait3A_145, %dma_wait3A_146] : memref<10240x128xf32, #tpu.memory_space<vmem_shared>> -> memref<10240x128xf32, #tpu.memory_space<vmem_shared>>
        tpu.wait_indirect_dma semaphore(%run_scoped3A : memref<!tpu.dma_semaphore, #tpu.memory_space<semaphore_mem>>) src(%arg9 : memref<125x128xf32, #tpu.memory_space<vmem>>) dst(%dma_wait3A_147 : memref<10240x128xf32, #tpu.memory_space<vmem_shared>>)
        tpu.yield
      }) : () -> ()
    }
    %scan3A_50 = arith.constant 20 : i32
    %mul3A_51 = arith.constant 80 : i32
    %mul3A_52 = arith.muli %add3A, %mul3A_51 : i32
    %add3A_53 = arith.constant 40 : i32
    %add3A_54 = arith.addi %mul3A_52, %add3A_53 : i32
    %dma_start3A_55 = arith.constant 0 : i32
    %dma_start3A_56 = tpu.memref_slice %arg2[%add3A_54, %dma_start3A_55] : memref<2560x125xi32, #tpu.memory_space<hbm>> -> memref<40x125xi32, #tpu.memory_space<hbm>>
    %dma_start3A_57 = arith.constant 0 : i32
    %dma_start3A_58 = tpu.memref_slice %arg2[%add3A_54, %dma_start3A_57] : memref<2560x125xi32, #tpu.memory_space<hbm>> -> memref<40x125xi32, #tpu.memory_space<hbm>>
    tpu.enqueue_dma source(%dma_start3A_58 : memref<40x125xi32, #tpu.memory_space<hbm>>) target(%arg6 : memref<40x125xi32, #tpu.memory_space<vmem>>) target_semaphore(%arg14 : memref<!tpu.dma_semaphore, #tpu.memory_space<semaphore_mem>>)
    %dma_wait3A_59 = arith.constant 0 : i32
    %dma_wait3A_60 = tpu.memref_slice %arg2[%add3A_54, %dma_wait3A_59] : memref<2560x125xi32, #tpu.memory_space<hbm>> -> memref<40x125xi32, #tpu.memory_space<hbm>>
    %dma_wait3A_61 = arith.constant 0 : i32
    %dma_wait3A_62 = tpu.memref_slice %arg2[%add3A_54, %dma_wait3A_61] : memref<2560x125xi32, #tpu.memory_space<hbm>> -> memref<40x125xi32, #tpu.memory_space<hbm>>
    tpu.wait_dma2 semaphore(%arg14 : memref<!tpu.dma_semaphore, #tpu.memory_space<semaphore_mem>>) src(%dma_wait3A_62 : memref<40x125xi32, #tpu.memory_space<hbm>>) dst(%arg6 : memref<40x125xi32, #tpu.memory_space<vmem>>)
    %mul3A_63 = arith.constant 80 : i32
    %mul3A_64 = arith.muli %add3A, %mul3A_63 : i32
    %add3A_65 = arith.constant 40 : i32
    %add3A_66 = arith.addi %mul3A_64, %add3A_65 : i32
    %dma_start3A_67 = arith.constant 0 : i32
    %dma_start3A_68 = tpu.memref_slice %arg3[%add3A_66, %dma_start3A_67] : memref<2560x125xi32, #tpu.memory_space<hbm>> -> memref<40x125xi32, #tpu.memory_space<hbm>>
    %dma_start3A_69 = arith.constant 0 : i32
    %dma_start3A_70 = tpu.memref_slice %arg3[%add3A_66, %dma_start3A_69] : memref<2560x125xi32, #tpu.memory_space<hbm>> -> memref<40x125xi32, #tpu.memory_space<hbm>>
    tpu.enqueue_dma source(%dma_start3A_70 : memref<40x125xi32, #tpu.memory_space<hbm>>) target(%arg7 : memref<40x125xi32, #tpu.memory_space<vmem>>) target_semaphore(%arg14 : memref<!tpu.dma_semaphore, #tpu.memory_space<semaphore_mem>>)
    %dma_wait3A_71 = arith.constant 0 : i32
    %dma_wait3A_72 = tpu.memref_slice %arg3[%add3A_66, %dma_wait3A_71] : memref<2560x125xi32, #tpu.memory_space<hbm>> -> memref<40x125xi32, #tpu.memory_space<hbm>>
    %dma_wait3A_73 = arith.constant 0 : i32
    %dma_wait3A_74 = tpu.memref_slice %arg3[%add3A_66, %dma_wait3A_73] : memref<2560x125xi32, #tpu.memory_space<hbm>> -> memref<40x125xi32, #tpu.memory_space<hbm>>
    tpu.wait_dma2 semaphore(%arg14 : memref<!tpu.dma_semaphore, #tpu.memory_space<semaphore_mem>>) src(%dma_wait3A_74 : memref<40x125xi32, #tpu.memory_space<hbm>>) dst(%arg7 : memref<40x125xi32, #tpu.memory_space<vmem>>)
    %dma_start3A_75 = arith.constant 0 : i32
    %dma_start3A_76 = arith.constant 0 : i32
    %dma_start3A_77 = tpu.memref_slice %arg6[%dma_start3A_75, %dma_start3A_76] : memref<40x125xi32, #tpu.memory_space<vmem>> -> memref<1x125xi32, #tpu.memory_space<vmem>>
    %dma_start3A_78 = tpu.memref_squeeze %dma_start3A_77 : memref<1x125xi32, #tpu.memory_space<vmem>> -> memref<125xi32, #tpu.memory_space<vmem>>
    %dma_start3A_79 = arith.constant 0 : i32
    %dma_start3A_80 = arith.constant 0 : i32
    %dma_start3A_81 = tpu.memref_slice %arg4[%dma_start3A_79, %dma_start3A_80] : memref<10000x128xf32, #tpu.memory_space<hbm>> -> memref<10000x128xf32, #tpu.memory_space<hbm>>
    tpu.enqueue_indirect_dma source(%dma_start3A_81 : memref<10000x128xf32, #tpu.memory_space<hbm>>) target(%arg8 : memref<125x128xf32, #tpu.memory_space<vmem>>) offsets(%dma_start3A_78 : memref<125xi32, #tpu.memory_space<vmem>>) semaphore(%arg12 : memref<!tpu.dma_semaphore, #tpu.memory_space<semaphore_mem>>)
    %scan3A_82 = arith.constant 0 : i32
    %scan3A_83 = arith.constant 0 : i32
    %scan3A_84 = arith.constant 20 : i32
    %scan3A_85 = arith.addi %scan3A_83, %scan3A_84 : i32
    %scan3A_86 = arith.constant 1 : i32
    scf.for %scan3A_96 = %scan3A_83 to %scan3A_85 step %scan3A_86  : i32 {
      %mul3A_97 = arith.constant 2 : i32
      %mul3A_98 = arith.muli %mul3A_97, %scan3A_96 : i32
      %add3A_99 = arith.constant 1 : i32
      %add3A_100 = arith.addi %mul3A_98, %add3A_99 : i32
      %dma_start3A_101 = arith.constant 0 : i32
      %dma_start3A_102 = tpu.memref_slice %arg6[%add3A_100, %dma_start3A_101] : memref<40x125xi32, #tpu.memory_space<vmem>> -> memref<1x125xi32, #tpu.memory_space<vmem>>
      %dma_start3A_103 = tpu.memref_squeeze %dma_start3A_102 : memref<1x125xi32, #tpu.memory_space<vmem>> -> memref<125xi32, #tpu.memory_space<vmem>>
      %dma_start3A_104 = arith.constant 0 : i32
      %dma_start3A_105 = arith.constant 0 : i32
      %dma_start3A_106 = tpu.memref_slice %arg4[%dma_start3A_104, %dma_start3A_105] : memref<10000x128xf32, #tpu.memory_space<hbm>> -> memref<10000x128xf32, #tpu.memory_space<hbm>>
      tpu.enqueue_indirect_dma source(%dma_start3A_106 : memref<10000x128xf32, #tpu.memory_space<hbm>>) target(%arg9 : memref<125x128xf32, #tpu.memory_space<vmem>>) offsets(%dma_start3A_103 : memref<125xi32, #tpu.memory_space<vmem>>) semaphore(%arg13 : memref<!tpu.dma_semaphore, #tpu.memory_space<semaphore_mem>>)
      %mul3A_107 = arith.constant 2 : i32
      %mul3A_108 = arith.muli %mul3A_107, %scan3A_96 : i32
      %dma_wait3A_109 = arith.constant 0 : i32
      %dma_wait3A_110 = tpu.memref_slice %arg6[%mul3A_108, %dma_wait3A_109] : memref<40x125xi32, #tpu.memory_space<vmem>> -> memref<1x125xi32, #tpu.memory_space<vmem>>
      %dma_wait3A_111 = tpu.memref_squeeze %dma_wait3A_110 : memref<1x125xi32, #tpu.memory_space<vmem>> -> memref<125xi32, #tpu.memory_space<vmem>>
      %dma_wait3A_112 = arith.constant 0 : i32
      %dma_wait3A_113 = arith.constant 0 : i32
      %dma_wait3A_114 = tpu.memref_slice %arg4[%dma_wait3A_112, %dma_wait3A_113] : memref<10000x128xf32, #tpu.memory_space<hbm>> -> memref<10000x128xf32, #tpu.memory_space<hbm>>
      tpu.wait_indirect_dma semaphore(%arg12 : memref<!tpu.dma_semaphore, #tpu.memory_space<semaphore_mem>>) src(%dma_wait3A_114 : memref<10000x128xf32, #tpu.memory_space<hbm>>) dst(%arg8 : memref<125x128xf32, #tpu.memory_space<vmem>>)
      %mul3A_115 = arith.constant 2 : i32
      %mul3A_116 = arith.muli %mul3A_115, %scan3A_96 : i32
      "tpu.region"() ({
        %run_scoped3A = tpu.sem_alloc : memref<!tpu.dma_semaphore, #tpu.memory_space<semaphore_mem>>
        %dma_start3A_136 = arith.constant 0 : i32
        %dma_start3A_137 = tpu.memref_slice %arg7[%mul3A_116, %dma_start3A_136] : memref<40x125xi32, #tpu.memory_space<vmem>> -> memref<1x125xi32, #tpu.memory_space<vmem>>
        %dma_start3A_138 = tpu.memref_squeeze %dma_start3A_137 : memref<1x125xi32, #tpu.memory_space<vmem>> -> memref<125xi32, #tpu.memory_space<vmem>>
        %dma_start3A_139 = arith.constant 0 : i32
        %dma_start3A_140 = arith.constant 0 : i32
        %dma_start3A_141 = tpu.memref_slice %arg11[%dma_start3A_139, %dma_start3A_140] : memref<10240x128xf32, #tpu.memory_space<vmem_shared>> -> memref<10240x128xf32, #tpu.memory_space<vmem_shared>>
        tpu.enqueue_indirect_dma source(%arg8 : memref<125x128xf32, #tpu.memory_space<vmem>>) target(%dma_start3A_141 : memref<10240x128xf32, #tpu.memory_space<vmem_shared>>) offsets(%dma_start3A_138 : memref<125xi32, #tpu.memory_space<vmem>>) semaphore(%run_scoped3A : memref<!tpu.dma_semaphore, #tpu.memory_space<semaphore_mem>>) {add = true}
        %dma_wait3A_142 = arith.constant 0 : i32
        %dma_wait3A_143 = tpu.memref_slice %arg7[%mul3A_116, %dma_wait3A_142] : memref<40x125xi32, #tpu.memory_space<vmem>> -> memref<1x125xi32, #tpu.memory_space<vmem>>
        %dma_wait3A_144 = tpu.memref_squeeze %dma_wait3A_143 : memref<1x125xi32, #tpu.memory_space<vmem>> -> memref<125xi32, #tpu.memory_space<vmem>>
        %dma_wait3A_145 = arith.constant 0 : i32
        %dma_wait3A_146 = arith.constant 0 : i32
        %dma_wait3A_147 = tpu.memref_slice %arg11[%dma_wait3A_145, %dma_wait3A_146] : memref<10240x128xf32, #tpu.memory_space<vmem_shared>> -> memref<10240x128xf32, #tpu.memory_space<vmem_shared>>
        tpu.wait_indirect_dma semaphore(%run_scoped3A : memref<!tpu.dma_semaphore, #tpu.memory_space<semaphore_mem>>) src(%arg8 : memref<125x128xf32, #tpu.memory_space<vmem>>) dst(%dma_wait3A_147 : memref<10240x128xf32, #tpu.memory_space<vmem_shared>>)
        tpu.yield
      }) : () -> ()
      %lt3A_117 = arith.constant 19 : i32
      %lt3A_118 = arith.cmpi slt, %scan3A_96, %lt3A_117 : i32
      %convert_element_type3A_119 = arith.extui %lt3A_118 : i1 to i32
      %cond3A_120 = arith.constant 0 : i32
      %cond3A_121 = arith.cmpi ne, %convert_element_type3A_119, %cond3A_120 : i32
      scf.if %cond3A_121 {
        %mul3A_136 = arith.constant 2 : i32
        %mul3A_137 = arith.muli %mul3A_136, %scan3A_96 : i32
        %add3A_138 = arith.constant 2 : i32
        %add3A_139 = arith.addi %mul3A_137, %add3A_138 : i32
        %dma_start3A_140 = arith.constant 0 : i32
        %dma_start3A_141 = tpu.memref_slice %arg6[%add3A_139, %dma_start3A_140] : memref<40x125xi32, #tpu.memory_space<vmem>> -> memref<1x125xi32, #tpu.memory_space<vmem>>
        %dma_start3A_142 = tpu.memref_squeeze %dma_start3A_141 : memref<1x125xi32, #tpu.memory_space<vmem>> -> memref<125xi32, #tpu.memory_space<vmem>>
        %dma_start3A_143 = arith.constant 0 : i32
        %dma_start3A_144 = arith.constant 0 : i32
        %dma_start3A_145 = tpu.memref_slice %arg4[%dma_start3A_143, %dma_start3A_144] : memref<10000x128xf32, #tpu.memory_space<hbm>> -> memref<10000x128xf32, #tpu.memory_space<hbm>>
        tpu.enqueue_indirect_dma source(%dma_start3A_145 : memref<10000x128xf32, #tpu.memory_space<hbm>>) target(%arg8 : memref<125x128xf32, #tpu.memory_space<vmem>>) offsets(%dma_start3A_142 : memref<125xi32, #tpu.memory_space<vmem>>) semaphore(%arg12 : memref<!tpu.dma_semaphore, #tpu.memory_space<semaphore_mem>>)
      } else {
      }
      %mul3A_122 = arith.constant 2 : i32
      %mul3A_123 = arith.muli %mul3A_122, %scan3A_96 : i32
      %add3A_124 = arith.constant 1 : i32
      %add3A_125 = arith.addi %mul3A_123, %add3A_124 : i32
      %dma_wait3A_126 = arith.constant 0 : i32
      %dma_wait3A_127 = tpu.memref_slice %arg6[%add3A_125, %dma_wait3A_126] : memref<40x125xi32, #tpu.memory_space<vmem>> -> memref<1x125xi32, #tpu.memory_space<vmem>>
      %dma_wait3A_128 = tpu.memref_squeeze %dma_wait3A_127 : memref<1x125xi32, #tpu.memory_space<vmem>> -> memref<125xi32, #tpu.memory_space<vmem>>
      %dma_wait3A_129 = arith.constant 0 : i32
      %dma_wait3A_130 = arith.constant 0 : i32
      %dma_wait3A_131 = tpu.memref_slice %arg4[%dma_wait3A_129, %dma_wait3A_130] : memref<10000x128xf32, #tpu.memory_space<hbm>> -> memref<10000x128xf32, #tpu.memory_space<hbm>>
      tpu.wait_indirect_dma semaphore(%arg13 : memref<!tpu.dma_semaphore, #tpu.memory_space<semaphore_mem>>) src(%dma_wait3A_131 : memref<10000x128xf32, #tpu.memory_space<hbm>>) dst(%arg9 : memref<125x128xf32, #tpu.memory_space<vmem>>)
      %mul3A_132 = arith.constant 2 : i32
      %mul3A_133 = arith.muli %mul3A_132, %scan3A_96 : i32
      %add3A_134 = arith.constant 1 : i32
      %add3A_135 = arith.addi %mul3A_133, %add3A_134 : i32
      "tpu.region"() ({
        %run_scoped3A = tpu.sem_alloc : memref<!tpu.dma_semaphore, #tpu.memory_space<semaphore_mem>>
        %dma_start3A_136 = arith.constant 0 : i32
        %dma_start3A_137 = tpu.memref_slice %arg7[%add3A_135, %dma_start3A_136] : memref<40x125xi32, #tpu.memory_space<vmem>> -> memref<1x125xi32, #tpu.memory_space<vmem>>
        %dma_start3A_138 = tpu.memref_squeeze %dma_start3A_137 : memref<1x125xi32, #tpu.memory_space<vmem>> -> memref<125xi32, #tpu.memory_space<vmem>>
        %dma_start3A_139 = arith.constant 0 : i32
        %dma_start3A_140 = arith.constant 0 : i32
        %dma_start3A_141 = tpu.memref_slice %arg11[%dma_start3A_139, %dma_start3A_140] : memref<10240x128xf32, #tpu.memory_space<vmem_shared>> -> memref<10240x128xf32, #tpu.memory_space<vmem_shared>>
        tpu.enqueue_indirect_dma source(%arg9 : memref<125x128xf32, #tpu.memory_space<vmem>>) target(%dma_start3A_141 : memref<10240x128xf32, #tpu.memory_space<vmem_shared>>) offsets(%dma_start3A_138 : memref<125xi32, #tpu.memory_space<vmem>>) semaphore(%run_scoped3A : memref<!tpu.dma_semaphore, #tpu.memory_space<semaphore_mem>>) {add = true}
        %dma_wait3A_142 = arith.constant 0 : i32
        %dma_wait3A_143 = tpu.memref_slice %arg7[%add3A_135, %dma_wait3A_142] : memref<40x125xi32, #tpu.memory_space<vmem>> -> memref<1x125xi32, #tpu.memory_space<vmem>>
        %dma_wait3A_144 = tpu.memref_squeeze %dma_wait3A_143 : memref<1x125xi32, #tpu.memory_space<vmem>> -> memref<125xi32, #tpu.memory_space<vmem>>
        %dma_wait3A_145 = arith.constant 0 : i32
        %dma_wait3A_146 = arith.constant 0 : i32
        %dma_wait3A_147 = tpu.memref_slice %arg11[%dma_wait3A_145, %dma_wait3A_146] : memref<10240x128xf32, #tpu.memory_space<vmem_shared>> -> memref<10240x128xf32, #tpu.memory_space<vmem_shared>>
        tpu.wait_indirect_dma semaphore(%run_scoped3A : memref<!tpu.dma_semaphore, #tpu.memory_space<semaphore_mem>>) src(%arg9 : memref<125x128xf32, #tpu.memory_space<vmem>>) dst(%dma_wait3A_147 : memref<10240x128xf32, #tpu.memory_space<vmem_shared>>)
        tpu.yield
      }) : () -> ()
    }
    %scan3A_87 = arith.constant 20 : i32
    %barrier3A_88 = arith.constant 0 : index
    tpu.barrier barrier_id(%barrier3A_88)
    %mul3A_89 = arith.constant 640 : i32
    %mul3A_90 = arith.muli %arg1, %mul3A_89 : i32
    %mul3A_91 = arith.constant 10240 : i32
    %mul3A_92 = arith.muli %arg0, %mul3A_91 : i32
    %mul3A_93 = arith.constant 640 : i32
    %mul3A_94 = arith.muli %arg1, %mul3A_93 : i32
    %add3A_95 = arith.addi %mul3A_92, %mul3A_94 : i32
    "tpu.region"() ({
      %run_scoped3A = tpu.sem_alloc : memref<!tpu.dma_semaphore, #tpu.memory_space<semaphore_mem>>
      %dma_start3A_96 = arith.constant 0 : i32
      %dma_start3A_97 = tpu.memref_slice %arg5[%add3A_95, %dma_start3A_96] : memref<20480x128xf32, #tpu.memory_space<hbm>> -> memref<640x128xf32, #tpu.memory_space<hbm>>
      %dma_start3A_98 = arith.constant 0 : i32
      %dma_start3A_99 = tpu.memref_slice %arg11[%mul3A_90, %dma_start3A_98] : memref<10240x128xf32, #tpu.memory_space<vmem_shared>> -> memref<640x128xf32, #tpu.memory_space<vmem_shared>>
      tpu.enqueue_dma source(%dma_start3A_99 : memref<640x128xf32, #tpu.memory_space<vmem_shared>>) target(%dma_start3A_97 : memref<640x128xf32, #tpu.memory_space<hbm>>) target_semaphore(%run_scoped3A : memref<!tpu.dma_semaphore, #tpu.memory_space<semaphore_mem>>)
      %dma_wait3A_100 = arith.constant 0 : i32
      %dma_wait3A_101 = tpu.memref_slice %arg5[%add3A_95, %dma_wait3A_100] : memref<20480x128xf32, #tpu.memory_space<hbm>> -> memref<640x128xf32, #tpu.memory_space<hbm>>
      %dma_wait3A_102 = arith.constant 0 : i32
      %dma_wait3A_103 = tpu.memref_slice %arg11[%mul3A_90, %dma_wait3A_102] : memref<10240x128xf32, #tpu.memory_space<vmem_shared>> -> memref<640x128xf32, #tpu.memory_space<vmem_shared>>
      tpu.wait_dma2 semaphore(%run_scoped3A : memref<!tpu.dma_semaphore, #tpu.memory_space<semaphore_mem>>) src(%dma_wait3A_103 : memref<640x128xf32, #tpu.memory_space<vmem_shared>>) dst(%dma_wait3A_101 : memref<640x128xf32, #tpu.memory_space<hbm>>)
      tpu.yield
    }) : () -> ()
    return
  }
}

#map = affine_map<(d0, d1) -> (0, 0)>
#map1 = affine_map<(d0, d1) -> (0)>
module attributes {stable_mosaic.version = 14 : i64} {
  func.func @_deg_call(%arg0: i32, %arg1: i32, %arg2: memref<2560x125xi32, #tpu.memory_space<hbm>>, %arg3: memref<20480xf32, #tpu.memory_space<hbm>>, %arg4: memref<80x125xi32, #tpu.memory_space<vmem>>, %arg5: memref<128xf32, #tpu.memory_space<vmem>>, %arg6: memref<640xf32, #tpu.memory_space<vmem>>, %arg7: memref<10240xf32, #tpu.memory_space<vmem_shared>>, %arg8: memref<!tpu.dma_semaphore, #tpu.memory_space<semaphore_mem>>) attributes {dimension_semantics = [#tpu.dimension_semantics<core_parallel>, #tpu.dimension_semantics<subcore_parallel>], iteration_bounds = array<i64: 2, 16>, scalar_prefetch = 0 : i64, scratch_operands = 5 : i64, tpu.core_type = #tpu.core_type<sc_vector_subcore>, window_params = [{transform_indices = #map}, {transform_indices = #map1}]} {
    %mul3A = arith.constant 2 : i32
    %mul3A_0 = arith.muli %arg1, %mul3A : i32
    %add3A = arith.addi %mul3A_0, %arg0 : i32
    %broadcast_in_dim3A = arith.constant 1.000000e+00 : f32
    %broadcast_in_dim3A_1 = vector.broadcast %broadcast_in_dim3A : f32 to vector<16xf32>
    %swap3A = arith.constant 0 : index
    %swap3A_2 = tpu.vector_load %arg5[%swap3A] {strides = array<i32>} : memref<128xf32, #tpu.memory_space<vmem>>, vector<16xf32>,
    %swap3A_3 = vector.shape_cast %swap3A_2 : vector<16xf32> to vector<16xf32>
    %swap3A_4 = vector.shape_cast %broadcast_in_dim3A_1 : vector<16xf32> to vector<16xf32>
    tpu.vector_store %arg5[%swap3A], %swap3A_4 {strides = array<i32>} : memref<128xf32, #tpu.memory_space<vmem>>, vector<16xf32>,
    %broadcast_in_dim3A_5 = arith.constant 1.000000e+00 : f32
    %broadcast_in_dim3A_6 = vector.broadcast %broadcast_in_dim3A_5 : f32 to vector<16xf32>
    %swap3A_7 = arith.constant 16 : index
    %swap3A_8 = tpu.vector_load %arg5[%swap3A_7] {strides = array<i32>} : memref<128xf32, #tpu.memory_space<vmem>>, vector<16xf32>,
    %swap3A_9 = vector.shape_cast %swap3A_8 : vector<16xf32> to vector<16xf32>
    %swap3A_10 = vector.shape_cast %broadcast_in_dim3A_6 : vector<16xf32> to vector<16xf32>
    tpu.vector_store %arg5[%swap3A_7], %swap3A_10 {strides = array<i32>} : memref<128xf32, #tpu.memory_space<vmem>>, vector<16xf32>,
    %broadcast_in_dim3A_11 = arith.constant 1.000000e+00 : f32
    %broadcast_in_dim3A_12 = vector.broadcast %broadcast_in_dim3A_11 : f32 to vector<16xf32>
    %swap3A_13 = arith.constant 32 : index
    %swap3A_14 = tpu.vector_load %arg5[%swap3A_13] {strides = array<i32>} : memref<128xf32, #tpu.memory_space<vmem>>, vector<16xf32>,
    %swap3A_15 = vector.shape_cast %swap3A_14 : vector<16xf32> to vector<16xf32>
    %swap3A_16 = vector.shape_cast %broadcast_in_dim3A_12 : vector<16xf32> to vector<16xf32>
    tpu.vector_store %arg5[%swap3A_13], %swap3A_16 {strides = array<i32>} : memref<128xf32, #tpu.memory_space<vmem>>, vector<16xf32>,
    %broadcast_in_dim3A_17 = arith.constant 1.000000e+00 : f32
    %broadcast_in_dim3A_18 = vector.broadcast %broadcast_in_dim3A_17 : f32 to vector<16xf32>
    %swap3A_19 = arith.constant 48 : index
    %swap3A_20 = tpu.vector_load %arg5[%swap3A_19] {strides = array<i32>} : memref<128xf32, #tpu.memory_space<vmem>>, vector<16xf32>,
    %swap3A_21 = vector.shape_cast %swap3A_20 : vector<16xf32> to vector<16xf32>
    %swap3A_22 = vector.shape_cast %broadcast_in_dim3A_18 : vector<16xf32> to vector<16xf32>
    tpu.vector_store %arg5[%swap3A_19], %swap3A_22 {strides = array<i32>} : memref<128xf32, #tpu.memory_space<vmem>>, vector<16xf32>,
    %broadcast_in_dim3A_23 = arith.constant 1.000000e+00 : f32
    %broadcast_in_dim3A_24 = vector.broadcast %broadcast_in_dim3A_23 : f32 to vector<16xf32>
    %swap3A_25 = arith.constant 64 : index
    %swap3A_26 = tpu.vector_load %arg5[%swap3A_25] {strides = array<i32>} : memref<128xf32, #tpu.memory_space<vmem>>, vector<16xf32>,
    %swap3A_27 = vector.shape_cast %swap3A_26 : vector<16xf32> to vector<16xf32>
    %swap3A_28 = vector.shape_cast %broadcast_in_dim3A_24 : vector<16xf32> to vector<16xf32>
    tpu.vector_store %arg5[%swap3A_25], %swap3A_28 {strides = array<i32>} : memref<128xf32, #tpu.memory_space<vmem>>, vector<16xf32>,
    %broadcast_in_dim3A_29 = arith.constant 1.000000e+00 : f32
    %broadcast_in_dim3A_30 = vector.broadcast %broadcast_in_dim3A_29 : f32 to vector<16xf32>
    %swap3A_31 = arith.constant 80 : index
    %swap3A_32 = tpu.vector_load %arg5[%swap3A_31] {strides = array<i32>} : memref<128xf32, #tpu.memory_space<vmem>>, vector<16xf32>,
    %swap3A_33 = vector.shape_cast %swap3A_32 : vector<16xf32> to vector<16xf32>
    %swap3A_34 = vector.shape_cast %broadcast_in_dim3A_30 : vector<16xf32> to vector<16xf32>
    tpu.vector_store %arg5[%swap3A_31], %swap3A_34 {strides = array<i32>} : memref<128xf32, #tpu.memory_space<vmem>>, vector<16xf32>,
    %broadcast_in_dim3A_35 = arith.constant 1.000000e+00 : f32
    %broadcast_in_dim3A_36 = vector.broadcast %broadcast_in_dim3A_35 : f32 to vector<16xf32>
    %swap3A_37 = arith.constant 96 : index
    %swap3A_38 = tpu.vector_load %arg5[%swap3A_37] {strides = array<i32>} : memref<128xf32, #tpu.memory_space<vmem>>, vector<16xf32>,
    %swap3A_39 = vector.shape_cast %swap3A_38 : vector<16xf32> to vector<16xf32>
    %swap3A_40 = vector.shape_cast %broadcast_in_dim3A_36 : vector<16xf32> to vector<16xf32>
    tpu.vector_store %arg5[%swap3A_37], %swap3A_40 {strides = array<i32>} : memref<128xf32, #tpu.memory_space<vmem>>, vector<16xf32>,
    %broadcast_in_dim3A_41 = arith.constant 1.000000e+00 : f32
    %broadcast_in_dim3A_42 = vector.broadcast %broadcast_in_dim3A_41 : f32 to vector<16xf32>
    %swap3A_43 = arith.constant 112 : index
    %swap3A_44 = tpu.vector_load %arg5[%swap3A_43] {strides = array<i32>} : memref<128xf32, #tpu.memory_space<vmem>>, vector<16xf32>,
    %swap3A_45 = vector.shape_cast %swap3A_44 : vector<16xf32> to vector<16xf32>
    %swap3A_46 = vector.shape_cast %broadcast_in_dim3A_42 : vector<16xf32> to vector<16xf32>
    tpu.vector_store %arg5[%swap3A_43], %swap3A_46 {strides = array<i32>} : memref<128xf32, #tpu.memory_space<vmem>>, vector<16xf32>,
    %scan3A = arith.constant 0 : i32
    %scan3A_47 = arith.constant 0 : i32
    %scan3A_48 = arith.constant 40 : i32
    %scan3A_49 = arith.addi %scan3A_47, %scan3A_48 : i32
    %scan3A_50 = arith.constant 1 : i32
    scf.for %scan3A_76 = %scan3A_47 to %scan3A_49 step %scan3A_50  : i32 {
      %broadcast_in_dim3A_77 = arith.constant 0.000000e+00 : f32
      %broadcast_in_dim3A_78 = vector.broadcast %broadcast_in_dim3A_77 : f32 to vector<16xf32>
      %mul3A_79 = arith.constant 16 : i32
      %mul3A_80 = arith.muli %mul3A_79, %scan3A_76 : i32
      %swap3A_81 = arith.index_cast %mul3A_80 : i32 to index
      %swap3A_82 = tpu.vector_load %arg6[%swap3A_81] {strides = array<i32>} : memref<640xf32, #tpu.memory_space<vmem>>, vector<16xf32>,
      %swap3A_83 = vector.shape_cast %swap3A_82 : vector<16xf32> to vector<16xf32>
      %swap3A_84 = vector.shape_cast %broadcast_in_dim3A_78 : vector<16xf32> to vector<16xf32>
      tpu.vector_store %arg6[%swap3A_81], %swap3A_84 {strides = array<i32>} : memref<640xf32, #tpu.memory_space<vmem>>, vector<16xf32>,
    }
    %scan3A_51 = arith.constant 40 : i32
    %mul3A_52 = arith.constant 640 : i32
    %mul3A_53 = arith.muli %arg1, %mul3A_52 : i32
    "tpu.region"() ({
      %run_scoped3A = tpu.sem_alloc : memref<!tpu.dma_semaphore, #tpu.memory_space<semaphore_mem>>
      %dma_start3A_76 = tpu.memref_slice %arg7[%mul3A_53] : memref<10240xf32, #tpu.memory_space<vmem_shared>> -> memref<640xf32, #tpu.memory_space<vmem_shared>>
      %dma_start3A_77 = tpu.memref_slice %arg7[%mul3A_53] : memref<10240xf32, #tpu.memory_space<vmem_shared>> -> memref<640xf32, #tpu.memory_space<vmem_shared>>
      tpu.enqueue_dma source(%arg6 : memref<640xf32, #tpu.memory_space<vmem>>) target(%dma_start3A_77 : memref<640xf32, #tpu.memory_space<vmem_shared>>) target_semaphore(%run_scoped3A : memref<!tpu.dma_semaphore, #tpu.memory_space<semaphore_mem>>)
      %dma_wait3A_78 = tpu.memref_slice %arg7[%mul3A_53] : memref<10240xf32, #tpu.memory_space<vmem_shared>> -> memref<640xf32, #tpu.memory_space<vmem_shared>>
      %dma_wait3A_79 = tpu.memref_slice %arg7[%mul3A_53] : memref<10240xf32, #tpu.memory_space<vmem_shared>> -> memref<640xf32, #tpu.memory_space<vmem_shared>>
      tpu.wait_dma2 semaphore(%run_scoped3A : memref<!tpu.dma_semaphore, #tpu.memory_space<semaphore_mem>>) src(%arg6 : memref<640xf32, #tpu.memory_space<vmem>>) dst(%dma_wait3A_79 : memref<640xf32, #tpu.memory_space<vmem_shared>>)
      tpu.yield
    }) : () -> ()
    %barrier3A = arith.constant 0 : index
    tpu.barrier barrier_id(%barrier3A)
    %mul3A_54 = arith.constant 80 : i32
    %mul3A_55 = arith.muli %add3A, %mul3A_54 : i32
    %dma_start3A = arith.constant 0 : i32
    %dma_start3A_56 = tpu.memref_slice %arg2[%mul3A_55, %dma_start3A] : memref<2560x125xi32, #tpu.memory_space<hbm>> -> memref<80x125xi32, #tpu.memory_space<hbm>>
    %dma_start3A_57 = arith.constant 0 : i32
    %dma_start3A_58 = tpu.memref_slice %arg2[%mul3A_55, %dma_start3A_57] : memref<2560x125xi32, #tpu.memory_space<hbm>> -> memref<80x125xi32, #tpu.memory_space<hbm>>
    tpu.enqueue_dma source(%dma_start3A_58 : memref<80x125xi32, #tpu.memory_space<hbm>>) target(%arg4 : memref<80x125xi32, #tpu.memory_space<vmem>>) target_semaphore(%arg8 : memref<!tpu.dma_semaphore, #tpu.memory_space<semaphore_mem>>)
    %dma_wait3A = arith.constant 0 : i32
    %dma_wait3A_59 = tpu.memref_slice %arg2[%mul3A_55, %dma_wait3A] : memref<2560x125xi32, #tpu.memory_space<hbm>> -> memref<80x125xi32, #tpu.memory_space<hbm>>
    %dma_wait3A_60 = arith.constant 0 : i32
    %dma_wait3A_61 = tpu.memref_slice %arg2[%mul3A_55, %dma_wait3A_60] : memref<2560x125xi32, #tpu.memory_space<hbm>> -> memref<80x125xi32, #tpu.memory_space<hbm>>
    tpu.wait_dma2 semaphore(%arg8 : memref<!tpu.dma_semaphore, #tpu.memory_space<semaphore_mem>>) src(%dma_wait3A_61 : memref<80x125xi32, #tpu.memory_space<hbm>>) dst(%arg4 : memref<80x125xi32, #tpu.memory_space<vmem>>)
    %scan3A_62 = arith.constant 0 : i32
    %scan3A_63 = arith.constant 0 : i32
    %scan3A_64 = arith.constant 80 : i32
    %scan3A_65 = arith.addi %scan3A_63, %scan3A_64 : i32
    %scan3A_66 = arith.constant 1 : i32
    scf.for %scan3A_76 = %scan3A_63 to %scan3A_65 step %scan3A_66  : i32 {
      "tpu.region"() ({
        %run_scoped3A = tpu.sem_alloc : memref<!tpu.dma_semaphore, #tpu.memory_space<semaphore_mem>>
        %dma_start3A_77 = arith.constant 0 : i32
        %dma_start3A_78 = tpu.memref_slice %arg5[%dma_start3A_77] : memref<128xf32, #tpu.memory_space<vmem>> -> memref<125xf32, #tpu.memory_space<vmem>>
        %dma_start3A_79 = arith.constant 0 : i32
        %dma_start3A_80 = tpu.memref_slice %arg4[%scan3A_76, %dma_start3A_79] : memref<80x125xi32, #tpu.memory_space<vmem>> -> memref<1x125xi32, #tpu.memory_space<vmem>>
        %dma_start3A_81 = tpu.memref_squeeze %dma_start3A_80 : memref<1x125xi32, #tpu.memory_space<vmem>> -> memref<125xi32, #tpu.memory_space<vmem>>
        %dma_start3A_82 = arith.constant 0 : i32
        %dma_start3A_83 = tpu.memref_slice %arg7[%dma_start3A_82] : memref<10240xf32, #tpu.memory_space<vmem_shared>> -> memref<10240xf32, #tpu.memory_space<vmem_shared>>
        tpu.enqueue_indirect_dma source(%dma_start3A_78 : memref<125xf32, #tpu.memory_space<vmem>>) target(%dma_start3A_83 : memref<10240xf32, #tpu.memory_space<vmem_shared>>) offsets(%dma_start3A_81 : memref<125xi32, #tpu.memory_space<vmem>>) semaphore(%run_scoped3A : memref<!tpu.dma_semaphore, #tpu.memory_space<semaphore_mem>>) {add = true}
        %dma_wait3A_84 = arith.constant 0 : i32
        %dma_wait3A_85 = tpu.memref_slice %arg5[%dma_wait3A_84] : memref<128xf32, #tpu.memory_space<vmem>> -> memref<125xf32, #tpu.memory_space<vmem>>
        %dma_wait3A_86 = arith.constant 0 : i32
        %dma_wait3A_87 = tpu.memref_slice %arg4[%scan3A_76, %dma_wait3A_86] : memref<80x125xi32, #tpu.memory_space<vmem>> -> memref<1x125xi32, #tpu.memory_space<vmem>>
        %dma_wait3A_88 = tpu.memref_squeeze %dma_wait3A_87 : memref<1x125xi32, #tpu.memory_space<vmem>> -> memref<125xi32, #tpu.memory_space<vmem>>
        %dma_wait3A_89 = arith.constant 0 : i32
        %dma_wait3A_90 = tpu.memref_slice %arg7[%dma_wait3A_89] : memref<10240xf32, #tpu.memory_space<vmem_shared>> -> memref<10240xf32, #tpu.memory_space<vmem_shared>>
        tpu.wait_indirect_dma semaphore(%run_scoped3A : memref<!tpu.dma_semaphore, #tpu.memory_space<semaphore_mem>>) src(%dma_wait3A_85 : memref<125xf32, #tpu.memory_space<vmem>>) dst(%dma_wait3A_90 : memref<10240xf32, #tpu.memory_space<vmem_shared>>)
        tpu.yield
      }) : () -> ()
    }
    %scan3A_67 = arith.constant 80 : i32
    %barrier3A_68 = arith.constant 0 : index
    tpu.barrier barrier_id(%barrier3A_68)
    %mul3A_69 = arith.constant 640 : i32
    %mul3A_70 = arith.muli %arg1, %mul3A_69 : i32
    %mul3A_71 = arith.constant 10240 : i32
    %mul3A_72 = arith.muli %arg0, %mul3A_71 : i32
    %mul3A_73 = arith.constant 640 : i32
    %mul3A_74 = arith.muli %arg1, %mul3A_73 : i32
    %add3A_75 = arith.addi %mul3A_72, %mul3A_74 : i32
    "tpu.region"() ({
      %run_scoped3A = tpu.sem_alloc : memref<!tpu.dma_semaphore, #tpu.memory_space<semaphore_mem>>
      %dma_start3A_76 = tpu.memref_slice %arg3[%add3A_75] : memref<20480xf32, #tpu.memory_space<hbm>> -> memref<640xf32, #tpu.memory_space<hbm>>
      %dma_start3A_77 = tpu.memref_slice %arg7[%mul3A_70] : memref<10240xf32, #tpu.memory_space<vmem_shared>> -> memref<640xf32, #tpu.memory_space<vmem_shared>>
      tpu.enqueue_dma source(%dma_start3A_77 : memref<640xf32, #tpu.memory_space<vmem_shared>>) target(%dma_start3A_76 : memref<640xf32, #tpu.memory_space<hbm>>) target_semaphore(%run_scoped3A : memref<!tpu.dma_semaphore, #tpu.memory_space<semaphore_mem>>)
      %dma_wait3A_78 = tpu.memref_slice %arg3[%add3A_75] : memref<20480xf32, #tpu.memory_space<hbm>> -> memref<640xf32, #tpu.memory_space<hbm>>
      %dma_wait3A_79 = tpu.memref_slice %arg7[%mul3A_70] : memref<10240xf32, #tpu.memory_space<vmem_shared>> -> memref<640xf32, #tpu.memory_space<vmem_shared>>
      tpu.wait_dma2 semaphore(%run_scoped3A : memref<!tpu.dma_semaphore, #tpu.memory_space<semaphore_mem>>) src(%dma_wait3A_79 : memref<640xf32, #tpu.memory_space<vmem_shared>>) dst(%dma_wait3A_78 : memref<640xf32, #tpu.memory_space<hbm>>)
      tpu.yield
    }) : () -> ()
    return
  }
}

#map = affine_map<(d0, d1) -> (0, 0)>
module attributes {stable_mosaic.version = 14 : i64} {
  func.func @_agg_call(%arg0: i32, %arg1: i32, %arg2: memref<2560x125xi32, #tpu.memory_space<hbm>>, %arg3: memref<2560x125xi32, #tpu.memory_space<hbm>>, %arg4: memref<10000x128xf32, #tpu.memory_space<hbm>>, %arg5: memref<20480x128xf32, #tpu.memory_space<hbm>>, %arg6: memref<40x125xi32, #tpu.memory_space<vmem>>, %arg7: memref<40x125xi32, #tpu.memory_space<vmem>>, %arg8: memref<125x128xf32, #tpu.memory_space<vmem>>, %arg9: memref<125x128xf32, #tpu.memory_space<vmem>>, %arg10: memref<32x128xf32, #tpu.memory_space<vmem>>, %arg11: memref<10240x128xf32, #tpu.memory_space<vmem_shared>>, %arg12: memref<!tpu.dma_semaphore, #tpu.memory_space<semaphore_mem>>, %arg13: memref<!tpu.dma_semaphore, #tpu.memory_space<semaphore_mem>>, %arg14: memref<!tpu.dma_semaphore, #tpu.memory_space<semaphore_mem>>) attributes {dimension_semantics = [#tpu.dimension_semantics<core_parallel>, #tpu.dimension_semantics<subcore_parallel>], iteration_bounds = array<i64: 2, 16>, scalar_prefetch = 0 : i64, scratch_operands = 9 : i64, tpu.core_type = #tpu.core_type<sc_vector_subcore>, window_params = [{transform_indices = #map}, {transform_indices = #map}, {transform_indices = #map}, {transform_indices = #map}]} {
    %mul3A = arith.constant 2 : i32
    %mul3A_0 = arith.muli %arg1, %mul3A : i32
    %add3A = arith.addi %mul3A_0, %arg0 : i32
    %eq3A = arith.constant 0 : i32
    %eq3A_1 = arith.cmpi eq, %arg0, %eq3A : i32
    %lt3A = arith.constant 15 : i32
    %lt3A_2 = arith.cmpi slt, %arg1, %lt3A : i32
    %and3A = arith.andi %eq3A_1, %lt3A_2 : i1
    %convert_element_type3A = arith.extui %and3A : i1 to i32
    %cond3A = arith.constant 0 : i32
    %cond3A_3 = arith.cmpi ne, %convert_element_type3A, %cond3A : i32
    scf.if %cond3A_3 {
      %mul3A_96 = arith.constant 640 : i32
      %mul3A_97 = arith.muli %arg1, %mul3A_96 : i32
      %mul3A_98 = arith.constant 640 : i32
      %mul3A_99 = arith.muli %arg1, %mul3A_98 : i32
      "tpu.region"() ({
        %run_scoped3A = tpu.sem_alloc : memref<!tpu.dma_semaphore, #tpu.memory_space<semaphore_mem>>
        %dma_start3A_100 = arith.constant 0 : i32
        %dma_start3A_101 = tpu.memref_slice %arg11[%mul3A_99, %dma_start3A_100] : memref<10240x128xf32, #tpu.memory_space<vmem_shared>> -> memref<640x128xf32, #tpu.memory_space<vmem_shared>>
        %dma_start3A_102 = arith.constant 0 : i32
        %dma_start3A_103 = tpu.memref_slice %arg4[%mul3A_97, %dma_start3A_102] : memref<10000x128xf32, #tpu.memory_space<hbm>> -> memref<640x128xf32, #tpu.memory_space<hbm>>
        tpu.enqueue_dma source(%dma_start3A_103 : memref<640x128xf32, #tpu.memory_space<hbm>>) target(%dma_start3A_101 : memref<640x128xf32, #tpu.memory_space<vmem_shared>>) target_semaphore(%run_scoped3A : memref<!tpu.dma_semaphore, #tpu.memory_space<semaphore_mem>>)
        %dma_wait3A_104 = arith.constant 0 : i32
        %dma_wait3A_105 = tpu.memref_slice %arg11[%mul3A_99, %dma_wait3A_104] : memref<10240x128xf32, #tpu.memory_space<vmem_shared>> -> memref<640x128xf32, #tpu.memory_space<vmem_shared>>
        %dma_wait3A_106 = arith.constant 0 : i32
        %dma_wait3A_107 = tpu.memref_slice %arg4[%mul3A_97, %dma_wait3A_106] : memref<10000x128xf32, #tpu.memory_space<hbm>> -> memref<640x128xf32, #tpu.memory_space<hbm>>
        tpu.wait_dma2 semaphore(%run_scoped3A : memref<!tpu.dma_semaphore, #tpu.memory_space<semaphore_mem>>) src(%dma_wait3A_107 : memref<640x128xf32, #tpu.memory_space<hbm>>) dst(%dma_wait3A_105 : memref<640x128xf32, #tpu.memory_space<vmem_shared>>)
        tpu.yield
      }) : () -> ()
    } else {
    }
    %eq3A_4 = arith.constant 0 : i32
    %eq3A_5 = arith.cmpi eq, %arg0, %eq3A_4 : i32
    %eq3A_6 = arith.constant 15 : i32
    %eq3A_7 = arith.cmpi eq, %arg1, %eq3A_6 : i32
    %and3A_8 = arith.andi %eq3A_5, %eq3A_7 : i1
    %convert_element_type3A_9 = arith.extui %and3A_8 : i1 to i32
    %cond3A_10 = arith.constant 0 : i32
    %cond3A_11 = arith.cmpi ne, %convert_element_type3A_9, %cond3A_10 : i32
    scf.if %cond3A_11 {
      "tpu.region"() ({
        %run_scoped3A = tpu.sem_alloc : memref<!tpu.dma_semaphore, #tpu.memory_space<semaphore_mem>>
        %dma_start3A_96 = arith.constant 9600 : i32
        %dma_start3A_97 = arith.constant 0 : i32
        %dma_start3A_98 = tpu.memref_slice %arg11[%dma_start3A_96, %dma_start3A_97] : memref<10240x128xf32, #tpu.memory_space<vmem_shared>> -> memref<400x128xf32, #tpu.memory_space<vmem_shared>>
        %dma_start3A_99 = arith.constant 9600 : i32
        %dma_start3A_100 = arith.constant 0 : i32
        %dma_start3A_101 = tpu.memref_slice %arg4[%dma_start3A_99, %dma_start3A_100] : memref<10000x128xf32, #tpu.memory_space<hbm>> -> memref<400x128xf32, #tpu.memory_space<hbm>>
        tpu.enqueue_dma source(%dma_start3A_101 : memref<400x128xf32, #tpu.memory_space<hbm>>) target(%dma_start3A_98 : memref<400x128xf32, #tpu.memory_space<vmem_shared>>) target_semaphore(%run_scoped3A : memref<!tpu.dma_semaphore, #tpu.memory_space<semaphore_mem>>)
        %dma_wait3A_102 = arith.constant 9600 : i32
        %dma_wait3A_103 = arith.constant 0 : i32
        %dma_wait3A_104 = tpu.memref_slice %arg11[%dma_wait3A_102, %dma_wait3A_103] : memref<10240x128xf32, #tpu.memory_space<vmem_shared>> -> memref<400x128xf32, #tpu.memory_space<vmem_shared>>
        %dma_wait3A_105 = arith.constant 9600 : i32
        %dma_wait3A_106 = arith.constant 0 : i32
        %dma_wait3A_107 = tpu.memref_slice %arg4[%dma_wait3A_105, %dma_wait3A_106] : memref<10000x128xf32, #tpu.memory_space<hbm>> -> memref<400x128xf32, #tpu.memory_space<hbm>>
        tpu.wait_dma2 semaphore(%run_scoped3A : memref<!tpu.dma_semaphore, #tpu.memory_space<semaphore_mem>>) src(%dma_wait3A_107 : memref<400x128xf32, #tpu.memory_space<hbm>>) dst(%dma_wait3A_104 : memref<400x128xf32, #tpu.memory_space<vmem_shared>>)
        tpu.yield
      }) : () -> ()
    } else {
    }
    %eq3A_12 = arith.constant 1 : i32
    %eq3A_13 = arith.cmpi eq, %arg0, %eq3A_12 : i32
    %convert_element_type3A_14 = arith.extui %eq3A_13 : i1 to i32
    %cond3A_15 = arith.constant 0 : i32
    %cond3A_16 = arith.cmpi ne, %convert_element_type3A_14, %cond3A_15 : i32
    scf.if %cond3A_16 {
      %scan3A_96 = arith.constant 0 : i32
      %scan3A_97 = arith.constant 0 : i32
      %scan3A_98 = arith.constant 32 : i32
      %scan3A_99 = arith.addi %scan3A_97, %scan3A_98 : i32
      %scan3A_100 = arith.constant 1 : i32
      scf.for %scan3A_182 = %scan3A_97 to %scan3A_99 step %scan3A_100  : i32 {
        %broadcast_in_dim3A = arith.constant 0.000000e+00 : f32
        %broadcast_in_dim3A_183 = vector.broadcast %broadcast_in_dim3A : f32 to vector<16xf32>
        %swap3A = arith.index_cast %scan3A_182 : i32 to index
        %swap3A_184 = arith.constant 0 : index
        %swap3A_185 = tpu.vector_load %arg10[%swap3A, %swap3A_184] {strides = array<i32>} : memref<32x128xf32, #tpu.memory_space<vmem>>, vector<1x16xf32>,
        %swap3A_186 = vector.shape_cast %swap3A_185 : vector<1x16xf32> to vector<16xf32>
        %swap3A_187 = vector.shape_cast %broadcast_in_dim3A_183 : vector<16xf32> to vector<1x16xf32>
        tpu.vector_store %arg10[%swap3A, %swap3A_184], %swap3A_187 {strides = array<i32>} : memref<32x128xf32, #tpu.memory_space<vmem>>, vector<1x16xf32>,
        %broadcast_in_dim3A_188 = arith.constant 0.000000e+00 : f32
        %broadcast_in_dim3A_189 = vector.broadcast %broadcast_in_dim3A_188 : f32 to vector<16xf32>
        %swap3A_190 = arith.index_cast %scan3A_182 : i32 to index
        %swap3A_191 = arith.constant 16 : index
        %swap3A_192 = tpu.vector_load %arg10[%swap3A_190, %swap3A_191] {strides = array<i32>} : memref<32x128xf32, #tpu.memory_space<vmem>>, vector<1x16xf32>,
        %swap3A_193 = vector.shape_cast %swap3A_192 : vector<1x16xf32> to vector<16xf32>
        %swap3A_194 = vector.shape_cast %broadcast_in_dim3A_189 : vector<16xf32> to vector<1x16xf32>
        tpu.vector_store %arg10[%swap3A_190, %swap3A_191], %swap3A_194 {strides = array<i32>} : memref<32x128xf32, #tpu.memory_space<vmem>>, vector<1x16xf32>,
        %broadcast_in_dim3A_195 = arith.constant 0.000000e+00 : f32
        %broadcast_in_dim3A_196 = vector.broadcast %broadcast_in_dim3A_195 : f32 to vector<16xf32>
        %swap3A_197 = arith.index_cast %scan3A_182 : i32 to index
        %swap3A_198 = arith.constant 32 : index
        %swap3A_199 = tpu.vector_load %arg10[%swap3A_197, %swap3A_198] {strides = array<i32>} : memref<32x128xf32, #tpu.memory_space<vmem>>, vector<1x16xf32>,
        %swap3A_200 = vector.shape_cast %swap3A_199 : vector<1x16xf32> to vector<16xf32>
        %swap3A_201 = vector.shape_cast %broadcast_in_dim3A_196 : vector<16xf32> to vector<1x16xf32>
        tpu.vector_store %arg10[%swap3A_197, %swap3A_198], %swap3A_201 {strides = array<i32>} : memref<32x128xf32, #tpu.memory_space<vmem>>, vector<1x16xf32>,
        %broadcast_in_dim3A_202 = arith.constant 0.000000e+00 : f32
        %broadcast_in_dim3A_203 = vector.broadcast %broadcast_in_dim3A_202 : f32 to vector<16xf32>
        %swap3A_204 = arith.index_cast %scan3A_182 : i32 to index
        %swap3A_205 = arith.constant 48 : index
        %swap3A_206 = tpu.vector_load %arg10[%swap3A_204, %swap3A_205] {strides = array<i32>} : memref<32x128xf32, #tpu.memory_space<vmem>>, vector<1x16xf32>,
        %swap3A_207 = vector.shape_cast %swap3A_206 : vector<1x16xf32> to vector<16xf32>
        %swap3A_208 = vector.shape_cast %broadcast_in_dim3A_203 : vector<16xf32> to vector<1x16xf32>
        tpu.vector_store %arg10[%swap3A_204, %swap3A_205], %swap3A_208 {strides = array<i32>} : memref<32x128xf32, #tpu.memory_space<vmem>>, vector<1x16xf32>,
        %broadcast_in_dim3A_209 = arith.constant 0.000000e+00 : f32
        %broadcast_in_dim3A_210 = vector.broadcast %broadcast_in_dim3A_209 : f32 to vector<16xf32>
        %swap3A_211 = arith.index_cast %scan3A_182 : i32 to index
        %swap3A_212 = arith.constant 64 : index
        %swap3A_213 = tpu.vector_load %arg10[%swap3A_211, %swap3A_212] {strides = array<i32>} : memref<32x128xf32, #tpu.memory_space<vmem>>, vector<1x16xf32>,
        %swap3A_214 = vector.shape_cast %swap3A_213 : vector<1x16xf32> to vector<16xf32>
        %swap3A_215 = vector.shape_cast %broadcast_in_dim3A_210 : vector<16xf32> to vector<1x16xf32>
        tpu.vector_store %arg10[%swap3A_211, %swap3A_212], %swap3A_215 {strides = array<i32>} : memref<32x128xf32, #tpu.memory_space<vmem>>, vector<1x16xf32>,
        %broadcast_in_dim3A_216 = arith.constant 0.000000e+00 : f32
        %broadcast_in_dim3A_217 = vector.broadcast %broadcast_in_dim3A_216 : f32 to vector<16xf32>
        %swap3A_218 = arith.index_cast %scan3A_182 : i32 to index
        %swap3A_219 = arith.constant 80 : index
        %swap3A_220 = tpu.vector_load %arg10[%swap3A_218, %swap3A_219] {strides = array<i32>} : memref<32x128xf32, #tpu.memory_space<vmem>>, vector<1x16xf32>,
        %swap3A_221 = vector.shape_cast %swap3A_220 : vector<1x16xf32> to vector<16xf32>
        %swap3A_222 = vector.shape_cast %broadcast_in_dim3A_217 : vector<16xf32> to vector<1x16xf32>
        tpu.vector_store %arg10[%swap3A_218, %swap3A_219], %swap3A_222 {strides = array<i32>} : memref<32x128xf32, #tpu.memory_space<vmem>>, vector<1x16xf32>,
        %broadcast_in_dim3A_223 = arith.constant 0.000000e+00 : f32
        %broadcast_in_dim3A_224 = vector.broadcast %broadcast_in_dim3A_223 : f32 to vector<16xf32>
        %swap3A_225 = arith.index_cast %scan3A_182 : i32 to index
        %swap3A_226 = arith.constant 96 : index
        %swap3A_227 = tpu.vector_load %arg10[%swap3A_225, %swap3A_226] {strides = array<i32>} : memref<32x128xf32, #tpu.memory_space<vmem>>, vector<1x16xf32>,
        %swap3A_228 = vector.shape_cast %swap3A_227 : vector<1x16xf32> to vector<16xf32>
        %swap3A_229 = vector.shape_cast %broadcast_in_dim3A_224 : vector<16xf32> to vector<1x16xf32>
        tpu.vector_store %arg10[%swap3A_225, %swap3A_226], %swap3A_229 {strides = array<i32>} : memref<32x128xf32, #tpu.memory_space<vmem>>, vector<1x16xf32>,
        %broadcast_in_dim3A_230 = arith.constant 0.000000e+00 : f32
        %broadcast_in_dim3A_231 = vector.broadcast %broadcast_in_dim3A_230 : f32 to vector<16xf32>
        %swap3A_232 = arith.index_cast %scan3A_182 : i32 to index
        %swap3A_233 = arith.constant 112 : index
        %swap3A_234 = tpu.vector_load %arg10[%swap3A_232, %swap3A_233] {strides = array<i32>} : memref<32x128xf32, #tpu.memory_space<vmem>>, vector<1x16xf32>,
        %swap3A_235 = vector.shape_cast %swap3A_234 : vector<1x16xf32> to vector<16xf32>
        %swap3A_236 = vector.shape_cast %broadcast_in_dim3A_231 : vector<16xf32> to vector<1x16xf32>
        tpu.vector_store %arg10[%swap3A_232, %swap3A_233], %swap3A_236 {strides = array<i32>} : memref<32x128xf32, #tpu.memory_space<vmem>>, vector<1x16xf32>,
      }
      %scan3A_101 = arith.constant 32 : i32
      %mul3A_102 = arith.constant 640 : i32
      %mul3A_103 = arith.muli %arg1, %mul3A_102 : i32
      %add3A_104 = arith.constant 0 : i32
      %add3A_105 = arith.addi %mul3A_103, %add3A_104 : i32
      "tpu.region"() ({
        %run_scoped3A = tpu.sem_alloc : memref<!tpu.dma_semaphore, #tpu.memory_space<semaphore_mem>>
        %dma_start3A_182 = arith.constant 0 : i32
        %dma_start3A_183 = tpu.memref_slice %arg11[%add3A_105, %dma_start3A_182] : memref<10240x128xf32, #tpu.memory_space<vmem_shared>> -> memref<32x128xf32, #tpu.memory_space<vmem_shared>>
        %dma_start3A_184 = arith.constant 0 : i32
        %dma_start3A_185 = tpu.memref_slice %arg11[%add3A_105, %dma_start3A_184] : memref<10240x128xf32, #tpu.memory_space<vmem_shared>> -> memref<32x128xf32, #tpu.memory_space<vmem_shared>>
        tpu.enqueue_dma source(%arg10 : memref<32x128xf32, #tpu.memory_space<vmem>>) target(%dma_start3A_185 : memref<32x128xf32, #tpu.memory_space<vmem_shared>>) target_semaphore(%run_scoped3A : memref<!tpu.dma_semaphore, #tpu.memory_space<semaphore_mem>>)
        %dma_wait3A_186 = arith.constant 0 : i32
        %dma_wait3A_187 = tpu.memref_slice %arg11[%add3A_105, %dma_wait3A_186] : memref<10240x128xf32, #tpu.memory_space<vmem_shared>> -> memref<32x128xf32, #tpu.memory_space<vmem_shared>>
        %dma_wait3A_188 = arith.constant 0 : i32
        %dma_wait3A_189 = tpu.memref_slice %arg11[%add3A_105, %dma_wait3A_188] : memref<10240x128xf32, #tpu.memory_space<vmem_shared>> -> memref<32x128xf32, #tpu.memory_space<vmem_shared>>
        tpu.wait_dma2 semaphore(%run_scoped3A : memref<!tpu.dma_semaphore, #tpu.memory_space<semaphore_mem>>) src(%arg10 : memref<32x128xf32, #tpu.memory_space<vmem>>) dst(%dma_wait3A_189 : memref<32x128xf32, #tpu.memory_space<vmem_shared>>)
        tpu.yield
      }) : () -> ()
      %mul3A_106 = arith.constant 640 : i32
      %mul3A_107 = arith.muli %arg1, %mul3A_106 : i32
      %add3A_108 = arith.constant 32 : i32
      %add3A_109 = arith.addi %mul3A_107, %add3A_108 : i32
      "tpu.region"() ({
        %run_scoped3A = tpu.sem_alloc : memref<!tpu.dma_semaphore, #tpu.memory_space<semaphore_mem>>
        %dma_start3A_182 = arith.constant 0 : i32
        %dma_start3A_183 = tpu.memref_slice %arg11[%add3A_109, %dma_start3A_182] : memref<10240x128xf32, #tpu.memory_space<vmem_shared>> -> memref<32x128xf32, #tpu.memory_space<vmem_shared>>
        %dma_start3A_184 = arith.constant 0 : i32
        %dma_start3A_185 = tpu.memref_slice %arg11[%add3A_109, %dma_start3A_184] : memref<10240x128xf32, #tpu.memory_space<vmem_shared>> -> memref<32x128xf32, #tpu.memory_space<vmem_shared>>
        tpu.enqueue_dma source(%arg10 : memref<32x128xf32, #tpu.memory_space<vmem>>) target(%dma_start3A_185 : memref<32x128xf32, #tpu.memory_space<vmem_shared>>) target_semaphore(%run_scoped3A : memref<!tpu.dma_semaphore, #tpu.memory_space<semaphore_mem>>)
        %dma_wait3A_186 = arith.constant 0 : i32
        %dma_wait3A_187 = tpu.memref_slice %arg11[%add3A_109, %dma_wait3A_186] : memref<10240x128xf32, #tpu.memory_space<vmem_shared>> -> memref<32x128xf32, #tpu.memory_space<vmem_shared>>
        %dma_wait3A_188 = arith.constant 0 : i32
        %dma_wait3A_189 = tpu.memref_slice %arg11[%add3A_109, %dma_wait3A_188] : memref<10240x128xf32, #tpu.memory_space<vmem_shared>> -> memref<32x128xf32, #tpu.memory_space<vmem_shared>>
        tpu.wait_dma2 semaphore(%run_scoped3A : memref<!tpu.dma_semaphore, #tpu.memory_space<semaphore_mem>>) src(%arg10 : memref<32x128xf32, #tpu.memory_space<vmem>>) dst(%dma_wait3A_189 : memref<32x128xf32, #tpu.memory_space<vmem_shared>>)
        tpu.yield
      }) : () -> ()
      %mul3A_110 = arith.constant 640 : i32
      %mul3A_111 = arith.muli %arg1, %mul3A_110 : i32
      %add3A_112 = arith.constant 64 : i32
      %add3A_113 = arith.addi %mul3A_111, %add3A_112 : i32
      "tpu.region"() ({
        %run_scoped3A = tpu.sem_alloc : memref<!tpu.dma_semaphore, #tpu.memory_space<semaphore_mem>>
        %dma_start3A_182 = arith.constant 0 : i32
        %dma_start3A_183 = tpu.memref_slice %arg11[%add3A_113, %dma_start3A_182] : memref<10240x128xf32, #tpu.memory_space<vmem_shared>> -> memref<32x128xf32, #tpu.memory_space<vmem_shared>>
        %dma_start3A_184 = arith.constant 0 : i32
        %dma_start3A_185 = tpu.memref_slice %arg11[%add3A_113, %dma_start3A_184] : memref<10240x128xf32, #tpu.memory_space<vmem_shared>> -> memref<32x128xf32, #tpu.memory_space<vmem_shared>>
        tpu.enqueue_dma source(%arg10 : memref<32x128xf32, #tpu.memory_space<vmem>>) target(%dma_start3A_185 : memref<32x128xf32, #tpu.memory_space<vmem_shared>>) target_semaphore(%run_scoped3A : memref<!tpu.dma_semaphore, #tpu.memory_space<semaphore_mem>>)
        %dma_wait3A_186 = arith.constant 0 : i32
        %dma_wait3A_187 = tpu.memref_slice %arg11[%add3A_113, %dma_wait3A_186] : memref<10240x128xf32, #tpu.memory_space<vmem_shared>> -> memref<32x128xf32, #tpu.memory_space<vmem_shared>>
        %dma_wait3A_188 = arith.constant 0 : i32
        %dma_wait3A_189 = tpu.memref_slice %arg11[%add3A_113, %dma_wait3A_188] : memref<10240x128xf32, #tpu.memory_space<vmem_shared>> -> memref<32x128xf32, #tpu.memory_space<vmem_shared>>
        tpu.wait_dma2 semaphore(%run_scoped3A : memref<!tpu.dma_semaphore, #tpu.memory_space<semaphore_mem>>) src(%arg10 : memref<32x128xf32, #tpu.memory_space<vmem>>) dst(%dma_wait3A_189 : memref<32x128xf32, #tpu.memory_space<vmem_shared>>)
        tpu.yield
      }) : () -> ()
      %mul3A_114 = arith.constant 640 : i32
      %mul3A_115 = arith.muli %arg1, %mul3A_114 : i32
      %add3A_116 = arith.constant 96 : i32
      %add3A_117 = arith.addi %mul3A_115, %add3A_116 : i32
      "tpu.region"() ({
        %run_scoped3A = tpu.sem_alloc : memref<!tpu.dma_semaphore, #tpu.memory_space<semaphore_mem>>
        %dma_start3A_182 = arith.constant 0 : i32
        %dma_start3A_183 = tpu.memref_slice %arg11[%add3A_117, %dma_start3A_182] : memref<10240x128xf32, #tpu.memory_space<vmem_shared>> -> memref<32x128xf32, #tpu.memory_space<vmem_shared>>
        %dma_start3A_184 = arith.constant 0 : i32
        %dma_start3A_185 = tpu.memref_slice %arg11[%add3A_117, %dma_start3A_184] : memref<10240x128xf32, #tpu.memory_space<vmem_shared>> -> memref<32x128xf32, #tpu.memory_space<vmem_shared>>
        tpu.enqueue_dma source(%arg10 : memref<32x128xf32, #tpu.memory_space<vmem>>) target(%dma_start3A_185 : memref<32x128xf32, #tpu.memory_space<vmem_shared>>) target_semaphore(%run_scoped3A : memref<!tpu.dma_semaphore, #tpu.memory_space<semaphore_mem>>)
        %dma_wait3A_186 = arith.constant 0 : i32
        %dma_wait3A_187 = tpu.memref_slice %arg11[%add3A_117, %dma_wait3A_186] : memref<10240x128xf32, #tpu.memory_space<vmem_shared>> -> memref<32x128xf32, #tpu.memory_space<vmem_shared>>
        %dma_wait3A_188 = arith.constant 0 : i32
        %dma_wait3A_189 = tpu.memref_slice %arg11[%add3A_117, %dma_wait3A_188] : memref<10240x128xf32, #tpu.memory_space<vmem_shared>> -> memref<32x128xf32, #tpu.memory_space<vmem_shared>>
        tpu.wait_dma2 semaphore(%run_scoped3A : memref<!tpu.dma_semaphore, #tpu.memory_space<semaphore_mem>>) src(%arg10 : memref<32x128xf32, #tpu.memory_space<vmem>>) dst(%dma_wait3A_189 : memref<32x128xf32, #tpu.memory_space<vmem_shared>>)
        tpu.yield
      }) : () -> ()
      %mul3A_118 = arith.constant 640 : i32
      %mul3A_119 = arith.muli %arg1, %mul3A_118 : i32
      %add3A_120 = arith.constant 128 : i32
      %add3A_121 = arith.addi %mul3A_119, %add3A_120 : i32
      "tpu.region"() ({
        %run_scoped3A = tpu.sem_alloc : memref<!tpu.dma_semaphore, #tpu.memory_space<semaphore_mem>>
        %dma_start3A_182 = arith.constant 0 : i32
        %dma_start3A_183 = tpu.memref_slice %arg11[%add3A_121, %dma_start3A_182] : memref<10240x128xf32, #tpu.memory_space<vmem_shared>> -> memref<32x128xf32, #tpu.memory_space<vmem_shared>>
        %dma_start3A_184 = arith.constant 0 : i32
        %dma_start3A_185 = tpu.memref_slice %arg11[%add3A_121, %dma_start3A_184] : memref<10240x128xf32, #tpu.memory_space<vmem_shared>> -> memref<32x128xf32, #tpu.memory_space<vmem_shared>>
        tpu.enqueue_dma source(%arg10 : memref<32x128xf32, #tpu.memory_space<vmem>>) target(%dma_start3A_185 : memref<32x128xf32, #tpu.memory_space<vmem_shared>>) target_semaphore(%run_scoped3A : memref<!tpu.dma_semaphore, #tpu.memory_space<semaphore_mem>>)
        %dma_wait3A_186 = arith.constant 0 : i32
        %dma_wait3A_187 = tpu.memref_slice %arg11[%add3A_121, %dma_wait3A_186] : memref<10240x128xf32, #tpu.memory_space<vmem_shared>> -> memref<32x128xf32, #tpu.memory_space<vmem_shared>>
        %dma_wait3A_188 = arith.constant 0 : i32
        %dma_wait3A_189 = tpu.memref_slice %arg11[%add3A_121, %dma_wait3A_188] : memref<10240x128xf32, #tpu.memory_space<vmem_shared>> -> memref<32x128xf32, #tpu.memory_space<vmem_shared>>
        tpu.wait_dma2 semaphore(%run_scoped3A : memref<!tpu.dma_semaphore, #tpu.memory_space<semaphore_mem>>) src(%arg10 : memref<32x128xf32, #tpu.memory_space<vmem>>) dst(%dma_wait3A_189 : memref<32x128xf32, #tpu.memory_space<vmem_shared>>)
        tpu.yield
      }) : () -> ()
      %mul3A_122 = arith.constant 640 : i32
      %mul3A_123 = arith.muli %arg1, %mul3A_122 : i32
      %add3A_124 = arith.constant 160 : i32
      %add3A_125 = arith.addi %mul3A_123, %add3A_124 : i32
      "tpu.region"() ({
        %run_scoped3A = tpu.sem_alloc : memref<!tpu.dma_semaphore, #tpu.memory_space<semaphore_mem>>
        %dma_start3A_182 = arith.constant 0 : i32
        %dma_start3A_183 = tpu.memref_slice %arg11[%add3A_125, %dma_start3A_182] : memref<10240x128xf32, #tpu.memory_space<vmem_shared>> -> memref<32x128xf32, #tpu.memory_space<vmem_shared>>
        %dma_start3A_184 = arith.constant 0 : i32
        %dma_start3A_185 = tpu.memref_slice %arg11[%add3A_125, %dma_start3A_184] : memref<10240x128xf32, #tpu.memory_space<vmem_shared>> -> memref<32x128xf32, #tpu.memory_space<vmem_shared>>
        tpu.enqueue_dma source(%arg10 : memref<32x128xf32, #tpu.memory_space<vmem>>) target(%dma_start3A_185 : memref<32x128xf32, #tpu.memory_space<vmem_shared>>) target_semaphore(%run_scoped3A : memref<!tpu.dma_semaphore, #tpu.memory_space<semaphore_mem>>)
        %dma_wait3A_186 = arith.constant 0 : i32
        %dma_wait3A_187 = tpu.memref_slice %arg11[%add3A_125, %dma_wait3A_186] : memref<10240x128xf32, #tpu.memory_space<vmem_shared>> -> memref<32x128xf32, #tpu.memory_space<vmem_shared>>
        %dma_wait3A_188 = arith.constant 0 : i32
        %dma_wait3A_189 = tpu.memref_slice %arg11[%add3A_125, %dma_wait3A_188] : memref<10240x128xf32, #tpu.memory_space<vmem_shared>> -> memref<32x128xf32, #tpu.memory_space<vmem_shared>>
        tpu.wait_dma2 semaphore(%run_scoped3A : memref<!tpu.dma_semaphore, #tpu.memory_space<semaphore_mem>>) src(%arg10 : memref<32x128xf32, #tpu.memory_space<vmem>>) dst(%dma_wait3A_189 : memref<32x128xf32, #tpu.memory_space<vmem_shared>>)
        tpu.yield
      }) : () -> ()
      %mul3A_126 = arith.constant 640 : i32
      %mul3A_127 = arith.muli %arg1, %mul3A_126 : i32
      %add3A_128 = arith.constant 192 : i32
      %add3A_129 = arith.addi %mul3A_127, %add3A_128 : i32
      "tpu.region"() ({
        %run_scoped3A = tpu.sem_alloc : memref<!tpu.dma_semaphore, #tpu.memory_space<semaphore_mem>>
        %dma_start3A_182 = arith.constant 0 : i32
        %dma_start3A_183 = tpu.memref_slice %arg11[%add3A_129, %dma_start3A_182] : memref<10240x128xf32, #tpu.memory_space<vmem_shared>> -> memref<32x128xf32, #tpu.memory_space<vmem_shared>>
        %dma_start3A_184 = arith.constant 0 : i32
        %dma_start3A_185 = tpu.memref_slice %arg11[%add3A_129, %dma_start3A_184] : memref<10240x128xf32, #tpu.memory_space<vmem_shared>> -> memref<32x128xf32, #tpu.memory_space<vmem_shared>>
        tpu.enqueue_dma source(%arg10 : memref<32x128xf32, #tpu.memory_space<vmem>>) target(%dma_start3A_185 : memref<32x128xf32, #tpu.memory_space<vmem_shared>>) target_semaphore(%run_scoped3A : memref<!tpu.dma_semaphore, #tpu.memory_space<semaphore_mem>>)
        %dma_wait3A_186 = arith.constant 0 : i32
        %dma_wait3A_187 = tpu.memref_slice %arg11[%add3A_129, %dma_wait3A_186] : memref<10240x128xf32, #tpu.memory_space<vmem_shared>> -> memref<32x128xf32, #tpu.memory_space<vmem_shared>>
        %dma_wait3A_188 = arith.constant 0 : i32
        %dma_wait3A_189 = tpu.memref_slice %arg11[%add3A_129, %dma_wait3A_188] : memref<10240x128xf32, #tpu.memory_space<vmem_shared>> -> memref<32x128xf32, #tpu.memory_space<vmem_shared>>
        tpu.wait_dma2 semaphore(%run_scoped3A : memref<!tpu.dma_semaphore, #tpu.memory_space<semaphore_mem>>) src(%arg10 : memref<32x128xf32, #tpu.memory_space<vmem>>) dst(%dma_wait3A_189 : memref<32x128xf32, #tpu.memory_space<vmem_shared>>)
        tpu.yield
      }) : () -> ()
      %mul3A_130 = arith.constant 640 : i32
      %mul3A_131 = arith.muli %arg1, %mul3A_130 : i32
      %add3A_132 = arith.constant 224 : i32
      %add3A_133 = arith.addi %mul3A_131, %add3A_132 : i32
      "tpu.region"() ({
        %run_scoped3A = tpu.sem_alloc : memref<!tpu.dma_semaphore, #tpu.memory_space<semaphore_mem>>
        %dma_start3A_182 = arith.constant 0 : i32
        %dma_start3A_183 = tpu.memref_slice %arg11[%add3A_133, %dma_start3A_182] : memref<10240x128xf32, #tpu.memory_space<vmem_shared>> -> memref<32x128xf32, #tpu.memory_space<vmem_shared>>
        %dma_start3A_184 = arith.constant 0 : i32
        %dma_start3A_185 = tpu.memref_slice %arg11[%add3A_133, %dma_start3A_184] : memref<10240x128xf32, #tpu.memory_space<vmem_shared>> -> memref<32x128xf32, #tpu.memory_space<vmem_shared>>
        tpu.enqueue_dma source(%arg10 : memref<32x128xf32, #tpu.memory_space<vmem>>) target(%dma_start3A_185 : memref<32x128xf32, #tpu.memory_space<vmem_shared>>) target_semaphore(%run_scoped3A : memref<!tpu.dma_semaphore, #tpu.memory_space<semaphore_mem>>)
        %dma_wait3A_186 = arith.constant 0 : i32
        %dma_wait3A_187 = tpu.memref_slice %arg11[%add3A_133, %dma_wait3A_186] : memref<10240x128xf32, #tpu.memory_space<vmem_shared>> -> memref<32x128xf32, #tpu.memory_space<vmem_shared>>
        %dma_wait3A_188 = arith.constant 0 : i32
        %dma_wait3A_189 = tpu.memref_slice %arg11[%add3A_133, %dma_wait3A_188] : memref<10240x128xf32, #tpu.memory_space<vmem_shared>> -> memref<32x128xf32, #tpu.memory_space<vmem_shared>>
        tpu.wait_dma2 semaphore(%run_scoped3A : memref<!tpu.dma_semaphore, #tpu.memory_space<semaphore_mem>>) src(%arg10 : memref<32x128xf32, #tpu.memory_space<vmem>>) dst(%dma_wait3A_189 : memref<32x128xf32, #tpu.memory_space<vmem_shared>>)
        tpu.yield
      }) : () -> ()
      %mul3A_134 = arith.constant 640 : i32
      %mul3A_135 = arith.muli %arg1, %mul3A_134 : i32
      %add3A_136 = arith.constant 256 : i32
      %add3A_137 = arith.addi %mul3A_135, %add3A_136 : i32
      "tpu.region"() ({
        %run_scoped3A = tpu.sem_alloc : memref<!tpu.dma_semaphore, #tpu.memory_space<semaphore_mem>>
        %dma_start3A_182 = arith.constant 0 : i32
        %dma_start3A_183 = tpu.memref_slice %arg11[%add3A_137, %dma_start3A_182] : memref<10240x128xf32, #tpu.memory_space<vmem_shared>> -> memref<32x128xf32, #tpu.memory_space<vmem_shared>>
        %dma_start3A_184 = arith.constant 0 : i32
        %dma_start3A_185 = tpu.memref_slice %arg11[%add3A_137, %dma_start3A_184] : memref<10240x128xf32, #tpu.memory_space<vmem_shared>> -> memref<32x128xf32, #tpu.memory_space<vmem_shared>>
        tpu.enqueue_dma source(%arg10 : memref<32x128xf32, #tpu.memory_space<vmem>>) target(%dma_start3A_185 : memref<32x128xf32, #tpu.memory_space<vmem_shared>>) target_semaphore(%run_scoped3A : memref<!tpu.dma_semaphore, #tpu.memory_space<semaphore_mem>>)
        %dma_wait3A_186 = arith.constant 0 : i32
        %dma_wait3A_187 = tpu.memref_slice %arg11[%add3A_137, %dma_wait3A_186] : memref<10240x128xf32, #tpu.memory_space<vmem_shared>> -> memref<32x128xf32, #tpu.memory_space<vmem_shared>>
        %dma_wait3A_188 = arith.constant 0 : i32
        %dma_wait3A_189 = tpu.memref_slice %arg11[%add3A_137, %dma_wait3A_188] : memref<10240x128xf32, #tpu.memory_space<vmem_shared>> -> memref<32x128xf32, #tpu.memory_space<vmem_shared>>
        tpu.wait_dma2 semaphore(%run_scoped3A : memref<!tpu.dma_semaphore, #tpu.memory_space<semaphore_mem>>) src(%arg10 : memref<32x128xf32, #tpu.memory_space<vmem>>) dst(%dma_wait3A_189 : memref<32x128xf32, #tpu.memory_space<vmem_shared>>)
        tpu.yield
      }) : () -> ()
      %mul3A_138 = arith.constant 640 : i32
      %mul3A_139 = arith.muli %arg1, %mul3A_138 : i32
      %add3A_140 = arith.constant 288 : i32
      %add3A_141 = arith.addi %mul3A_139, %add3A_140 : i32
      "tpu.region"() ({
        %run_scoped3A = tpu.sem_alloc : memref<!tpu.dma_semaphore, #tpu.memory_space<semaphore_mem>>
        %dma_start3A_182 = arith.constant 0 : i32
        %dma_start3A_183 = tpu.memref_slice %arg11[%add3A_141, %dma_start3A_182] : memref<10240x128xf32, #tpu.memory_space<vmem_shared>> -> memref<32x128xf32, #tpu.memory_space<vmem_shared>>
        %dma_start3A_184 = arith.constant 0 : i32
        %dma_start3A_185 = tpu.memref_slice %arg11[%add3A_141, %dma_start3A_184] : memref<10240x128xf32, #tpu.memory_space<vmem_shared>> -> memref<32x128xf32, #tpu.memory_space<vmem_shared>>
        tpu.enqueue_dma source(%arg10 : memref<32x128xf32, #tpu.memory_space<vmem>>) target(%dma_start3A_185 : memref<32x128xf32, #tpu.memory_space<vmem_shared>>) target_semaphore(%run_scoped3A : memref<!tpu.dma_semaphore, #tpu.memory_space<semaphore_mem>>)
        %dma_wait3A_186 = arith.constant 0 : i32
        %dma_wait3A_187 = tpu.memref_slice %arg11[%add3A_141, %dma_wait3A_186] : memref<10240x128xf32, #tpu.memory_space<vmem_shared>> -> memref<32x128xf32, #tpu.memory_space<vmem_shared>>
        %dma_wait3A_188 = arith.constant 0 : i32
        %dma_wait3A_189 = tpu.memref_slice %arg11[%add3A_141, %dma_wait3A_188] : memref<10240x128xf32, #tpu.memory_space<vmem_shared>> -> memref<32x128xf32, #tpu.memory_space<vmem_shared>>
        tpu.wait_dma2 semaphore(%run_scoped3A : memref<!tpu.dma_semaphore, #tpu.memory_space<semaphore_mem>>) src(%arg10 : memref<32x128xf32, #tpu.memory_space<vmem>>) dst(%dma_wait3A_189 : memref<32x128xf32, #tpu.memory_space<vmem_shared>>)
        tpu.yield
      }) : () -> ()
      %mul3A_142 = arith.constant 640 : i32
      %mul3A_143 = arith.muli %arg1, %mul3A_142 : i32
      %add3A_144 = arith.constant 320 : i32
      %add3A_145 = arith.addi %mul3A_143, %add3A_144 : i32
      "tpu.region"() ({
        %run_scoped3A = tpu.sem_alloc : memref<!tpu.dma_semaphore, #tpu.memory_space<semaphore_mem>>
        %dma_start3A_182 = arith.constant 0 : i32
        %dma_start3A_183 = tpu.memref_slice %arg11[%add3A_145, %dma_start3A_182] : memref<10240x128xf32, #tpu.memory_space<vmem_shared>> -> memref<32x128xf32, #tpu.memory_space<vmem_shared>>
        %dma_start3A_184 = arith.constant 0 : i32
        %dma_start3A_185 = tpu.memref_slice %arg11[%add3A_145, %dma_start3A_184] : memref<10240x128xf32, #tpu.memory_space<vmem_shared>> -> memref<32x128xf32, #tpu.memory_space<vmem_shared>>
        tpu.enqueue_dma source(%arg10 : memref<32x128xf32, #tpu.memory_space<vmem>>) target(%dma_start3A_185 : memref<32x128xf32, #tpu.memory_space<vmem_shared>>) target_semaphore(%run_scoped3A : memref<!tpu.dma_semaphore, #tpu.memory_space<semaphore_mem>>)
        %dma_wait3A_186 = arith.constant 0 : i32
        %dma_wait3A_187 = tpu.memref_slice %arg11[%add3A_145, %dma_wait3A_186] : memref<10240x128xf32, #tpu.memory_space<vmem_shared>> -> memref<32x128xf32, #tpu.memory_space<vmem_shared>>
        %dma_wait3A_188 = arith.constant 0 : i32
        %dma_wait3A_189 = tpu.memref_slice %arg11[%add3A_145, %dma_wait3A_188] : memref<10240x128xf32, #tpu.memory_space<vmem_shared>> -> memref<32x128xf32, #tpu.memory_space<vmem_shared>>
        tpu.wait_dma2 semaphore(%run_scoped3A : memref<!tpu.dma_semaphore, #tpu.memory_space<semaphore_mem>>) src(%arg10 : memref<32x128xf32, #tpu.memory_space<vmem>>) dst(%dma_wait3A_189 : memref<32x128xf32, #tpu.memory_space<vmem_shared>>)
        tpu.yield
      }) : () -> ()
      %mul3A_146 = arith.constant 640 : i32
      %mul3A_147 = arith.muli %arg1, %mul3A_146 : i32
      %add3A_148 = arith.constant 352 : i32
      %add3A_149 = arith.addi %mul3A_147, %add3A_148 : i32
      "tpu.region"() ({
        %run_scoped3A = tpu.sem_alloc : memref<!tpu.dma_semaphore, #tpu.memory_space<semaphore_mem>>
        %dma_start3A_182 = arith.constant 0 : i32
        %dma_start3A_183 = tpu.memref_slice %arg11[%add3A_149, %dma_start3A_182] : memref<10240x128xf32, #tpu.memory_space<vmem_shared>> -> memref<32x128xf32, #tpu.memory_space<vmem_shared>>
        %dma_start3A_184 = arith.constant 0 : i32
        %dma_start3A_185 = tpu.memref_slice %arg11[%add3A_149, %dma_start3A_184] : memref<10240x128xf32, #tpu.memory_space<vmem_shared>> -> memref<32x128xf32, #tpu.memory_space<vmem_shared>>
        tpu.enqueue_dma source(%arg10 : memref<32x128xf32, #tpu.memory_space<vmem>>) target(%dma_start3A_185 : memref<32x128xf32, #tpu.memory_space<vmem_shared>>) target_semaphore(%run_scoped3A : memref<!tpu.dma_semaphore, #tpu.memory_space<semaphore_mem>>)
        %dma_wait3A_186 = arith.constant 0 : i32
        %dma_wait3A_187 = tpu.memref_slice %arg11[%add3A_149, %dma_wait3A_186] : memref<10240x128xf32, #tpu.memory_space<vmem_shared>> -> memref<32x128xf32, #tpu.memory_space<vmem_shared>>
        %dma_wait3A_188 = arith.constant 0 : i32
        %dma_wait3A_189 = tpu.memref_slice %arg11[%add3A_149, %dma_wait3A_188] : memref<10240x128xf32, #tpu.memory_space<vmem_shared>> -> memref<32x128xf32, #tpu.memory_space<vmem_shared>>
        tpu.wait_dma2 semaphore(%run_scoped3A : memref<!tpu.dma_semaphore, #tpu.memory_space<semaphore_mem>>) src(%arg10 : memref<32x128xf32, #tpu.memory_space<vmem>>) dst(%dma_wait3A_189 : memref<32x128xf32, #tpu.memory_space<vmem_shared>>)
        tpu.yield
      }) : () -> ()
      %mul3A_150 = arith.constant 640 : i32
      %mul3A_151 = arith.muli %arg1, %mul3A_150 : i32
      %add3A_152 = arith.constant 384 : i32
      %add3A_153 = arith.addi %mul3A_151, %add3A_152 : i32
      "tpu.region"() ({
        %run_scoped3A = tpu.sem_alloc : memref<!tpu.dma_semaphore, #tpu.memory_space<semaphore_mem>>
        %dma_start3A_182 = arith.constant 0 : i32
        %dma_start3A_183 = tpu.memref_slice %arg11[%add3A_153, %dma_start3A_182] : memref<10240x128xf32, #tpu.memory_space<vmem_shared>> -> memref<32x128xf32, #tpu.memory_space<vmem_shared>>
        %dma_start3A_184 = arith.constant 0 : i32
        %dma_start3A_185 = tpu.memref_slice %arg11[%add3A_153, %dma_start3A_184] : memref<10240x128xf32, #tpu.memory_space<vmem_shared>> -> memref<32x128xf32, #tpu.memory_space<vmem_shared>>
        tpu.enqueue_dma source(%arg10 : memref<32x128xf32, #tpu.memory_space<vmem>>) target(%dma_start3A_185 : memref<32x128xf32, #tpu.memory_space<vmem_shared>>) target_semaphore(%run_scoped3A : memref<!tpu.dma_semaphore, #tpu.memory_space<semaphore_mem>>)
        %dma_wait3A_186 = arith.constant 0 : i32
        %dma_wait3A_187 = tpu.memref_slice %arg11[%add3A_153, %dma_wait3A_186] : memref<10240x128xf32, #tpu.memory_space<vmem_shared>> -> memref<32x128xf32, #tpu.memory_space<vmem_shared>>
        %dma_wait3A_188 = arith.constant 0 : i32
        %dma_wait3A_189 = tpu.memref_slice %arg11[%add3A_153, %dma_wait3A_188] : memref<10240x128xf32, #tpu.memory_space<vmem_shared>> -> memref<32x128xf32, #tpu.memory_space<vmem_shared>>
        tpu.wait_dma2 semaphore(%run_scoped3A : memref<!tpu.dma_semaphore, #tpu.memory_space<semaphore_mem>>) src(%arg10 : memref<32x128xf32, #tpu.memory_space<vmem>>) dst(%dma_wait3A_189 : memref<32x128xf32, #tpu.memory_space<vmem_shared>>)
        tpu.yield
      }) : () -> ()
      %mul3A_154 = arith.constant 640 : i32
      %mul3A_155 = arith.muli %arg1, %mul3A_154 : i32
      %add3A_156 = arith.constant 416 : i32
      %add3A_157 = arith.addi %mul3A_155, %add3A_156 : i32
      "tpu.region"() ({
        %run_scoped3A = tpu.sem_alloc : memref<!tpu.dma_semaphore, #tpu.memory_space<semaphore_mem>>
        %dma_start3A_182 = arith.constant 0 : i32
        %dma_start3A_183 = tpu.memref_slice %arg11[%add3A_157, %dma_start3A_182] : memref<10240x128xf32, #tpu.memory_space<vmem_shared>> -> memref<32x128xf32, #tpu.memory_space<vmem_shared>>
        %dma_start3A_184 = arith.constant 0 : i32
        %dma_start3A_185 = tpu.memref_slice %arg11[%add3A_157, %dma_start3A_184] : memref<10240x128xf32, #tpu.memory_space<vmem_shared>> -> memref<32x128xf32, #tpu.memory_space<vmem_shared>>
        tpu.enqueue_dma source(%arg10 : memref<32x128xf32, #tpu.memory_space<vmem>>) target(%dma_start3A_185 : memref<32x128xf32, #tpu.memory_space<vmem_shared>>) target_semaphore(%run_scoped3A : memref<!tpu.dma_semaphore, #tpu.memory_space<semaphore_mem>>)
        %dma_wait3A_186 = arith.constant 0 : i32
        %dma_wait3A_187 = tpu.memref_slice %arg11[%add3A_157, %dma_wait3A_186] : memref<10240x128xf32, #tpu.memory_space<vmem_shared>> -> memref<32x128xf32, #tpu.memory_space<vmem_shared>>
        %dma_wait3A_188 = arith.constant 0 : i32
        %dma_wait3A_189 = tpu.memref_slice %arg11[%add3A_157, %dma_wait3A_188] : memref<10240x128xf32, #tpu.memory_space<vmem_shared>> -> memref<32x128xf32, #tpu.memory_space<vmem_shared>>
        tpu.wait_dma2 semaphore(%run_scoped3A : memref<!tpu.dma_semaphore, #tpu.memory_space<semaphore_mem>>) src(%arg10 : memref<32x128xf32, #tpu.memory_space<vmem>>) dst(%dma_wait3A_189 : memref<32x128xf32, #tpu.memory_space<vmem_shared>>)
        tpu.yield
      }) : () -> ()
      %mul3A_158 = arith.constant 640 : i32
      %mul3A_159 = arith.muli %arg1, %mul3A_158 : i32
      %add3A_160 = arith.constant 448 : i32
      %add3A_161 = arith.addi %mul3A_159, %add3A_160 : i32
      "tpu.region"() ({
        %run_scoped3A = tpu.sem_alloc : memref<!tpu.dma_semaphore, #tpu.memory_space<semaphore_mem>>
        %dma_start3A_182 = arith.constant 0 : i32
        %dma_start3A_183 = tpu.memref_slice %arg11[%add3A_161, %dma_start3A_182] : memref<10240x128xf32, #tpu.memory_space<vmem_shared>> -> memref<32x128xf32, #tpu.memory_space<vmem_shared>>
        %dma_start3A_184 = arith.constant 0 : i32
        %dma_start3A_185 = tpu.memref_slice %arg11[%add3A_161, %dma_start3A_184] : memref<10240x128xf32, #tpu.memory_space<vmem_shared>> -> memref<32x128xf32, #tpu.memory_space<vmem_shared>>
        tpu.enqueue_dma source(%arg10 : memref<32x128xf32, #tpu.memory_space<vmem>>) target(%dma_start3A_185 : memref<32x128xf32, #tpu.memory_space<vmem_shared>>) target_semaphore(%run_scoped3A : memref<!tpu.dma_semaphore, #tpu.memory_space<semaphore_mem>>)
        %dma_wait3A_186 = arith.constant 0 : i32
        %dma_wait3A_187 = tpu.memref_slice %arg11[%add3A_161, %dma_wait3A_186] : memref<10240x128xf32, #tpu.memory_space<vmem_shared>> -> memref<32x128xf32, #tpu.memory_space<vmem_shared>>
        %dma_wait3A_188 = arith.constant 0 : i32
        %dma_wait3A_189 = tpu.memref_slice %arg11[%add3A_161, %dma_wait3A_188] : memref<10240x128xf32, #tpu.memory_space<vmem_shared>> -> memref<32x128xf32, #tpu.memory_space<vmem_shared>>
        tpu.wait_dma2 semaphore(%run_scoped3A : memref<!tpu.dma_semaphore, #tpu.memory_space<semaphore_mem>>) src(%arg10 : memref<32x128xf32, #tpu.memory_space<vmem>>) dst(%dma_wait3A_189 : memref<32x128xf32, #tpu.memory_space<vmem_shared>>)
        tpu.yield
      }) : () -> ()
      %mul3A_162 = arith.constant 640 : i32
      %mul3A_163 = arith.muli %arg1, %mul3A_162 : i32
      %add3A_164 = arith.constant 480 : i32
      %add3A_165 = arith.addi %mul3A_163, %add3A_164 : i32
      "tpu.region"() ({
        %run_scoped3A = tpu.sem_alloc : memref<!tpu.dma_semaphore, #tpu.memory_space<semaphore_mem>>
        %dma_start3A_182 = arith.constant 0 : i32
        %dma_start3A_183 = tpu.memref_slice %arg11[%add3A_165, %dma_start3A_182] : memref<10240x128xf32, #tpu.memory_space<vmem_shared>> -> memref<32x128xf32, #tpu.memory_space<vmem_shared>>
        %dma_start3A_184 = arith.constant 0 : i32
        %dma_start3A_185 = tpu.memref_slice %arg11[%add3A_165, %dma_start3A_184] : memref<10240x128xf32, #tpu.memory_space<vmem_shared>> -> memref<32x128xf32, #tpu.memory_space<vmem_shared>>
        tpu.enqueue_dma source(%arg10 : memref<32x128xf32, #tpu.memory_space<vmem>>) target(%dma_start3A_185 : memref<32x128xf32, #tpu.memory_space<vmem_shared>>) target_semaphore(%run_scoped3A : memref<!tpu.dma_semaphore, #tpu.memory_space<semaphore_mem>>)
        %dma_wait3A_186 = arith.constant 0 : i32
        %dma_wait3A_187 = tpu.memref_slice %arg11[%add3A_165, %dma_wait3A_186] : memref<10240x128xf32, #tpu.memory_space<vmem_shared>> -> memref<32x128xf32, #tpu.memory_space<vmem_shared>>
        %dma_wait3A_188 = arith.constant 0 : i32
        %dma_wait3A_189 = tpu.memref_slice %arg11[%add3A_165, %dma_wait3A_188] : memref<10240x128xf32, #tpu.memory_space<vmem_shared>> -> memref<32x128xf32, #tpu.memory_space<vmem_shared>>
        tpu.wait_dma2 semaphore(%run_scoped3A : memref<!tpu.dma_semaphore, #tpu.memory_space<semaphore_mem>>) src(%arg10 : memref<32x128xf32, #tpu.memory_space<vmem>>) dst(%dma_wait3A_189 : memref<32x128xf32, #tpu.memory_space<vmem_shared>>)
        tpu.yield
      }) : () -> ()
      %mul3A_166 = arith.constant 640 : i32
      %mul3A_167 = arith.muli %arg1, %mul3A_166 : i32
      %add3A_168 = arith.constant 512 : i32
      %add3A_169 = arith.addi %mul3A_167, %add3A_168 : i32
      "tpu.region"() ({
        %run_scoped3A = tpu.sem_alloc : memref<!tpu.dma_semaphore, #tpu.memory_space<semaphore_mem>>
        %dma_start3A_182 = arith.constant 0 : i32
        %dma_start3A_183 = tpu.memref_slice %arg11[%add3A_169, %dma_start3A_182] : memref<10240x128xf32, #tpu.memory_space<vmem_shared>> -> memref<32x128xf32, #tpu.memory_space<vmem_shared>>
        %dma_start3A_184 = arith.constant 0 : i32
        %dma_start3A_185 = tpu.memref_slice %arg11[%add3A_169, %dma_start3A_184] : memref<10240x128xf32, #tpu.memory_space<vmem_shared>> -> memref<32x128xf32, #tpu.memory_space<vmem_shared>>
        tpu.enqueue_dma source(%arg10 : memref<32x128xf32, #tpu.memory_space<vmem>>) target(%dma_start3A_185 : memref<32x128xf32, #tpu.memory_space<vmem_shared>>) target_semaphore(%run_scoped3A : memref<!tpu.dma_semaphore, #tpu.memory_space<semaphore_mem>>)
        %dma_wait3A_186 = arith.constant 0 : i32
        %dma_wait3A_187 = tpu.memref_slice %arg11[%add3A_169, %dma_wait3A_186] : memref<10240x128xf32, #tpu.memory_space<vmem_shared>> -> memref<32x128xf32, #tpu.memory_space<vmem_shared>>
        %dma_wait3A_188 = arith.constant 0 : i32
        %dma_wait3A_189 = tpu.memref_slice %arg11[%add3A_169, %dma_wait3A_188] : memref<10240x128xf32, #tpu.memory_space<vmem_shared>> -> memref<32x128xf32, #tpu.memory_space<vmem_shared>>
        tpu.wait_dma2 semaphore(%run_scoped3A : memref<!tpu.dma_semaphore, #tpu.memory_space<semaphore_mem>>) src(%arg10 : memref<32x128xf32, #tpu.memory_space<vmem>>) dst(%dma_wait3A_189 : memref<32x128xf32, #tpu.memory_space<vmem_shared>>)
        tpu.yield
      }) : () -> ()
      %mul3A_170 = arith.constant 640 : i32
      %mul3A_171 = arith.muli %arg1, %mul3A_170 : i32
      %add3A_172 = arith.constant 544 : i32
      %add3A_173 = arith.addi %mul3A_171, %add3A_172 : i32
      "tpu.region"() ({
        %run_scoped3A = tpu.sem_alloc : memref<!tpu.dma_semaphore, #tpu.memory_space<semaphore_mem>>
        %dma_start3A_182 = arith.constant 0 : i32
        %dma_start3A_183 = tpu.memref_slice %arg11[%add3A_173, %dma_start3A_182] : memref<10240x128xf32, #tpu.memory_space<vmem_shared>> -> memref<32x128xf32, #tpu.memory_space<vmem_shared>>
        %dma_start3A_184 = arith.constant 0 : i32
        %dma_start3A_185 = tpu.memref_slice %arg11[%add3A_173, %dma_start3A_184] : memref<10240x128xf32, #tpu.memory_space<vmem_shared>> -> memref<32x128xf32, #tpu.memory_space<vmem_shared>>
        tpu.enqueue_dma source(%arg10 : memref<32x128xf32, #tpu.memory_space<vmem>>) target(%dma_start3A_185 : memref<32x128xf32, #tpu.memory_space<vmem_shared>>) target_semaphore(%run_scoped3A : memref<!tpu.dma_semaphore, #tpu.memory_space<semaphore_mem>>)
        %dma_wait3A_186 = arith.constant 0 : i32
        %dma_wait3A_187 = tpu.memref_slice %arg11[%add3A_173, %dma_wait3A_186] : memref<10240x128xf32, #tpu.memory_space<vmem_shared>> -> memref<32x128xf32, #tpu.memory_space<vmem_shared>>
        %dma_wait3A_188 = arith.constant 0 : i32
        %dma_wait3A_189 = tpu.memref_slice %arg11[%add3A_173, %dma_wait3A_188] : memref<10240x128xf32, #tpu.memory_space<vmem_shared>> -> memref<32x128xf32, #tpu.memory_space<vmem_shared>>
        tpu.wait_dma2 semaphore(%run_scoped3A : memref<!tpu.dma_semaphore, #tpu.memory_space<semaphore_mem>>) src(%arg10 : memref<32x128xf32, #tpu.memory_space<vmem>>) dst(%dma_wait3A_189 : memref<32x128xf32, #tpu.memory_space<vmem_shared>>)
        tpu.yield
      }) : () -> ()
      %mul3A_174 = arith.constant 640 : i32
      %mul3A_175 = arith.muli %arg1, %mul3A_174 : i32
      %add3A_176 = arith.constant 576 : i32
      %add3A_177 = arith.addi %mul3A_175, %add3A_176 : i32
      "tpu.region"() ({
        %run_scoped3A = tpu.sem_alloc : memref<!tpu.dma_semaphore, #tpu.memory_space<semaphore_mem>>
        %dma_start3A_182 = arith.constant 0 : i32
        %dma_start3A_183 = tpu.memref_slice %arg11[%add3A_177, %dma_start3A_182] : memref<10240x128xf32, #tpu.memory_space<vmem_shared>> -> memref<32x128xf32, #tpu.memory_space<vmem_shared>>
        %dma_start3A_184 = arith.constant 0 : i32
        %dma_start3A_185 = tpu.memref_slice %arg11[%add3A_177, %dma_start3A_184] : memref<10240x128xf32, #tpu.memory_space<vmem_shared>> -> memref<32x128xf32, #tpu.memory_space<vmem_shared>>
        tpu.enqueue_dma source(%arg10 : memref<32x128xf32, #tpu.memory_space<vmem>>) target(%dma_start3A_185 : memref<32x128xf32, #tpu.memory_space<vmem_shared>>) target_semaphore(%run_scoped3A : memref<!tpu.dma_semaphore, #tpu.memory_space<semaphore_mem>>)
        %dma_wait3A_186 = arith.constant 0 : i32
        %dma_wait3A_187 = tpu.memref_slice %arg11[%add3A_177, %dma_wait3A_186] : memref<10240x128xf32, #tpu.memory_space<vmem_shared>> -> memref<32x128xf32, #tpu.memory_space<vmem_shared>>
        %dma_wait3A_188 = arith.constant 0 : i32
        %dma_wait3A_189 = tpu.memref_slice %arg11[%add3A_177, %dma_wait3A_188] : memref<10240x128xf32, #tpu.memory_space<vmem_shared>> -> memref<32x128xf32, #tpu.memory_space<vmem_shared>>
        tpu.wait_dma2 semaphore(%run_scoped3A : memref<!tpu.dma_semaphore, #tpu.memory_space<semaphore_mem>>) src(%arg10 : memref<32x128xf32, #tpu.memory_space<vmem>>) dst(%dma_wait3A_189 : memref<32x128xf32, #tpu.memory_space<vmem_shared>>)
        tpu.yield
      }) : () -> ()
      %mul3A_178 = arith.constant 640 : i32
      %mul3A_179 = arith.muli %arg1, %mul3A_178 : i32
      %add3A_180 = arith.constant 608 : i32
      %add3A_181 = arith.addi %mul3A_179, %add3A_180 : i32
      "tpu.region"() ({
        %run_scoped3A = tpu.sem_alloc : memref<!tpu.dma_semaphore, #tpu.memory_space<semaphore_mem>>
        %dma_start3A_182 = arith.constant 0 : i32
        %dma_start3A_183 = tpu.memref_slice %arg11[%add3A_181, %dma_start3A_182] : memref<10240x128xf32, #tpu.memory_space<vmem_shared>> -> memref<32x128xf32, #tpu.memory_space<vmem_shared>>
        %dma_start3A_184 = arith.constant 0 : i32
        %dma_start3A_185 = tpu.memref_slice %arg11[%add3A_181, %dma_start3A_184] : memref<10240x128xf32, #tpu.memory_space<vmem_shared>> -> memref<32x128xf32, #tpu.memory_space<vmem_shared>>
        tpu.enqueue_dma source(%arg10 : memref<32x128xf32, #tpu.memory_space<vmem>>) target(%dma_start3A_185 : memref<32x128xf32, #tpu.memory_space<vmem_shared>>) target_semaphore(%run_scoped3A : memref<!tpu.dma_semaphore, #tpu.memory_space<semaphore_mem>>)
        %dma_wait3A_186 = arith.constant 0 : i32
        %dma_wait3A_187 = tpu.memref_slice %arg11[%add3A_181, %dma_wait3A_186] : memref<10240x128xf32, #tpu.memory_space<vmem_shared>> -> memref<32x128xf32, #tpu.memory_space<vmem_shared>>
        %dma_wait3A_188 = arith.constant 0 : i32
        %dma_wait3A_189 = tpu.memref_slice %arg11[%add3A_181, %dma_wait3A_188] : memref<10240x128xf32, #tpu.memory_space<vmem_shared>> -> memref<32x128xf32, #tpu.memory_space<vmem_shared>>
        tpu.wait_dma2 semaphore(%run_scoped3A : memref<!tpu.dma_semaphore, #tpu.memory_space<semaphore_mem>>) src(%arg10 : memref<32x128xf32, #tpu.memory_space<vmem>>) dst(%dma_wait3A_189 : memref<32x128xf32, #tpu.memory_space<vmem_shared>>)
        tpu.yield
      }) : () -> ()
    } else {
    }
    %barrier3A = arith.constant 0 : index
    tpu.barrier barrier_id(%barrier3A)
    %mul3A_17 = arith.constant 80 : i32
    %mul3A_18 = arith.muli %add3A, %mul3A_17 : i32
    %add3A_19 = arith.constant 0 : i32
    %add3A_20 = arith.addi %mul3A_18, %add3A_19 : i32
    %dma_start3A = arith.constant 0 : i32
    %dma_start3A_21 = tpu.memref_slice %arg2[%add3A_20, %dma_start3A] : memref<2560x125xi32, #tpu.memory_space<hbm>> -> memref<40x125xi32, #tpu.memory_space<hbm>>
    %dma_start3A_22 = arith.constant 0 : i32
    %dma_start3A_23 = tpu.memref_slice %arg2[%add3A_20, %dma_start3A_22] : memref<2560x125xi32, #tpu.memory_space<hbm>> -> memref<40x125xi32, #tpu.memory_space<hbm>>
    tpu.enqueue_dma source(%dma_start3A_23 : memref<40x125xi32, #tpu.memory_space<hbm>>) target(%arg6 : memref<40x125xi32, #tpu.memory_space<vmem>>) target_semaphore(%arg14 : memref<!tpu.dma_semaphore, #tpu.memory_space<semaphore_mem>>)
    %dma_wait3A = arith.constant 0 : i32
    %dma_wait3A_24 = tpu.memref_slice %arg2[%add3A_20, %dma_wait3A] : memref<2560x125xi32, #tpu.memory_space<hbm>> -> memref<40x125xi32, #tpu.memory_space<hbm>>
    %dma_wait3A_25 = arith.constant 0 : i32
    %dma_wait3A_26 = tpu.memref_slice %arg2[%add3A_20, %dma_wait3A_25] : memref<2560x125xi32, #tpu.memory_space<hbm>> -> memref<40x125xi32, #tpu.memory_space<hbm>>
    tpu.wait_dma2 semaphore(%arg14 : memref<!tpu.dma_semaphore, #tpu.memory_space<semaphore_mem>>) src(%dma_wait3A_26 : memref<40x125xi32, #tpu.memory_space<hbm>>) dst(%arg6 : memref<40x125xi32, #tpu.memory_space<vmem>>)
    %mul3A_27 = arith.constant 80 : i32
    %mul3A_28 = arith.muli %add3A, %mul3A_27 : i32
    %add3A_29 = arith.constant 0 : i32
    %add3A_30 = arith.addi %mul3A_28, %add3A_29 : i32
    %dma_start3A_31 = arith.constant 0 : i32
    %dma_start3A_32 = tpu.memref_slice %arg3[%add3A_30, %dma_start3A_31] : memref<2560x125xi32, #tpu.memory_space<hbm>> -> memref<40x125xi32, #tpu.memory_space<hbm>>
    %dma_start3A_33 = arith.constant 0 : i32
    %dma_start3A_34 = tpu.memref_slice %arg3[%add3A_30, %dma_start3A_33] : memref<2560x125xi32, #tpu.memory_space<hbm>> -> memref<40x125xi32, #tpu.memory_space<hbm>>
    tpu.enqueue_dma source(%dma_start3A_34 : memref<40x125xi32, #tpu.memory_space<hbm>>) target(%arg7 : memref<40x125xi32, #tpu.memory_space<vmem>>) target_semaphore(%arg14 : memref<!tpu.dma_semaphore, #tpu.memory_space<semaphore_mem>>)
    %dma_wait3A_35 = arith.constant 0 : i32
    %dma_wait3A_36 = tpu.memref_slice %arg3[%add3A_30, %dma_wait3A_35] : memref<2560x125xi32, #tpu.memory_space<hbm>> -> memref<40x125xi32, #tpu.memory_space<hbm>>
    %dma_wait3A_37 = arith.constant 0 : i32
    %dma_wait3A_38 = tpu.memref_slice %arg3[%add3A_30, %dma_wait3A_37] : memref<2560x125xi32, #tpu.memory_space<hbm>> -> memref<40x125xi32, #tpu.memory_space<hbm>>
    tpu.wait_dma2 semaphore(%arg14 : memref<!tpu.dma_semaphore, #tpu.memory_space<semaphore_mem>>) src(%dma_wait3A_38 : memref<40x125xi32, #tpu.memory_space<hbm>>) dst(%arg7 : memref<40x125xi32, #tpu.memory_space<vmem>>)
    %dma_start3A_39 = arith.constant 0 : i32
    %dma_start3A_40 = arith.constant 0 : i32
    %dma_start3A_41 = tpu.memref_slice %arg6[%dma_start3A_39, %dma_start3A_40] : memref<40x125xi32, #tpu.memory_space<vmem>> -> memref<1x125xi32, #tpu.memory_space<vmem>>
    %dma_start3A_42 = tpu.memref_squeeze %dma_start3A_41 : memref<1x125xi32, #tpu.memory_space<vmem>> -> memref<125xi32, #tpu.memory_space<vmem>>
    %dma_start3A_43 = arith.constant 0 : i32
    %dma_start3A_44 = arith.constant 0 : i32
    %dma_start3A_45 = tpu.memref_slice %arg4[%dma_start3A_43, %dma_start3A_44] : memref<10000x128xf32, #tpu.memory_space<hbm>> -> memref<10000x128xf32, #tpu.memory_space<hbm>>
    tpu.enqueue_indirect_dma source(%dma_start3A_45 : memref<10000x128xf32, #tpu.memory_space<hbm>>) target(%arg8 : memref<125x128xf32, #tpu.memory_space<vmem>>) offsets(%dma_start3A_42 : memref<125xi32, #tpu.memory_space<vmem>>) semaphore(%arg12 : memref<!tpu.dma_semaphore, #tpu.memory_space<semaphore_mem>>)
    %scan3A = arith.constant 0 : i32
    %scan3A_46 = arith.constant 0 : i32
    %scan3A_47 = arith.constant 20 : i32
    %scan3A_48 = arith.addi %scan3A_46, %scan3A_47 : i32
    %scan3A_49 = arith.constant 1 : i32
    scf.for %scan3A_96 = %scan3A_46 to %scan3A_48 step %scan3A_49  : i32 {
      %mul3A_97 = arith.constant 2 : i32
      %mul3A_98 = arith.muli %mul3A_97, %scan3A_96 : i32
      %add3A_99 = arith.constant 1 : i32
      %add3A_100 = arith.addi %mul3A_98, %add3A_99 : i32
      %dma_start3A_101 = arith.constant 0 : i32
      %dma_start3A_102 = tpu.memref_slice %arg6[%add3A_100, %dma_start3A_101] : memref<40x125xi32, #tpu.memory_space<vmem>> -> memref<1x125xi32, #tpu.memory_space<vmem>>
      %dma_start3A_103 = tpu.memref_squeeze %dma_start3A_102 : memref<1x125xi32, #tpu.memory_space<vmem>> -> memref<125xi32, #tpu.memory_space<vmem>>
      %dma_start3A_104 = arith.constant 0 : i32
      %dma_start3A_105 = arith.constant 0 : i32
      %dma_start3A_106 = tpu.memref_slice %arg4[%dma_start3A_104, %dma_start3A_105] : memref<10000x128xf32, #tpu.memory_space<hbm>> -> memref<10000x128xf32, #tpu.memory_space<hbm>>
      tpu.enqueue_indirect_dma source(%dma_start3A_106 : memref<10000x128xf32, #tpu.memory_space<hbm>>) target(%arg9 : memref<125x128xf32, #tpu.memory_space<vmem>>) offsets(%dma_start3A_103 : memref<125xi32, #tpu.memory_space<vmem>>) semaphore(%arg13 : memref<!tpu.dma_semaphore, #tpu.memory_space<semaphore_mem>>)
      %mul3A_107 = arith.constant 2 : i32
      %mul3A_108 = arith.muli %mul3A_107, %scan3A_96 : i32
      %dma_wait3A_109 = arith.constant 0 : i32
      %dma_wait3A_110 = tpu.memref_slice %arg6[%mul3A_108, %dma_wait3A_109] : memref<40x125xi32, #tpu.memory_space<vmem>> -> memref<1x125xi32, #tpu.memory_space<vmem>>
      %dma_wait3A_111 = tpu.memref_squeeze %dma_wait3A_110 : memref<1x125xi32, #tpu.memory_space<vmem>> -> memref<125xi32, #tpu.memory_space<vmem>>
      %dma_wait3A_112 = arith.constant 0 : i32
      %dma_wait3A_113 = arith.constant 0 : i32
      %dma_wait3A_114 = tpu.memref_slice %arg4[%dma_wait3A_112, %dma_wait3A_113] : memref<10000x128xf32, #tpu.memory_space<hbm>> -> memref<10000x128xf32, #tpu.memory_space<hbm>>
      tpu.wait_indirect_dma semaphore(%arg12 : memref<!tpu.dma_semaphore, #tpu.memory_space<semaphore_mem>>) src(%dma_wait3A_114 : memref<10000x128xf32, #tpu.memory_space<hbm>>) dst(%arg8 : memref<125x128xf32, #tpu.memory_space<vmem>>)
      %mul3A_115 = arith.constant 2 : i32
      %mul3A_116 = arith.muli %mul3A_115, %scan3A_96 : i32
      "tpu.region"() ({
        %run_scoped3A = tpu.sem_alloc : memref<!tpu.dma_semaphore, #tpu.memory_space<semaphore_mem>>
        %dma_start3A_136 = arith.constant 0 : i32
        %dma_start3A_137 = tpu.memref_slice %arg7[%mul3A_116, %dma_start3A_136] : memref<40x125xi32, #tpu.memory_space<vmem>> -> memref<1x125xi32, #tpu.memory_space<vmem>>
        %dma_start3A_138 = tpu.memref_squeeze %dma_start3A_137 : memref<1x125xi32, #tpu.memory_space<vmem>> -> memref<125xi32, #tpu.memory_space<vmem>>
        %dma_start3A_139 = arith.constant 0 : i32
        %dma_start3A_140 = arith.constant 0 : i32
        %dma_start3A_141 = tpu.memref_slice %arg11[%dma_start3A_139, %dma_start3A_140] : memref<10240x128xf32, #tpu.memory_space<vmem_shared>> -> memref<10240x128xf32, #tpu.memory_space<vmem_shared>>
        tpu.enqueue_indirect_dma source(%arg8 : memref<125x128xf32, #tpu.memory_space<vmem>>) target(%dma_start3A_141 : memref<10240x128xf32, #tpu.memory_space<vmem_shared>>) offsets(%dma_start3A_138 : memref<125xi32, #tpu.memory_space<vmem>>) semaphore(%run_scoped3A : memref<!tpu.dma_semaphore, #tpu.memory_space<semaphore_mem>>) {add = true}
        %dma_wait3A_142 = arith.constant 0 : i32
        %dma_wait3A_143 = tpu.memref_slice %arg7[%mul3A_116, %dma_wait3A_142] : memref<40x125xi32, #tpu.memory_space<vmem>> -> memref<1x125xi32, #tpu.memory_space<vmem>>
        %dma_wait3A_144 = tpu.memref_squeeze %dma_wait3A_143 : memref<1x125xi32, #tpu.memory_space<vmem>> -> memref<125xi32, #tpu.memory_space<vmem>>
        %dma_wait3A_145 = arith.constant 0 : i32
        %dma_wait3A_146 = arith.constant 0 : i32
        %dma_wait3A_147 = tpu.memref_slice %arg11[%dma_wait3A_145, %dma_wait3A_146] : memref<10240x128xf32, #tpu.memory_space<vmem_shared>> -> memref<10240x128xf32, #tpu.memory_space<vmem_shared>>
        tpu.wait_indirect_dma semaphore(%run_scoped3A : memref<!tpu.dma_semaphore, #tpu.memory_space<semaphore_mem>>) src(%arg8 : memref<125x128xf32, #tpu.memory_space<vmem>>) dst(%dma_wait3A_147 : memref<10240x128xf32, #tpu.memory_space<vmem_shared>>)
        tpu.yield
      }) : () -> ()
      %lt3A_117 = arith.constant 19 : i32
      %lt3A_118 = arith.cmpi slt, %scan3A_96, %lt3A_117 : i32
      %convert_element_type3A_119 = arith.extui %lt3A_118 : i1 to i32
      %cond3A_120 = arith.constant 0 : i32
      %cond3A_121 = arith.cmpi ne, %convert_element_type3A_119, %cond3A_120 : i32
      scf.if %cond3A_121 {
        %mul3A_136 = arith.constant 2 : i32
        %mul3A_137 = arith.muli %mul3A_136, %scan3A_96 : i32
        %add3A_138 = arith.constant 2 : i32
        %add3A_139 = arith.addi %mul3A_137, %add3A_138 : i32
        %dma_start3A_140 = arith.constant 0 : i32
        %dma_start3A_141 = tpu.memref_slice %arg6[%add3A_139, %dma_start3A_140] : memref<40x125xi32, #tpu.memory_space<vmem>> -> memref<1x125xi32, #tpu.memory_space<vmem>>
        %dma_start3A_142 = tpu.memref_squeeze %dma_start3A_141 : memref<1x125xi32, #tpu.memory_space<vmem>> -> memref<125xi32, #tpu.memory_space<vmem>>
        %dma_start3A_143 = arith.constant 0 : i32
        %dma_start3A_144 = arith.constant 0 : i32
        %dma_start3A_145 = tpu.memref_slice %arg4[%dma_start3A_143, %dma_start3A_144] : memref<10000x128xf32, #tpu.memory_space<hbm>> -> memref<10000x128xf32, #tpu.memory_space<hbm>>
        tpu.enqueue_indirect_dma source(%dma_start3A_145 : memref<10000x128xf32, #tpu.memory_space<hbm>>) target(%arg8 : memref<125x128xf32, #tpu.memory_space<vmem>>) offsets(%dma_start3A_142 : memref<125xi32, #tpu.memory_space<vmem>>) semaphore(%arg12 : memref<!tpu.dma_semaphore, #tpu.memory_space<semaphore_mem>>)
      } else {
      }
      %mul3A_122 = arith.constant 2 : i32
      %mul3A_123 = arith.muli %mul3A_122, %scan3A_96 : i32
      %add3A_124 = arith.constant 1 : i32
      %add3A_125 = arith.addi %mul3A_123, %add3A_124 : i32
      %dma_wait3A_126 = arith.constant 0 : i32
      %dma_wait3A_127 = tpu.memref_slice %arg6[%add3A_125, %dma_wait3A_126] : memref<40x125xi32, #tpu.memory_space<vmem>> -> memref<1x125xi32, #tpu.memory_space<vmem>>
      %dma_wait3A_128 = tpu.memref_squeeze %dma_wait3A_127 : memref<1x125xi32, #tpu.memory_space<vmem>> -> memref<125xi32, #tpu.memory_space<vmem>>
      %dma_wait3A_129 = arith.constant 0 : i32
      %dma_wait3A_130 = arith.constant 0 : i32
      %dma_wait3A_131 = tpu.memref_slice %arg4[%dma_wait3A_129, %dma_wait3A_130] : memref<10000x128xf32, #tpu.memory_space<hbm>> -> memref<10000x128xf32, #tpu.memory_space<hbm>>
      tpu.wait_indirect_dma semaphore(%arg13 : memref<!tpu.dma_semaphore, #tpu.memory_space<semaphore_mem>>) src(%dma_wait3A_131 : memref<10000x128xf32, #tpu.memory_space<hbm>>) dst(%arg9 : memref<125x128xf32, #tpu.memory_space<vmem>>)
      %mul3A_132 = arith.constant 2 : i32
      %mul3A_133 = arith.muli %mul3A_132, %scan3A_96 : i32
      %add3A_134 = arith.constant 1 : i32
      %add3A_135 = arith.addi %mul3A_133, %add3A_134 : i32
      "tpu.region"() ({
        %run_scoped3A = tpu.sem_alloc : memref<!tpu.dma_semaphore, #tpu.memory_space<semaphore_mem>>
        %dma_start3A_136 = arith.constant 0 : i32
        %dma_start3A_137 = tpu.memref_slice %arg7[%add3A_135, %dma_start3A_136] : memref<40x125xi32, #tpu.memory_space<vmem>> -> memref<1x125xi32, #tpu.memory_space<vmem>>
        %dma_start3A_138 = tpu.memref_squeeze %dma_start3A_137 : memref<1x125xi32, #tpu.memory_space<vmem>> -> memref<125xi32, #tpu.memory_space<vmem>>
        %dma_start3A_139 = arith.constant 0 : i32
        %dma_start3A_140 = arith.constant 0 : i32
        %dma_start3A_141 = tpu.memref_slice %arg11[%dma_start3A_139, %dma_start3A_140] : memref<10240x128xf32, #tpu.memory_space<vmem_shared>> -> memref<10240x128xf32, #tpu.memory_space<vmem_shared>>
        tpu.enqueue_indirect_dma source(%arg9 : memref<125x128xf32, #tpu.memory_space<vmem>>) target(%dma_start3A_141 : memref<10240x128xf32, #tpu.memory_space<vmem_shared>>) offsets(%dma_start3A_138 : memref<125xi32, #tpu.memory_space<vmem>>) semaphore(%run_scoped3A : memref<!tpu.dma_semaphore, #tpu.memory_space<semaphore_mem>>) {add = true}
        %dma_wait3A_142 = arith.constant 0 : i32
        %dma_wait3A_143 = tpu.memref_slice %arg7[%add3A_135, %dma_wait3A_142] : memref<40x125xi32, #tpu.memory_space<vmem>> -> memref<1x125xi32, #tpu.memory_space<vmem>>
        %dma_wait3A_144 = tpu.memref_squeeze %dma_wait3A_143 : memref<1x125xi32, #tpu.memory_space<vmem>> -> memref<125xi32, #tpu.memory_space<vmem>>
        %dma_wait3A_145 = arith.constant 0 : i32
        %dma_wait3A_146 = arith.constant 0 : i32
        %dma_wait3A_147 = tpu.memref_slice %arg11[%dma_wait3A_145, %dma_wait3A_146] : memref<10240x128xf32, #tpu.memory_space<vmem_shared>> -> memref<10240x128xf32, #tpu.memory_space<vmem_shared>>
        tpu.wait_indirect_dma semaphore(%run_scoped3A : memref<!tpu.dma_semaphore, #tpu.memory_space<semaphore_mem>>) src(%arg9 : memref<125x128xf32, #tpu.memory_space<vmem>>) dst(%dma_wait3A_147 : memref<10240x128xf32, #tpu.memory_space<vmem_shared>>)
        tpu.yield
      }) : () -> ()
    }
    %scan3A_50 = arith.constant 20 : i32
    %mul3A_51 = arith.constant 80 : i32
    %mul3A_52 = arith.muli %add3A, %mul3A_51 : i32
    %add3A_53 = arith.constant 40 : i32
    %add3A_54 = arith.addi %mul3A_52, %add3A_53 : i32
    %dma_start3A_55 = arith.constant 0 : i32
    %dma_start3A_56 = tpu.memref_slice %arg2[%add3A_54, %dma_start3A_55] : memref<2560x125xi32, #tpu.memory_space<hbm>> -> memref<40x125xi32, #tpu.memory_space<hbm>>
    %dma_start3A_57 = arith.constant 0 : i32
    %dma_start3A_58 = tpu.memref_slice %arg2[%add3A_54, %dma_start3A_57] : memref<2560x125xi32, #tpu.memory_space<hbm>> -> memref<40x125xi32, #tpu.memory_space<hbm>>
    tpu.enqueue_dma source(%dma_start3A_58 : memref<40x125xi32, #tpu.memory_space<hbm>>) target(%arg6 : memref<40x125xi32, #tpu.memory_space<vmem>>) target_semaphore(%arg14 : memref<!tpu.dma_semaphore, #tpu.memory_space<semaphore_mem>>)
    %dma_wait3A_59 = arith.constant 0 : i32
    %dma_wait3A_60 = tpu.memref_slice %arg2[%add3A_54, %dma_wait3A_59] : memref<2560x125xi32, #tpu.memory_space<hbm>> -> memref<40x125xi32, #tpu.memory_space<hbm>>
    %dma_wait3A_61 = arith.constant 0 : i32
    %dma_wait3A_62 = tpu.memref_slice %arg2[%add3A_54, %dma_wait3A_61] : memref<2560x125xi32, #tpu.memory_space<hbm>> -> memref<40x125xi32, #tpu.memory_space<hbm>>
    tpu.wait_dma2 semaphore(%arg14 : memref<!tpu.dma_semaphore, #tpu.memory_space<semaphore_mem>>) src(%dma_wait3A_62 : memref<40x125xi32, #tpu.memory_space<hbm>>) dst(%arg6 : memref<40x125xi32, #tpu.memory_space<vmem>>)
    %mul3A_63 = arith.constant 80 : i32
    %mul3A_64 = arith.muli %add3A, %mul3A_63 : i32
    %add3A_65 = arith.constant 40 : i32
    %add3A_66 = arith.addi %mul3A_64, %add3A_65 : i32
    %dma_start3A_67 = arith.constant 0 : i32
    %dma_start3A_68 = tpu.memref_slice %arg3[%add3A_66, %dma_start3A_67] : memref<2560x125xi32, #tpu.memory_space<hbm>> -> memref<40x125xi32, #tpu.memory_space<hbm>>
    %dma_start3A_69 = arith.constant 0 : i32
    %dma_start3A_70 = tpu.memref_slice %arg3[%add3A_66, %dma_start3A_69] : memref<2560x125xi32, #tpu.memory_space<hbm>> -> memref<40x125xi32, #tpu.memory_space<hbm>>
    tpu.enqueue_dma source(%dma_start3A_70 : memref<40x125xi32, #tpu.memory_space<hbm>>) target(%arg7 : memref<40x125xi32, #tpu.memory_space<vmem>>) target_semaphore(%arg14 : memref<!tpu.dma_semaphore, #tpu.memory_space<semaphore_mem>>)
    %dma_wait3A_71 = arith.constant 0 : i32
    %dma_wait3A_72 = tpu.memref_slice %arg3[%add3A_66, %dma_wait3A_71] : memref<2560x125xi32, #tpu.memory_space<hbm>> -> memref<40x125xi32, #tpu.memory_space<hbm>>
    %dma_wait3A_73 = arith.constant 0 : i32
    %dma_wait3A_74 = tpu.memref_slice %arg3[%add3A_66, %dma_wait3A_73] : memref<2560x125xi32, #tpu.memory_space<hbm>> -> memref<40x125xi32, #tpu.memory_space<hbm>>
    tpu.wait_dma2 semaphore(%arg14 : memref<!tpu.dma_semaphore, #tpu.memory_space<semaphore_mem>>) src(%dma_wait3A_74 : memref<40x125xi32, #tpu.memory_space<hbm>>) dst(%arg7 : memref<40x125xi32, #tpu.memory_space<vmem>>)
    %dma_start3A_75 = arith.constant 0 : i32
    %dma_start3A_76 = arith.constant 0 : i32
    %dma_start3A_77 = tpu.memref_slice %arg6[%dma_start3A_75, %dma_start3A_76] : memref<40x125xi32, #tpu.memory_space<vmem>> -> memref<1x125xi32, #tpu.memory_space<vmem>>
    %dma_start3A_78 = tpu.memref_squeeze %dma_start3A_77 : memref<1x125xi32, #tpu.memory_space<vmem>> -> memref<125xi32, #tpu.memory_space<vmem>>
    %dma_start3A_79 = arith.constant 0 : i32
    %dma_start3A_80 = arith.constant 0 : i32
    %dma_start3A_81 = tpu.memref_slice %arg4[%dma_start3A_79, %dma_start3A_80] : memref<10000x128xf32, #tpu.memory_space<hbm>> -> memref<10000x128xf32, #tpu.memory_space<hbm>>
    tpu.enqueue_indirect_dma source(%dma_start3A_81 : memref<10000x128xf32, #tpu.memory_space<hbm>>) target(%arg8 : memref<125x128xf32, #tpu.memory_space<vmem>>) offsets(%dma_start3A_78 : memref<125xi32, #tpu.memory_space<vmem>>) semaphore(%arg12 : memref<!tpu.dma_semaphore, #tpu.memory_space<semaphore_mem>>)
    %scan3A_82 = arith.constant 0 : i32
    %scan3A_83 = arith.constant 0 : i32
    %scan3A_84 = arith.constant 20 : i32
    %scan3A_85 = arith.addi %scan3A_83, %scan3A_84 : i32
    %scan3A_86 = arith.constant 1 : i32
    scf.for %scan3A_96 = %scan3A_83 to %scan3A_85 step %scan3A_86  : i32 {
      %mul3A_97 = arith.constant 2 : i32
      %mul3A_98 = arith.muli %mul3A_97, %scan3A_96 : i32
      %add3A_99 = arith.constant 1 : i32
      %add3A_100 = arith.addi %mul3A_98, %add3A_99 : i32
      %dma_start3A_101 = arith.constant 0 : i32
      %dma_start3A_102 = tpu.memref_slice %arg6[%add3A_100, %dma_start3A_101] : memref<40x125xi32, #tpu.memory_space<vmem>> -> memref<1x125xi32, #tpu.memory_space<vmem>>
      %dma_start3A_103 = tpu.memref_squeeze %dma_start3A_102 : memref<1x125xi32, #tpu.memory_space<vmem>> -> memref<125xi32, #tpu.memory_space<vmem>>
      %dma_start3A_104 = arith.constant 0 : i32
      %dma_start3A_105 = arith.constant 0 : i32
      %dma_start3A_106 = tpu.memref_slice %arg4[%dma_start3A_104, %dma_start3A_105] : memref<10000x128xf32, #tpu.memory_space<hbm>> -> memref<10000x128xf32, #tpu.memory_space<hbm>>
      tpu.enqueue_indirect_dma source(%dma_start3A_106 : memref<10000x128xf32, #tpu.memory_space<hbm>>) target(%arg9 : memref<125x128xf32, #tpu.memory_space<vmem>>) offsets(%dma_start3A_103 : memref<125xi32, #tpu.memory_space<vmem>>) semaphore(%arg13 : memref<!tpu.dma_semaphore, #tpu.memory_space<semaphore_mem>>)
      %mul3A_107 = arith.constant 2 : i32
      %mul3A_108 = arith.muli %mul3A_107, %scan3A_96 : i32
      %dma_wait3A_109 = arith.constant 0 : i32
      %dma_wait3A_110 = tpu.memref_slice %arg6[%mul3A_108, %dma_wait3A_109] : memref<40x125xi32, #tpu.memory_space<vmem>> -> memref<1x125xi32, #tpu.memory_space<vmem>>
      %dma_wait3A_111 = tpu.memref_squeeze %dma_wait3A_110 : memref<1x125xi32, #tpu.memory_space<vmem>> -> memref<125xi32, #tpu.memory_space<vmem>>
      %dma_wait3A_112 = arith.constant 0 : i32
      %dma_wait3A_113 = arith.constant 0 : i32
      %dma_wait3A_114 = tpu.memref_slice %arg4[%dma_wait3A_112, %dma_wait3A_113] : memref<10000x128xf32, #tpu.memory_space<hbm>> -> memref<10000x128xf32, #tpu.memory_space<hbm>>
      tpu.wait_indirect_dma semaphore(%arg12 : memref<!tpu.dma_semaphore, #tpu.memory_space<semaphore_mem>>) src(%dma_wait3A_114 : memref<10000x128xf32, #tpu.memory_space<hbm>>) dst(%arg8 : memref<125x128xf32, #tpu.memory_space<vmem>>)
      %mul3A_115 = arith.constant 2 : i32
      %mul3A_116 = arith.muli %mul3A_115, %scan3A_96 : i32
      "tpu.region"() ({
        %run_scoped3A = tpu.sem_alloc : memref<!tpu.dma_semaphore, #tpu.memory_space<semaphore_mem>>
        %dma_start3A_136 = arith.constant 0 : i32
        %dma_start3A_137 = tpu.memref_slice %arg7[%mul3A_116, %dma_start3A_136] : memref<40x125xi32, #tpu.memory_space<vmem>> -> memref<1x125xi32, #tpu.memory_space<vmem>>
        %dma_start3A_138 = tpu.memref_squeeze %dma_start3A_137 : memref<1x125xi32, #tpu.memory_space<vmem>> -> memref<125xi32, #tpu.memory_space<vmem>>
        %dma_start3A_139 = arith.constant 0 : i32
        %dma_start3A_140 = arith.constant 0 : i32
        %dma_start3A_141 = tpu.memref_slice %arg11[%dma_start3A_139, %dma_start3A_140] : memref<10240x128xf32, #tpu.memory_space<vmem_shared>> -> memref<10240x128xf32, #tpu.memory_space<vmem_shared>>
        tpu.enqueue_indirect_dma source(%arg8 : memref<125x128xf32, #tpu.memory_space<vmem>>) target(%dma_start3A_141 : memref<10240x128xf32, #tpu.memory_space<vmem_shared>>) offsets(%dma_start3A_138 : memref<125xi32, #tpu.memory_space<vmem>>) semaphore(%run_scoped3A : memref<!tpu.dma_semaphore, #tpu.memory_space<semaphore_mem>>) {add = true}
        %dma_wait3A_142 = arith.constant 0 : i32
        %dma_wait3A_143 = tpu.memref_slice %arg7[%mul3A_116, %dma_wait3A_142] : memref<40x125xi32, #tpu.memory_space<vmem>> -> memref<1x125xi32, #tpu.memory_space<vmem>>
        %dma_wait3A_144 = tpu.memref_squeeze %dma_wait3A_143 : memref<1x125xi32, #tpu.memory_space<vmem>> -> memref<125xi32, #tpu.memory_space<vmem>>
        %dma_wait3A_145 = arith.constant 0 : i32
        %dma_wait3A_146 = arith.constant 0 : i32
        %dma_wait3A_147 = tpu.memref_slice %arg11[%dma_wait3A_145, %dma_wait3A_146] : memref<10240x128xf32, #tpu.memory_space<vmem_shared>> -> memref<10240x128xf32, #tpu.memory_space<vmem_shared>>
        tpu.wait_indirect_dma semaphore(%run_scoped3A : memref<!tpu.dma_semaphore, #tpu.memory_space<semaphore_mem>>) src(%arg8 : memref<125x128xf32, #tpu.memory_space<vmem>>) dst(%dma_wait3A_147 : memref<10240x128xf32, #tpu.memory_space<vmem_shared>>)
        tpu.yield
      }) : () -> ()
      %lt3A_117 = arith.constant 19 : i32
      %lt3A_118 = arith.cmpi slt, %scan3A_96, %lt3A_117 : i32
      %convert_element_type3A_119 = arith.extui %lt3A_118 : i1 to i32
      %cond3A_120 = arith.constant 0 : i32
      %cond3A_121 = arith.cmpi ne, %convert_element_type3A_119, %cond3A_120 : i32
      scf.if %cond3A_121 {
        %mul3A_136 = arith.constant 2 : i32
        %mul3A_137 = arith.muli %mul3A_136, %scan3A_96 : i32
        %add3A_138 = arith.constant 2 : i32
        %add3A_139 = arith.addi %mul3A_137, %add3A_138 : i32
        %dma_start3A_140 = arith.constant 0 : i32
        %dma_start3A_141 = tpu.memref_slice %arg6[%add3A_139, %dma_start3A_140] : memref<40x125xi32, #tpu.memory_space<vmem>> -> memref<1x125xi32, #tpu.memory_space<vmem>>
        %dma_start3A_142 = tpu.memref_squeeze %dma_start3A_141 : memref<1x125xi32, #tpu.memory_space<vmem>> -> memref<125xi32, #tpu.memory_space<vmem>>
        %dma_start3A_143 = arith.constant 0 : i32
        %dma_start3A_144 = arith.constant 0 : i32
        %dma_start3A_145 = tpu.memref_slice %arg4[%dma_start3A_143, %dma_start3A_144] : memref<10000x128xf32, #tpu.memory_space<hbm>> -> memref<10000x128xf32, #tpu.memory_space<hbm>>
        tpu.enqueue_indirect_dma source(%dma_start3A_145 : memref<10000x128xf32, #tpu.memory_space<hbm>>) target(%arg8 : memref<125x128xf32, #tpu.memory_space<vmem>>) offsets(%dma_start3A_142 : memref<125xi32, #tpu.memory_space<vmem>>) semaphore(%arg12 : memref<!tpu.dma_semaphore, #tpu.memory_space<semaphore_mem>>)
      } else {
      }
      %mul3A_122 = arith.constant 2 : i32
      %mul3A_123 = arith.muli %mul3A_122, %scan3A_96 : i32
      %add3A_124 = arith.constant 1 : i32
      %add3A_125 = arith.addi %mul3A_123, %add3A_124 : i32
      %dma_wait3A_126 = arith.constant 0 : i32
      %dma_wait3A_127 = tpu.memref_slice %arg6[%add3A_125, %dma_wait3A_126] : memref<40x125xi32, #tpu.memory_space<vmem>> -> memref<1x125xi32, #tpu.memory_space<vmem>>
      %dma_wait3A_128 = tpu.memref_squeeze %dma_wait3A_127 : memref<1x125xi32, #tpu.memory_space<vmem>> -> memref<125xi32, #tpu.memory_space<vmem>>
      %dma_wait3A_129 = arith.constant 0 : i32
      %dma_wait3A_130 = arith.constant 0 : i32
      %dma_wait3A_131 = tpu.memref_slice %arg4[%dma_wait3A_129, %dma_wait3A_130] : memref<10000x128xf32, #tpu.memory_space<hbm>> -> memref<10000x128xf32, #tpu.memory_space<hbm>>
      tpu.wait_indirect_dma semaphore(%arg13 : memref<!tpu.dma_semaphore, #tpu.memory_space<semaphore_mem>>) src(%dma_wait3A_131 : memref<10000x128xf32, #tpu.memory_space<hbm>>) dst(%arg9 : memref<125x128xf32, #tpu.memory_space<vmem>>)
      %mul3A_132 = arith.constant 2 : i32
      %mul3A_133 = arith.muli %mul3A_132, %scan3A_96 : i32
      %add3A_134 = arith.constant 1 : i32
      %add3A_135 = arith.addi %mul3A_133, %add3A_134 : i32
      "tpu.region"() ({
        %run_scoped3A = tpu.sem_alloc : memref<!tpu.dma_semaphore, #tpu.memory_space<semaphore_mem>>
        %dma_start3A_136 = arith.constant 0 : i32
        %dma_start3A_137 = tpu.memref_slice %arg7[%add3A_135, %dma_start3A_136] : memref<40x125xi32, #tpu.memory_space<vmem>> -> memref<1x125xi32, #tpu.memory_space<vmem>>
        %dma_start3A_138 = tpu.memref_squeeze %dma_start3A_137 : memref<1x125xi32, #tpu.memory_space<vmem>> -> memref<125xi32, #tpu.memory_space<vmem>>
        %dma_start3A_139 = arith.constant 0 : i32
        %dma_start3A_140 = arith.constant 0 : i32
        %dma_start3A_141 = tpu.memref_slice %arg11[%dma_start3A_139, %dma_start3A_140] : memref<10240x128xf32, #tpu.memory_space<vmem_shared>> -> memref<10240x128xf32, #tpu.memory_space<vmem_shared>>
        tpu.enqueue_indirect_dma source(%arg9 : memref<125x128xf32, #tpu.memory_space<vmem>>) target(%dma_start3A_141 : memref<10240x128xf32, #tpu.memory_space<vmem_shared>>) offsets(%dma_start3A_138 : memref<125xi32, #tpu.memory_space<vmem>>) semaphore(%run_scoped3A : memref<!tpu.dma_semaphore, #tpu.memory_space<semaphore_mem>>) {add = true}
        %dma_wait3A_142 = arith.constant 0 : i32
        %dma_wait3A_143 = tpu.memref_slice %arg7[%add3A_135, %dma_wait3A_142] : memref<40x125xi32, #tpu.memory_space<vmem>> -> memref<1x125xi32, #tpu.memory_space<vmem>>
        %dma_wait3A_144 = tpu.memref_squeeze %dma_wait3A_143 : memref<1x125xi32, #tpu.memory_space<vmem>> -> memref<125xi32, #tpu.memory_space<vmem>>
        %dma_wait3A_145 = arith.constant 0 : i32
        %dma_wait3A_146 = arith.constant 0 : i32
        %dma_wait3A_147 = tpu.memref_slice %arg11[%dma_wait3A_145, %dma_wait3A_146] : memref<10240x128xf32, #tpu.memory_space<vmem_shared>> -> memref<10240x128xf32, #tpu.memory_space<vmem_shared>>
        tpu.wait_indirect_dma semaphore(%run_scoped3A : memref<!tpu.dma_semaphore, #tpu.memory_space<semaphore_mem>>) src(%arg9 : memref<125x128xf32, #tpu.memory_space<vmem>>) dst(%dma_wait3A_147 : memref<10240x128xf32, #tpu.memory_space<vmem_shared>>)
        tpu.yield
      }) : () -> ()
    }
    %scan3A_87 = arith.constant 20 : i32
    %barrier3A_88 = arith.constant 0 : index
    tpu.barrier barrier_id(%barrier3A_88)
    %mul3A_89 = arith.constant 640 : i32
    %mul3A_90 = arith.muli %arg1, %mul3A_89 : i32
    %mul3A_91 = arith.constant 10240 : i32
    %mul3A_92 = arith.muli %arg0, %mul3A_91 : i32
    %mul3A_93 = arith.constant 640 : i32
    %mul3A_94 = arith.muli %arg1, %mul3A_93 : i32
    %add3A_95 = arith.addi %mul3A_92, %mul3A_94 : i32
    "tpu.region"() ({
      %run_scoped3A = tpu.sem_alloc : memref<!tpu.dma_semaphore, #tpu.memory_space<semaphore_mem>>
      %dma_start3A_96 = arith.constant 0 : i32
      %dma_start3A_97 = tpu.memref_slice %arg5[%add3A_95, %dma_start3A_96] : memref<20480x128xf32, #tpu.memory_space<hbm>> -> memref<640x128xf32, #tpu.memory_space<hbm>>
      %dma_start3A_98 = arith.constant 0 : i32
      %dma_start3A_99 = tpu.memref_slice %arg11[%mul3A_90, %dma_start3A_98] : memref<10240x128xf32, #tpu.memory_space<vmem_shared>> -> memref<640x128xf32, #tpu.memory_space<vmem_shared>>
      tpu.enqueue_dma source(%dma_start3A_99 : memref<640x128xf32, #tpu.memory_space<vmem_shared>>) target(%dma_start3A_97 : memref<640x128xf32, #tpu.memory_space<hbm>>) target_semaphore(%run_scoped3A : memref<!tpu.dma_semaphore, #tpu.memory_space<semaphore_mem>>)
      %dma_wait3A_100 = arith.constant 0 : i32
      %dma_wait3A_101 = tpu.memref_slice %arg5[%add3A_95, %dma_wait3A_100] : memref<20480x128xf32, #tpu.memory_space<hbm>> -> memref<640x128xf32, #tpu.memory_space<hbm>>
      %dma_wait3A_102 = arith.constant 0 : i32
      %dma_wait3A_103 = tpu.memref_slice %arg11[%mul3A_90, %dma_wait3A_102] : memref<10240x128xf32, #tpu.memory_space<vmem_shared>> -> memref<640x128xf32, #tpu.memory_space<vmem_shared>>
      tpu.wait_dma2 semaphore(%run_scoped3A : memref<!tpu.dma_semaphore, #tpu.memory_space<semaphore_mem>>) src(%dma_wait3A_103 : memref<640x128xf32, #tpu.memory_space<vmem_shared>>) dst(%dma_wait3A_101 : memref<640x128xf32, #tpu.memory_space<hbm>>)
      tpu.yield
    }) : () -> ()
    return
  }
}

module attributes {stable_mosaic.version = 14 : i64} {
  func.func @_lin_body(%arg0: memref<20480xf32, #tpu.memory_space<vmem>>, %arg1: memref<10000x128xf32, #tpu.memory_space<vmem>>, %arg2: memref<128x128xf32, #tpu.memory_space<vmem>>, %arg3: memref<10000x128xf32, #tpu.memory_space<vmem>>) attributes {dimension_semantics = [], scalar_prefetch = 0 : i64, scratch_operands = 0 : i64, tpu.core_type = #tpu.core_type<tc>} {
    %get3A = arith.constant 0 : index
    %get3A_0 = vector.load %arg0[%get3A] : memref<20480xf32, #tpu.memory_space<vmem>>, vector<10000xf32>
    %get3A_1 = arith.constant 10240 : index
    %get3A_2 = vector.load %arg0[%get3A_1] : memref<20480xf32, #tpu.memory_space<vmem>>, vector<10000xf32>
    %add3A = arith.addf %get3A_0, %get3A_2 : vector<10000xf32>
    %add3A_3 = arith.constant 1.000000e+00 : f32
    %add3A_4 = vector.broadcast %add3A_3 : f32 to vector<10000xf32>
    %add3A_5 = arith.addf %add3A, %add3A_4 : vector<10000xf32>
    %rsqrt3A = math.rsqrt %add3A_5 : vector<10000xf32>
    %reshape3A = vector.shape_cast %rsqrt3A : vector<10000xf32> to vector<10000x1xf32>
    %get3A_6 = arith.constant 0 : index
    %get3A_7 = arith.constant 0 : index
    %get3A_8 = vector.load %arg1[%get3A_6, %get3A_7] : memref<10000x128xf32, #tpu.memory_space<vmem>>, vector<10000x128xf32>
    %get3A_9 = arith.constant 0 : index
    %get3A_10 = arith.constant 0 : index
    %get3A_11 = vector.load %arg2[%get3A_9, %get3A_10] : memref<128x128xf32, #tpu.memory_space<vmem>>, vector<128x128xf32>
    %dot_general3A = arith.constant dense<0.000000e+00> : vector<10000x128xf32>
    %dot_general3A_12 = tpu.matmul %get3A_8, %get3A_11, %dot_general3A {dimension_numbers = #tpu.dot_dimension_numbers<[1], [0], [0], [1], [0, 0, 1, 1], [], []>, transpose_lhs_hint = false} : vector<10000x128xf32>, vector<128x128xf32>, vector<10000x128xf32> -> vector<10000x128xf32>
    %mul3A = vector.broadcast %reshape3A : vector<10000x1xf32> to vector<10000x128xf32>
    %mul3A_13 = arith.mulf %dot_general3A_12, %mul3A : vector<10000x128xf32>
    %swap3A = arith.constant 0 : index
    %swap3A_14 = arith.constant 0 : index
    %swap3A_15 = vector.load %arg3[%swap3A, %swap3A_14] : memref<10000x128xf32, #tpu.memory_space<vmem>>, vector<10000x128xf32>
    tpu.vector_store %arg3[%swap3A, %swap3A_14], %mul3A_13 {strides = array<i32>} : memref<10000x128xf32, #tpu.memory_space<vmem>>, vector<10000x128xf32>,
    return
  }
}

module attributes {stable_mosaic.version = 14 : i64} {
  func.func @_mid_body(%arg0: memref<2x10240x128xf32, #tpu.memory_space<vmem>>, %arg1: memref<20480xf32, #tpu.memory_space<vmem>>, %arg2: memref<1x128xf32, #tpu.memory_space<vmem>>, %arg3: memref<1x128xf32, #tpu.memory_space<vmem>>, %arg4: memref<1x128xf32, #tpu.memory_space<vmem>>, %arg5: memref<1x128xf32, #tpu.memory_space<vmem>>, %arg6: memref<128x128xf32, #tpu.memory_space<vmem>>, %arg7: memref<10000x128xf32, #tpu.memory_space<vmem>>) attributes {dimension_semantics = [], scalar_prefetch = 0 : i64, scratch_operands = 0 : i64, tpu.core_type = #tpu.core_type<tc>} {
    %get3A = arith.constant 0 : index
    %get3A_0 = vector.load %arg1[%get3A] : memref<20480xf32, #tpu.memory_space<vmem>>, vector<10000xf32>
    %get3A_1 = arith.constant 10240 : index
    %get3A_2 = vector.load %arg1[%get3A_1] : memref<20480xf32, #tpu.memory_space<vmem>>, vector<10000xf32>
    %add3A = arith.addf %get3A_0, %get3A_2 : vector<10000xf32>
    %add3A_3 = arith.constant 1.000000e+00 : f32
    %add3A_4 = vector.broadcast %add3A_3 : f32 to vector<10000xf32>
    %add3A_5 = arith.addf %add3A, %add3A_4 : vector<10000xf32>
    %rsqrt3A = math.rsqrt %add3A_5 : vector<10000xf32>
    %reshape3A = vector.shape_cast %rsqrt3A : vector<10000xf32> to vector<10000x1xf32>
    %get3A_6 = arith.constant 0 : index
    %get3A_7 = arith.constant 0 : index
    %get3A_8 = arith.constant 0 : index
    %get3A_9 = vector.load %arg0[%get3A_6, %get3A_7, %get3A_8] : memref<2x10240x128xf32, #tpu.memory_space<vmem>>, vector<1x10000x128xf32>
    %get3A_10 = vector.shape_cast %get3A_9 : vector<1x10000x128xf32> to vector<10000x128xf32>
    %get3A_11 = arith.constant 1 : index
    %get3A_12 = arith.constant 0 : index
    %get3A_13 = arith.constant 0 : index
    %get3A_14 = vector.load %arg0[%get3A_11, %get3A_12, %get3A_13] : memref<2x10240x128xf32, #tpu.memory_space<vmem>>, vector<1x10000x128xf32>
    %get3A_15 = vector.shape_cast %get3A_14 : vector<1x10000x128xf32> to vector<10000x128xf32>
    %add3A_16 = arith.addf %get3A_10, %get3A_15 : vector<10000x128xf32>
    %mul3A = vector.broadcast %reshape3A : vector<10000x1xf32> to vector<10000x128xf32>
    %mul3A_17 = arith.mulf %add3A_16, %mul3A : vector<10000x128xf32>
    %get3A_18 = arith.constant 0 : index
    %get3A_19 = arith.constant 0 : index
    %get3A_20 = vector.load %arg2[%get3A_18, %get3A_19] : memref<1x128xf32, #tpu.memory_space<vmem>>, vector<1x128xf32>
    %add3A_21 = vector.broadcast %get3A_20 : vector<1x128xf32> to vector<10000x128xf32>
    %add3A_22 = arith.addf %mul3A_17, %add3A_21 : vector<10000x128xf32>
    %reduce_sum3A = arith.constant dense<0.000000e+00> : vector<128xf32>
    %reduce_sum3A_23 = vector.multi_reduction <add>, %add3A_22, %reduce_sum3A [0] : vector<10000x128xf32> to vector<128xf32>
    %broadcast_in_dim3A = vector.shape_cast %reduce_sum3A_23 : vector<128xf32> to vector<1x128xf32>
    %div3A = arith.constant 1.000000e+04 : f32
    %div3A_24 = vector.broadcast %div3A : f32 to vector<1x128xf32>
    %div3A_25 = arith.divf %broadcast_in_dim3A, %div3A_24 : vector<1x128xf32>
    %mul3A_26 = arith.mulf %add3A_22, %add3A_22 : vector<10000x128xf32>
    %reduce_sum3A_27 = arith.constant dense<0.000000e+00> : vector<128xf32>
    %reduce_sum3A_28 = vector.multi_reduction <add>, %mul3A_26, %reduce_sum3A_27 [0] : vector<10000x128xf32> to vector<128xf32>
    %broadcast_in_dim3A_29 = vector.shape_cast %reduce_sum3A_28 : vector<128xf32> to vector<1x128xf32>
    %div3A_30 = arith.constant 1.000000e+04 : f32
    %div3A_31 = vector.broadcast %div3A_30 : f32 to vector<1x128xf32>
    %div3A_32 = arith.divf %broadcast_in_dim3A_29, %div3A_31 : vector<1x128xf32>
    %mul3A_33 = arith.mulf %div3A_25, %div3A_25 : vector<1x128xf32>
    %sub3A = arith.subf %div3A_32, %mul3A_33 : vector<1x128xf32>
    %sub3A_34 = vector.broadcast %div3A_25 : vector<1x128xf32> to vector<10000x128xf32>
    %sub3A_35 = arith.subf %add3A_22, %sub3A_34 : vector<10000x128xf32>
    %add3A_36 = arith.constant 9.99999974E-6 : f32
    %add3A_37 = vector.broadcast %add3A_36 : f32 to vector<1x128xf32>
    %add3A_38 = arith.addf %sub3A, %add3A_37 : vector<1x128xf32>
    %rsqrt3A_39 = math.rsqrt %add3A_38 : vector<1x128xf32>
    %mul3A_40 = vector.broadcast %rsqrt3A_39 : vector<1x128xf32> to vector<10000x128xf32>
    %mul3A_41 = arith.mulf %sub3A_35, %mul3A_40 : vector<10000x128xf32>
    %get3A_42 = arith.constant 0 : index
    %get3A_43 = arith.constant 0 : index
    %get3A_44 = vector.load %arg3[%get3A_42, %get3A_43] : memref<1x128xf32, #tpu.memory_space<vmem>>, vector<1x128xf32>
    %mul3A_45 = vector.broadcast %get3A_44 : vector<1x128xf32> to vector<10000x128xf32>
    %mul3A_46 = arith.mulf %mul3A_41, %mul3A_45 : vector<10000x128xf32>
    %get3A_47 = arith.constant 0 : index
    %get3A_48 = arith.constant 0 : index
    %get3A_49 = vector.load %arg4[%get3A_47, %get3A_48] : memref<1x128xf32, #tpu.memory_space<vmem>>, vector<1x128xf32>
    %add3A_50 = vector.broadcast %get3A_49 : vector<1x128xf32> to vector<10000x128xf32>
    %add3A_51 = arith.addf %mul3A_46, %add3A_50 : vector<10000x128xf32>
    %gt3A = arith.constant 0.000000e+00 : f32
    %gt3A_52 = vector.broadcast %gt3A : f32 to vector<10000x128xf32>
    %gt3A_53 = arith.cmpf ogt, %add3A_51, %gt3A_52 : vector<10000x128xf32>
    %get3A_54 = arith.constant 0 : index
    %get3A_55 = arith.constant 0 : index
    %get3A_56 = vector.load %arg5[%get3A_54, %get3A_55] : memref<1x128xf32, #tpu.memory_space<vmem>>, vector<1x128xf32>
    %mul3A_57 = vector.broadcast %get3A_56 : vector<1x128xf32> to vector<10000x128xf32>
    %mul3A_58 = arith.mulf %add3A_51, %mul3A_57 : vector<10000x128xf32>
    %select_n3A = arith.select %gt3A_53, %add3A_51, %mul3A_58 : vector<10000x128xi1>, vector<10000x128xf32>
    %get3A_59 = arith.constant 0 : index
    %get3A_60 = arith.constant 0 : index
    %get3A_61 = vector.load %arg6[%get3A_59, %get3A_60] : memref<128x128xf32, #tpu.memory_space<vmem>>, vector<128x128xf32>
    %dot_general3A = arith.constant dense<0.000000e+00> : vector<10000x128xf32>
    %dot_general3A_62 = tpu.matmul %select_n3A, %get3A_61, %dot_general3A {dimension_numbers = #tpu.dot_dimension_numbers<[1], [0], [0], [1], [0, 0, 1, 1], [], []>, transpose_lhs_hint = false} : vector<10000x128xf32>, vector<128x128xf32>, vector<10000x128xf32> -> vector<10000x128xf32>
    %mul3A_63 = vector.broadcast %reshape3A : vector<10000x1xf32> to vector<10000x128xf32>
    %mul3A_64 = arith.mulf %dot_general3A_62, %mul3A_63 : vector<10000x128xf32>
    %swap3A = arith.constant 0 : index
    %swap3A_65 = arith.constant 0 : index
    %swap3A_66 = vector.load %arg7[%swap3A, %swap3A_65] : memref<10000x128xf32, #tpu.memory_space<vmem>>, vector<10000x128xf32>
    tpu.vector_store %arg7[%swap3A, %swap3A_65], %mul3A_64 {strides = array<i32>} : memref<10000x128xf32, #tpu.memory_space<vmem>>, vector<10000x128xf32>,
    return
  }
}

module attributes {stable_mosaic.version = 14 : i64} {
  func.func @_fin_body(%arg0: memref<2x10240x128xf32, #tpu.memory_space<vmem>>, %arg1: memref<20480xf32, #tpu.memory_space<vmem>>, %arg2: memref<1x128xf32, #tpu.memory_space<vmem>>, %arg3: memref<1x128xf32, #tpu.memory_space<vmem>>, %arg4: memref<1x128xf32, #tpu.memory_space<vmem>>, %arg5: memref<1x128xf32, #tpu.memory_space<vmem>>, %arg6: memref<10000x128xf32, #tpu.memory_space<vmem>>) attributes {dimension_semantics = [], scalar_prefetch = 0 : i64, scratch_operands = 0 : i64, tpu.core_type = #tpu.core_type<tc>} {
    %get3A = arith.constant 0 : index
    %get3A_0 = vector.load %arg1[%get3A] : memref<20480xf32, #tpu.memory_space<vmem>>, vector<10000xf32>
    %get3A_1 = arith.constant 10240 : index
    %get3A_2 = vector.load %arg1[%get3A_1] : memref<20480xf32, #tpu.memory_space<vmem>>, vector<10000xf32>
    %add3A = arith.addf %get3A_0, %get3A_2 : vector<10000xf32>
    %add3A_3 = arith.constant 1.000000e+00 : f32
    %add3A_4 = vector.broadcast %add3A_3 : f32 to vector<10000xf32>
    %add3A_5 = arith.addf %add3A, %add3A_4 : vector<10000xf32>
    %rsqrt3A = math.rsqrt %add3A_5 : vector<10000xf32>
    %reshape3A = vector.shape_cast %rsqrt3A : vector<10000xf32> to vector<10000x1xf32>
    %get3A_6 = arith.constant 0 : index
    %get3A_7 = arith.constant 0 : index
    %get3A_8 = arith.constant 0 : index
    %get3A_9 = vector.load %arg0[%get3A_6, %get3A_7, %get3A_8] : memref<2x10240x128xf32, #tpu.memory_space<vmem>>, vector<1x10000x128xf32>
    %get3A_10 = vector.shape_cast %get3A_9 : vector<1x10000x128xf32> to vector<10000x128xf32>
    %get3A_11 = arith.constant 1 : index
    %get3A_12 = arith.constant 0 : index
    %get3A_13 = arith.constant 0 : index
    %get3A_14 = vector.load %arg0[%get3A_11, %get3A_12, %get3A_13] : memref<2x10240x128xf32, #tpu.memory_space<vmem>>, vector<1x10000x128xf32>
    %get3A_15 = vector.shape_cast %get3A_14 : vector<1x10000x128xf32> to vector<10000x128xf32>
    %add3A_16 = arith.addf %get3A_10, %get3A_15 : vector<10000x128xf32>
    %mul3A = vector.broadcast %reshape3A : vector<10000x1xf32> to vector<10000x128xf32>
    %mul3A_17 = arith.mulf %add3A_16, %mul3A : vector<10000x128xf32>
    %get3A_18 = arith.constant 0 : index
    %get3A_19 = arith.constant 0 : index
    %get3A_20 = vector.load %arg2[%get3A_18, %get3A_19] : memref<1x128xf32, #tpu.memory_space<vmem>>, vector<1x128xf32>
    %add3A_21 = vector.broadcast %get3A_20 : vector<1x128xf32> to vector<10000x128xf32>
    %add3A_22 = arith.addf %mul3A_17, %add3A_21 : vector<10000x128xf32>
    %reduce_sum3A = arith.constant dense<0.000000e+00> : vector<128xf32>
    %reduce_sum3A_23 = vector.multi_reduction <add>, %add3A_22, %reduce_sum3A [0] : vector<10000x128xf32> to vector<128xf32>
    %broadcast_in_dim3A = vector.shape_cast %reduce_sum3A_23 : vector<128xf32> to vector<1x128xf32>
    %div3A = arith.constant 1.000000e+04 : f32
    %div3A_24 = vector.broadcast %div3A : f32 to vector<1x128xf32>
    %div3A_25 = arith.divf %broadcast_in_dim3A, %div3A_24 : vector<1x128xf32>
    %mul3A_26 = arith.mulf %add3A_22, %add3A_22 : vector<10000x128xf32>
    %reduce_sum3A_27 = arith.constant dense<0.000000e+00> : vector<128xf32>
    %reduce_sum3A_28 = vector.multi_reduction <add>, %mul3A_26, %reduce_sum3A_27 [0] : vector<10000x128xf32> to vector<128xf32>
    %broadcast_in_dim3A_29 = vector.shape_cast %reduce_sum3A_28 : vector<128xf32> to vector<1x128xf32>
    %div3A_30 = arith.constant 1.000000e+04 : f32
    %div3A_31 = vector.broadcast %div3A_30 : f32 to vector<1x128xf32>
    %div3A_32 = arith.divf %broadcast_in_dim3A_29, %div3A_31 : vector<1x128xf32>
    %mul3A_33 = arith.mulf %div3A_25, %div3A_25 : vector<1x128xf32>
    %sub3A = arith.subf %div3A_32, %mul3A_33 : vector<1x128xf32>
    %sub3A_34 = vector.broadcast %div3A_25 : vector<1x128xf32> to vector<10000x128xf32>
    %sub3A_35 = arith.subf %add3A_22, %sub3A_34 : vector<10000x128xf32>
    %add3A_36 = arith.constant 9.99999974E-6 : f32
    %add3A_37 = vector.broadcast %add3A_36 : f32 to vector<1x128xf32>
    %add3A_38 = arith.addf %sub3A, %add3A_37 : vector<1x128xf32>
    %rsqrt3A_39 = math.rsqrt %add3A_38 : vector<1x128xf32>
    %mul3A_40 = vector.broadcast %rsqrt3A_39 : vector<1x128xf32> to vector<10000x128xf32>
    %mul3A_41 = arith.mulf %sub3A_35, %mul3A_40 : vector<10000x128xf32>
    %get3A_42 = arith.constant 0 : index
    %get3A_43 = arith.constant 0 : index
    %get3A_44 = vector.load %arg3[%get3A_42, %get3A_43] : memref<1x128xf32, #tpu.memory_space<vmem>>, vector<1x128xf32>
    %mul3A_45 = vector.broadcast %get3A_44 : vector<1x128xf32> to vector<10000x128xf32>
    %mul3A_46 = arith.mulf %mul3A_41, %mul3A_45 : vector<10000x128xf32>
    %get3A_47 = arith.constant 0 : index
    %get3A_48 = arith.constant 0 : index
    %get3A_49 = vector.load %arg4[%get3A_47, %get3A_48] : memref<1x128xf32, #tpu.memory_space<vmem>>, vector<1x128xf32>
    %add3A_50 = vector.broadcast %get3A_49 : vector<1x128xf32> to vector<10000x128xf32>
    %add3A_51 = arith.addf %mul3A_46, %add3A_50 : vector<10000x128xf32>
    %gt3A = arith.constant 0.000000e+00 : f32
    %gt3A_52 = vector.broadcast %gt3A : f32 to vector<10000x128xf32>
    %gt3A_53 = arith.cmpf ogt, %add3A_51, %gt3A_52 : vector<10000x128xf32>
    %get3A_54 = arith.constant 0 : index
    %get3A_55 = arith.constant 0 : index
    %get3A_56 = vector.load %arg5[%get3A_54, %get3A_55] : memref<1x128xf32, #tpu.memory_space<vmem>>, vector<1x128xf32>
    %mul3A_57 = vector.broadcast %get3A_56 : vector<1x128xf32> to vector<10000x128xf32>
    %mul3A_58 = arith.mulf %add3A_51, %mul3A_57 : vector<10000x128xf32>
    %select_n3A = arith.select %gt3A_53, %add3A_51, %mul3A_58 : vector<10000x128xi1>, vector<10000x128xf32>
    %swap3A = arith.constant 0 : index
    %swap3A_59 = arith.constant 0 : index
    %swap3A_60 = vector.load %arg6[%swap3A, %swap3A_59] : memref<10000x128xf32, #tpu.memory_space<vmem>>, vector<10000x128xf32>
    tpu.vector_store %arg6[%swap3A, %swap3A_59], %select_n3A {strides = array<i32>} : memref<10000x128xf32, #tpu.memory_space<vmem>>, vector<10000x128xf32>,
    return
  }
}

</mosaic_0001>

<sc_bundles>
// kernel: kernel.11.cloned.1.call-start
scs
__scs_entry_jumppad:
0x0: {  	(pc) =	sbr.rel $0x88, $3  }
0x1: {  	(tag) =	ssettag $0x0;
	lr =	simm.s32 $0x1  }
0x2: {  	[smem:$0x3F95] =	sst lr;
	_ =	strace $0xD0000000  }
0x3: {  	_ = 	snop  }
0x4: {  	_ = 	snop  }
0x5: {  	_ = 	snop  }
0x6: {  	_ = 	snop  }
0x7: {  	_ = 	snop  }
__scs_overlays_trampoline_lowered:
0x8: {  	[smem:$0x3FA4] =	sst s0  }
0x9: {  	[smem:$0x3FA5] =	sst s1  }
0xa: {  	[smem:$0x3FA6] =	sst s2  }
0xb: {  	[smem:$0x3FA7] =	sst s3  }
0xc: {  	[smem:$0x3FA8] =	sst s4  }
0xd: {  	[smem:$0x3FA9] =	sst s5  }
0xe: {  	[smem:$0x3FAA] =	sst s6  }
0xf: {  	[smem:$0x3FAB] =	sst s7  }
0x10: {  	[smem:$0x3FAC] =	sst s8  }
0x11: {  	[smem:$0x3FAD] =	sst s9;
	s0 =	simm.s32 @!p0 $0x0  }
0x12: {  	s1 =	sld [smem:$0x3F93];
	s0 =	simm.s32 @p0 $0x1  }
0x13: {  	[smem:$0x3FAE] =	sst s0;
	s0 =	simm.s32 @!p1 $0x0  }
0x14: {  	s2 =	sld [smem:$0x3F92];
	s0 =	simm.s32 @p1 $0x1  }
0x15: {  	[smem:$0x3FAF] =	sst s0;
	s0 =	simm.s32 @!p2 $0x0  }
0x16: {  	s3 =	sld [smem:$0x3FDB];
	s0 =	simm.s32 @p2 $0x1  }
0x17: {  	s4 =	simm.s32 $0x1BF5;
	[smem:$0x3FB1] =	sst s0  }
0x18: {  	s0 =	sld [smem:$0x3F94];
	_ =	swait.ge [sflag:s4], $0x0  }
0x19: {  	s7 =	sld [smem:$0x3F95]  }
0x1a: {  	s8 =	sadd.s32 $0xFFFFE003, lr  }
0x1b: {  	s9 =	sadd.s32 $0xFFFFFEF7, lr;
	s5 =	simm.s32 $0xFFFFFFFF;
	p2 =	slt.u32 s8, $0xFFFFF086  }
0x1c: {  	p1 =	slt.u32 s9, $0xF7A;
	s5 =	simm.s32 @!p2 $0x0  }
0x1d: {  	s5 =	simm.s32 @p1 $0x1;
	p0 =	seq.s32 s7, s2  }
0x1e: {  	s7 =	smul.u32 @!p0 $0xF7A, s2;
	p2 =	seq.s32 @!p0 s5, $0x0  }
0x1f: {  	s9 =	smul.u32 $0xF7A, s1;
	s8 =	simm.s32 @!p0 $0x1BF5;
	p2 =	por !p2, p0  }
0x20: {  	[sflag:s8] =	ssyncset.s32 @!p0 $0xFFFFF086;
	s6 =	sadd.s32 @!p0 s3, s7;
	s7 =	simm.s32 @!p0 $0x108  }
0x21: {  	s3 =	sadd.s32 s3, s9;
	s6 =	sadd.s32 @!p0 $0x88, s6;
	s7 =	simm.s32 @p2 $0x1082  }
0x22: {  	[simem:s7], [sflag:s8] =	dma.local @!p0 [hbm:s6], $0xF7A  }
0x23: {  	s9 =	sor.u32 $0xD0000000, s2;
	s6 =	simm.s32 $0x108;
	_ =	swait.ge @!p0 [sflag:s8], $0x0  }
0x24: {  	s3 =	sadd.s32 $0x88, s3;
	s6 =	simm.s32 @!p1 $0x1082;
	[sflag:s4] =	ssyncset.s32 $0xFFFFF086  }
0x25: {  	[simem:s6], [sflag:s4] =	dma.local [hbm:s3], $0xF7A  }
0x26: {  	[smem:$0x3F95] =	sst s1;
	(tag) =	ssettag s2;
	_ =	strace s9  }
0x27: {  	s1 =	sld [smem:$0x3FA5]  }
0x28: {  	s2 =	sld [smem:$0x3FA6]  }
0x29: {  	s4 =	sld [smem:$0x3FA8]  }
0x2a: {  	p0 =	seq.s32 s5, $0x0;
	s5 =	sld [smem:$0x3FA9]  }
0x2b: {  	s6 =	sld [smem:$0x3FAA]  }
0x2c: {  	s7 =	sld [smem:$0x3FAB]  }
0x2d: {  	s3 =	simm.s32 $0x108;
	s8 =	sld [smem:$0x3FAC]  }
0x2e: {  	s3 =	simm.s32 @!p0 $0x1082;
	s9 =	sld [smem:$0x3FAD]  }
0x2f: {  	lr =	sadd.s32 s0, s3;
	s0 =	sld [smem:$0x3FA4]  }
0x30: {  	s3 =	sld [smem:$0x3FA7]  }
0x31: {  	[smem:$0x3FB0] =	sst s10  }
0x32: {  	s10 =	sld [smem:$0x3FAE];
	_ =	sdelay $0x3  }
0x33: {  	p0 =	seq.s32 s10, $0x1;
	s10 =	sld [smem:$0x3FB0];
	_ =	sdelay $0x3  }
0x34: {  	[smem:$0x3FB0] =	sst s10  }
0x35: {  	s10 =	sld [smem:$0x3FAF];
	_ =	sdelay $0x3  }
0x36: {  	p1 =	seq.s32 s10, $0x1;
	s10 =	sld [smem:$0x3FB0];
	_ =	sdelay $0x3  }
0x37: {  	[smem:$0x3FB0] =	sst s10  }
0x38: {  	s10 =	sld [smem:$0x3FB1]  }
0x39: {  	_ = 	snop;
	(pc) =	sbr.ind lr, $3  }
0x3a: {  	_ = 	snop  }
0x3b: {  	_ = 	snop  }
0x3c: {  	p2 =	seq.s32 s10, $0x1;
	s10 =	sld [smem:$0x3FB0]  }
0x3d: {  	_ =	shalt  }
0x3e: {  	_ =	shalt  }
0x3f: {  	_ =	shalt  }
0x40: {  	_ =	shalt  }
0x41: {  	_ =	shalt  }
0x42: {  	_ =	shalt  }
0x43: {  	_ =	shalt  }
0x44: {  	_ =	shalt  }
0x45: {  	_ =	shalt  }
0x46: {  	_ =	shalt  }
0x47: {  	_ =	shalt  }
0x48: {  	_ =	shalt  }
0x49: {  	_ =	shalt  }
0x4a: {  	_ =	shalt  }
0x4b: {  	_ =	shalt  }
0x4c: {  	_ =	shalt  }
0x4d: {  	_ =	shalt  }
0x4e: {  	_ =	shalt  }
0x4f: {  	_ =	shalt  }
0x50: {  	_ =	shalt  }
0x51: {  	_ =	shalt  }
0x52: {  	_ =	shalt  }
0x53: {  	_ =	shalt  }
0x54: {  	_ =	shalt  }
0x55: {  	_ =	shalt  }
0x56: {  	_ =	shalt  }
0x57: {  	_ =	shalt  }
0x58: {  	_ =	shalt  }
0x59: {  	_ =	shalt  }
0x5a: {  	_ =	shalt  }
0x5b: {  	_ =	shalt  }
0x5c: {  	_ =	shalt  }
0x5d: {  	_ =	shalt  }
0x5e: {  	_ =	shalt  }
0x5f: {  	_ =	shalt  }
0x60: {  	_ =	shalt  }
0x61: {  	_ =	shalt  }
0x62: {  	_ =	shalt  }
0x63: {  	_ =	shalt  }
0x64: {  	_ =	shalt  }
0x65: {  	_ =	shalt  }
0x66: {  	_ =	shalt  }
0x67: {  	_ =	shalt  }
0x68: {  	_ =	shalt  }
0x69: {  	_ =	shalt  }
0x6a: {  	_ =	shalt  }
0x6b: {  	_ =	shalt  }
0x6c: {  	_ =	shalt  }
0x6d: {  	_ =	shalt  }
0x6e: {  	_ =	shalt  }
0x6f: {  	_ =	shalt  }
0x70: {  	_ =	shalt  }
0x71: {  	_ =	shalt  }
0x72: {  	_ =	shalt  }
0x73: {  	_ =	shalt  }
0x74: {  	_ =	shalt  }
0x75: {  	_ =	shalt  }
0x76: {  	_ =	shalt  }
0x77: {  	_ =	shalt  }
0x78: {  	_ =	shalt  }
0x79: {  	_ =	shalt  }
0x7a: {  	_ =	shalt  }
0x7b: {  	_ =	shalt  }
0x7c: {  	_ =	shalt  }
0x7d: {  	_ =	shalt  }
0x7e: {  	_ =	shalt  }
0x7f: {  	_ =	shalt  }
0x80: {  	_ =	shalt  }
0x81: {  	_ =	shalt  }
0x82: {  	_ =	shalt  }
0x83: {  	_ =	shalt  }
0x84: {  	_ =	shalt  }
0x85: {  	_ =	shalt  }
0x86: {  	_ =	shalt  }
0x87: {  	_ =	shalt  }
.Lfunc_end0:
.L_simem_size_0:
called_computation.1_lowered:
.L_overlay_start_0:
0x88: {  	s2 =	sld [smem:$0x3FD9]  }
0x89: {  	s3 =	sld [smem:$0x3FFE];
	_ =	sdelay $0x1  }
0x8a: {  	s1 =	srdreg.scid  }
0x8b: {  	s0 =	sand.u32 $0x1, s1  }
0x8c: {  	s17 =	sshll.u32 s0, $0xA;
	s2 =	sadd.s32 s3, s2  }
0x8d: {  	s2 =	sadd.s32 s2, s17  }
0x8e: {  	[smem:$0x3FBC] =	sst s2  }
0x8f: {  	_ = 	snop  }
0x90: {  	s2 =	sld [smem:$0x3FD0];
	(tm) =	ssettm $0x1  }
0x91: {  	s18 =	sld [smem:$0x3FFB];
	_ =	sdelay $0x3  }
0x92: {  	_ =	strace s18  }
0x93: {  	s3 =	sld [smem:$0x3FFC];
	_ =	sdelay $0x3  }
0x94: {  	_ =	strace s3  }
0x95: {  	s3 =	sld [smem:$0x3FFD];
	_ =	sdelay $0x3  }
0x96: {  	_ =	strace s3  }
0x97: {  	_ =	strace $0x8FFFFFFF  }
0x98: {  	s19 =	sld [smem:$0x3FDB];
	_ =	sdelay $0x1  }
0x99: {  	s4 =	simm.s32 $_scs_section_size  }
0x9a: {  	s5 =	simm.s32 $_size__tile_overlayer_lowered;
	s6 =	simm.s32 $_tile_overlayer_lowered  }
0x9b: {  	s22 =	simm.s32 $0x1BFF;
	s21 =	sshll.u32 s6, $0x1;
	s3 =	sadd.s32 s4, s19  }
0x9c: {  	s7 =	simm.s32 $0x0;
	s20 =	sshll.u32 s5, $0x1;
	s5 =	sadd.s32 s21, s3  }
0x9d: {  	[timem:s7], [sflag:s22] =	dma.local [hbm:s5], s20  }
0x9e: {  	_ =	swait.ge [sflag:s22], s20  }
0x9f: {  	s4 =	ssub.s32 $0x0, s20;
	[sflag:s22] =	ssyncset.done $0x0  }
0xa0: {  	[sflag:s22] =	ssyncadd.s32 s4;
	_ =	sdelay $0x1  }
0xa1: {  	s23 =	simm.s32 $0x1B8B  }
0xa2: {  	_ =	swait.ge [sflag:s23], $0x1  }
0xa3: {  	[sflag:s23] =	ssyncset.done $0x0  }
0xa4: {  	s25 =	simm.s32 $0x1B8E;
	s24 =	sld [smem:$0x3FFE];
	[sflag:s23] =	ssyncadd.s32 $0xFFFFFFFF  }
0xa5: {  	s26 =	simm.s32 $execute0_lowered;
	[smem:$0x3FD2] =	sst s25  }
0xa6: {  	s5 =	sshll.u32 s26, $0x1;
	_ =	strace $0x80000049;
	[dreg:$0x1] =	wrdreg $0xFFFFFFFF  }
0xa7: {  	s28 =	simm.s32 $_size_execute0_lowered;
	s3 =	sadd.s32 s3, s5;
	[dreg:$0x0] =	wrdreg $0x0  }
0xa8: {  	s5 =	sshll.u32 s28, $0x1;
	[dreg:$0x2] =	wrdreg s3  }
0xa9: {  	[dreg:$0x3] =	wrdreg s5  }
0xaa: {  	[dreg:$0x4] =	wrdreg $0xC0  }
0xab: {  	_ =	task [dreg:s7], $0x5FFFF  }
0xac: {  	[dreg:$0x1] =	wrdreg $0xFFFFFFFF  }
0xad: {  	[dreg:$0x0] =	wrdreg $0x60  }
0xae: {  	[dreg:$0x2] =	wrdreg s24  }
0xaf: {  	[dreg:$0x3] =	wrdreg s2  }
0xb0: {  	[dreg:$0x4] =	wrdreg $0xB8000  }
0xb1: {  	[dreg:$0x5] =	wrdreg $0x9  }
0xb2: {  	_ =	task.clear_ibuf [dreg:s7], $0x6FFFF;
	_ =	strace $0x90000049  }
0xb3: {  	s29 =	simm.s32 $0x9;
	_ =	strace $0x8000004B  }
0xb4: {  	_ =	swait.ge [sflag:s29], $0x1  }
0xb5: {  	[sflag:s29] =	ssyncadd.s32 $0xFFFFFFFF  }
0xb6: {  	_ =	strace $0x9000004B  }
0xb7: {  	_ =	sfence  }
0xb8: {  	s30 =	sld [smem:$0x0];
	_ =	sdelay $0x2  }
0xb9: {  	s31 =	sshll.u32 s1, $0xD;
	s1 =	sshrl.u32 s1, $0x2  }
0xba: {  	s3 =	sand.u32 $0x4000, s31;
	s1 =	sadd.s32 s1, s30  }
0xbb: {  	s0 =	sor.u32 s3, s0;
	s1 =	sshll.u32 s1, $0x11  }
0xbc: {  	s0 =	sor.u32 s1, s0  }
0xbd: {  	s0 =	sadd.s32 $0x8F2B, s0  }
0xbe: {  	[sflag:s0] =	ssyncadd.remote.s32 $0x1  }
0xbf: {  	_ =	sfence.sel $0xFFFF  }
0xc0: {  	[dreg:$0x0] =	wrdreg $0xFFFFFFFF;
	(pc) =	sbr.abs _section_cstart, $3  }
0xc1: {  	[dreg:$0x1] =	wrdreg $0xFFFFFFFF  }
0xc2: {  	_ =	task.clear_ibuf [dreg:s7], $0x2FFFF;
	_ =	strace $0x9FFFFFFF  }
0xc3: {  	(tm) =	ssettm $0x7FFFFFFF  }
tec
execute0_lowered:
.L_overlay_start_1:
0x0: {  	(tag) =	ssettag $0x1  }
0x1: {  	s1 =	rddreg [dreg:$0x0]  }
0x2: {  	s2 =	rddreg [dreg:$0x1];
	s4 =	srdreg.scid  }
0x3: {  	s0 =	stileid.u32;
	s3 =	rddreg [dreg:$0x2];
	s28 =	simm.s32 $0xA800  }
0x4: {  	s5 =	sand.u32 $0x1, s4;
	s6 =	smul.u32 $0x2800, s0;
	s4 =	simm.s32 $0x0  }
0x5: {  	s8 =	sadd.s32 $0xC600, s1;
	s9 =	sadd.s32 $0x2600, s1;
	s11 =	sshll.u32 s0, $0x1  }
0x6: {  	s12 =	smul.u32 $0x50000, s0;
	p1 =	sne.s32 s0, $0xF;
	p2 =	seq.s32 s0, $0xF  }
0x7: {  	s13 =	sadd.s32 $0x12C000, s3;
	s7 =	smul.u32 $0x28000, s5;
	[smem:$0x7FF] =	sst s4  }
0x8: {  	s14 =	ssub.s32 $0x2, s5;
	s15 =	sor.u32 s5, s11;
	s16 =	sshrl.u32 s12, $0x2  }
0x9: {  	p0 =	seq.s32 s5, $0x0;
	_ =	strace $0x8000004A;
	s5 =	sadd.s32 s16, s3  }
0xa: {  	s10 =	sshrl.u32 s14, $0x1;
	p1 =	por !p0, !p1;
	s17 =	sadd.s32 $0x1000, s5  }
0xb: {  	p2 =	por !p0, !p2;
	s18 =	sadd.s32 $0x2000, s5;
	[dreg:$0x4] =	wrdreg s17  }
0xc: {  	s23 =	smul.u32 $0x2800, s15;
	s19 =	sadd.s32 $0x3000, s5;
	[dreg:$0x5] =	wrdreg s18  }
0xd: {  	s12 =	simm.s32 $0x2800;
	s20 =	sadd.s32 $0x4000, s5;
	[dreg:$0x6] =	wrdreg s19  }
0xe: {  	s7 =	sadd.s32 s6, s7;
	s21 =	sadd.s32 $0x5000, s5;
	[dreg:$0x7] =	wrdreg s20  }
0xf: {  	p1 =	por !p1, !p1;
	s22 =	sadd.s32 $0x6000, s5;
	[dreg:$0x8] =	wrdreg s21  }
0x10: {  	p2 =	por !p2, !p2;
	s24 =	sadd.s32 $0x7000, s5;
	[dreg:$0x9] =	wrdreg s22  }
0x11: {  	s1 =	sadd.s32 s7, s1;
	s25 =	sadd.s32 $0x8000, s5;
	[dreg:$0xa] =	wrdreg s24  }
0x12: {  	s7 =	ssub.s32 s14, s10;
	s26 =	sadd.s32 $0x9000, s5;
	[dreg:$0xb] =	wrdreg s25  }
0x13: {  	s29 =	sadd.s32 $0xA000, s5;
	s10 =	smul.u32 $0x500, s15;
	[dreg:$0xc] =	wrdreg s26  }
0x14: {  	s11 =	sshrl.u32 s23, $0x3;
	s30 =	sadd.s32 $0xB000, s5;
	[dreg:$0xd] =	wrdreg s29  }
0x15: {  	s31 =	sadd.s32 $0xC000, s5;
	s14 =	sshrl.u32 s13, $0x3;
	[dreg:$0xe] =	wrdreg s30  }
0x16: {  	s15 =	sadd.s32 $0xD000, s5;
	s16 =	sadd.s32 $0xE000, s5;
	[dreg:$0xf] =	wrdreg s31  }
0x17: {  	s13 =	simm.s32 $0x6800;
	s11 =	sadd.s32 $0x280, s11;
	[dreg:$0x10] =	wrdreg s14  }
0x18: {  	s22 =	sadd.s32 s2, s6;
	s23 =	sadd.s32 $0x16600, s1;
	[dreg:$0x11] =	wrdreg s15  }
0x19: {  	s24 =	smax.u32 s7, $0x1;
	[dreg:$0x12] =	wrdreg s16;
	s17 =	sadd.s32 $0xF000, s5  }
0x1a: {  	s25 =	sadd.s32 $0x10000, s5;
	s26 =	sadd.s32 $0x11000, s5;
	[dreg:$0x13] =	wrdreg s17  }
0x1b: {  	s29 =	sadd.s32 $0x12000, s5;
	s30 =	sadd.s32 $0x13000, s5;
	[dreg:$0x14] =	wrdreg s25  }
0x1c: {  	s31 =	sadd.s32 $0x25800, s2;
	s14 =	simm.s32 $0x1;
	[dreg:$0x15] =	wrdreg s26  }
0x1d: {  	s15 =	simm.s32 $0x2;
	s16 =	simm.s32 $0x1380;
	[dreg:$0x16] =	wrdreg s29  }
0x1e: {  	s18 =	sadd.s32 s8, s10;
	s19 =	sadd.s32 s9, s10;
	[dreg:$0x17] =	wrdreg s30  }
0x1f: {  	s20 =	sadd.s32 s8, s11;
	s21 =	sadd.s32 s9, s11;
	[dreg:$0x18] =	wrdreg s31  }
0x20: {  	s8 =	simm.s32 $0x4;
	s9 =	simm.s32 $0x3;
	s10 =	simm.s32 $0x1400  }
0x21: {  	v0 =	vimm.f32 $0.0e+00;
	s11 =	simm.s32 $0x7D;
	s17 =	simm.s32 $0x2700;
	s26 =	simm.s32 $0x2780  }
.LBB2_1:
.Ltmp0:
0x22: {  	(pc) =	sbr.rel @!p1 .LBB2_3-.Ltmp0, $3  }
0x23: {  	_ =	sdelay $0x1  }
0x24: {  	s1 =	sshll.u32 s0, $0x6  }
0x25: {  	s29 =	sshrl.u32 s5, $0x3;
	s30 =	sor.u32 $0x1C04, s1  }
.Ltmp1:
0x26: {  	(pc) =	sbr.rel .LBB2_9-.Ltmp1, $4  }
0x27: {  	[spmem:s29], [sflag:s30] =	dma.local [hbm:s22], $0x2800  }
0x28: {  	_ =	swait.ge [sflag:s8], $0x2800  }
0x29: {  	[sflag:s8] =	ssyncset.done $0x0  }
0x2a: {  	[sflag:s8] =	ssyncadd.s32 $0xFFFFD800  }
.LBB2_3:
.Ltmp2:
0x2b: {  	(pc) =	sbr.rel @!p2 .LBB2_5-.Ltmp2, $1  }
0x2c: {  	_ =	sdelay $0x3  }
0x2d: {  	s1 =	rddreg [dreg:$0x10]  }
.Ltmp3:
0x2e: {  	s6 =	rddreg [dreg:$0x18];
	s7 =	simm.s32 $0x1FC4;
	(pc) =	sbr.rel .LBB2_9-.Ltmp3, $4  }
0x2f: {  	[spmem:s1], [sflag:s7] =	dma.local [hbm:s6], $0x1900  }
0x30: {  	_ =	swait.ge [sflag:s8], $0x1900  }
0x31: {  	[sflag:s8] =	ssyncset.done $0x0  }
0x32: {  	[sflag:s8] =	ssyncadd.s32 $0xFFFFE700  }
.LBB2_5:
.Ltmp4:
0x33: {  	(pc) =	sbr.rel @p0 .LBB2_9-.Ltmp4, $2  }
0x34: {  	_ =	sdelay $0x2  }
0x35: {  	s1 =	simm.s32 $0x0  }
0x36: {  	s31 =	sshra.s32 s1, $0x2;
	s1 =	sadd.s32 $0x200, s1  }
.LBB2_7:
0x37: {  	p3 =	sne.s32 s1, $0x3E00;
	[tilespmem:s31+$0xA870] =	vst v0  }
0x38: {  	[tilespmem:s31+$0xA800] =	vst v0  }
0x39: {  	[tilespmem:s31+$0xA810] =	vst v0  }
.Ltmp5:
0x3a: {  	[tilespmem:s31+$0xA820] =	vst v0;
	(pc) =	sbr.rel @p3 .LBB2_7-.Ltmp5, $4  }
0x3b: {  	[tilespmem:s31+$0xA830] =	vst v0  }
0x3c: {  	[tilespmem:s31+$0xA840] =	vst v0  }
0x3d: {  	[tilespmem:s31+$0xA850] =	vst v0  }
0x3e: {  	[tilespmem:s31+$0xA860] =	vst v0;
	s31 =	sshra.s32 s1, $0x2;
	s1 =	sadd.s32 $0x200, s1  }
0x3f: {  	[tilespmem:s31+$0xA870] =	vst v0  }
0x40: {  	[tilespmem:s31+$0xA800] =	vst v0  }
0x41: {  	[tilespmem:s31+$0xA810] =	vst v0  }
0x42: {  	[tilespmem:s31+$0xA820] =	vst v0  }
0x43: {  	[tilespmem:s31+$0xA830] =	vst v0  }
0x44: {  	[tilespmem:s31+$0xA840] =	vst v0  }
0x45: {  	[tilespmem:s31+$0xA850] =	vst v0  }
0x46: {  	[tilespmem:s31+$0xA860] =	vst v0  }
0x47: {  	[spmem:s5] =	stream.linear.scatter [tilespmem:s28], [sflag:$0x4], $0x1000, $0x38;
	[tilespmem:$0x1F800] =	vst v63  }
0x48: {  	_ =	swait.ge [sflag:s8], $0x1000  }
0x49: {  	[sflag:s8] =	ssyncset.done $0x0  }
0x4a: {  	s1 =	rddreg [dreg:$0x4];
	[sflag:s8] =	ssyncadd.s32 $0xFFFFF000  }
0x4b: {  	[spmem:s1] =	stream.linear.scatter [tilespmem:s28], [sflag:$0x4], $0x1000, $0x38;
	[tilespmem:$0x1F800] =	vst v63  }
0x4c: {  	_ =	swait.ge [sflag:s8], $0x1000  }
0x4d: {  	[sflag:s8] =	ssyncset.done $0x0  }
0x4e: {  	s25 =	rddreg [dreg:$0x5];
	[sflag:s8] =	ssyncadd.s32 $0xFFFFF000  }
0x4f: {  	[spmem:s25] =	stream.linear.scatter [tilespmem:s28], [sflag:$0x4], $0x1000, $0x38;
	[tilespmem:$0x1F800] =	vst v63  }
0x50: {  	_ =	swait.ge [sflag:s8], $0x1000  }
0x51: {  	[sflag:s8] =	ssyncset.done $0x0  }
0x52: {  	s31 =	rddreg [dreg:$0x6];
	[sflag:s8] =	ssyncadd.s32 $0xFFFFF000  }
0x53: {  	[spmem:s31] =	stream.linear.scatter [tilespmem:s28], [sflag:$0x4], $0x1000, $0x38;
	[tilespmem:$0x1F800] =	vst v63  }
0x54: {  	_ =	swait.ge [sflag:s8], $0x1000  }
0x55: {  	[sflag:s8] =	ssyncset.done $0x0  }
0x56: {  	s6 =	rddreg [dreg:$0x7];
	[sflag:s8] =	ssyncadd.s32 $0xFFFFF000  }
0x57: {  	[spmem:s6] =	stream.linear.scatter [tilespmem:s28], [sflag:$0x4], $0x1000, $0x38;
	[tilespmem:$0x1F800] =	vst v63  }
0x58: {  	_ =	swait.ge [sflag:s8], $0x1000  }
0x59: {  	[sflag:s8] =	ssyncset.done $0x0  }
0x5a: {  	s7 =	rddreg [dreg:$0x8];
	[sflag:s8] =	ssyncadd.s32 $0xFFFFF000  }
0x5b: {  	[spmem:s7] =	stream.linear.scatter [tilespmem:s28], [sflag:$0x4], $0x1000, $0x38;
	[tilespmem:$0x1F800] =	vst v63  }
0x5c: {  	_ =	swait.ge [sflag:s8], $0x1000  }
0x5d: {  	[sflag:s8] =	ssyncset.done $0x0  }
0x5e: {  	s25 =	rddreg [dreg:$0x9];
	[sflag:s8] =	ssyncadd.s32 $0xFFFFF000  }
0x5f: {  	[spmem:s25] =	stream.linear.scatter [tilespmem:s28], [sflag:$0x4], $0x1000, $0x38;
	[tilespmem:$0x1F800] =	vst v63  }
0x60: {  	_ =	swait.ge [sflag:s8], $0x1000  }
0x61: {  	[sflag:s8] =	ssyncset.done $0x0  }
0x62: {  	s31 =	rddreg [dreg:$0xa];
	[sflag:s8] =	ssyncadd.s32 $0xFFFFF000  }
0x63: {  	[spmem:s31] =	stream.linear.scatter [tilespmem:s28], [sflag:$0x4], $0x1000, $0x38;
	[tilespmem:$0x1F800] =	vst v63  }
0x64: {  	_ =	swait.ge [sflag:s8], $0x1000  }
0x65: {  	[sflag:s8] =	ssyncset.done $0x0  }
0x66: {  	s6 =	rddreg [dreg:$0xb];
	[sflag:s8] =	ssyncadd.s32 $0xFFFFF000  }
0x67: {  	[spmem:s6] =	stream.linear.scatter [tilespmem:s28], [sflag:$0x4], $0x1000, $0x38;
	[tilespmem:$0x1F800] =	vst v63  }
0x68: {  	_ =	swait.ge [sflag:s8], $0x1000  }
0x69: {  	[sflag:s8] =	ssyncset.done $0x0  }
0x6a: {  	s7 =	rddreg [dreg:$0xc];
	[sflag:s8] =	ssyncadd.s32 $0xFFFFF000  }
0x6b: {  	[spmem:s7] =	stream.linear.scatter [tilespmem:s28], [sflag:$0x4], $0x1000, $0x38;
	[tilespmem:$0x1F800] =	vst v63  }
0x6c: {  	_ =	swait.ge [sflag:s8], $0x1000  }
0x6d: {  	[sflag:s8] =	ssyncset.done $0x0  }
0x6e: {  	s25 =	rddreg [dreg:$0xd];
	[sflag:s8] =	ssyncadd.s32 $0xFFFFF000  }
0x6f: {  	[spmem:s25] =	stream.linear.scatter [tilespmem:s28], [sflag:$0x4], $0x1000, $0x38;
	[tilespmem:$0x1F800] =	vst v63  }
0x70: {  	_ =	swait.ge [sflag:s8], $0x1000  }
0x71: {  	[sflag:s8] =	ssyncset.done $0x0  }
0x72: {  	s31 =	rddreg [dreg:$0xe];
	[sflag:s8] =	ssyncadd.s32 $0xFFFFF000  }
0x73: {  	[spmem:s31] =	stream.linear.scatter [tilespmem:s28], [sflag:$0x4], $0x1000, $0x38;
	[tilespmem:$0x1F800] =	vst v63  }
0x74: {  	_ =	swait.ge [sflag:s8], $0x1000  }
0x75: {  	[sflag:s8] =	ssyncset.done $0x0  }
0x76: {  	s6 =	rddreg [dreg:$0xf];
	[sflag:s8] =	ssyncadd.s32 $0xFFFFF000  }
0x77: {  	[spmem:s6] =	stream.linear.scatter [tilespmem:s28], [sflag:$0x4], $0x1000, $0x38;
	[tilespmem:$0x1F800] =	vst v63  }
0x78: {  	_ =	swait.ge [sflag:s8], $0x1000  }
0x79: {  	[sflag:s8] =	ssyncset.done $0x0  }
0x7a: {  	s7 =	rddreg [dreg:$0x11];
	[sflag:s8] =	ssyncadd.s32 $0xFFFFF000  }
0x7b: {  	[spmem:s7] =	stream.linear.scatter [tilespmem:s28], [sflag:$0x4], $0x1000, $0x38;
	[tilespmem:$0x1F800] =	vst v63  }
0x7c: {  	_ =	swait.ge [sflag:s8], $0x1000  }
0x7d: {  	[sflag:s8] =	ssyncset.done $0x0  }
0x7e: {  	s25 =	rddreg [dreg:$0x12];
	[sflag:s8] =	ssyncadd.s32 $0xFFFFF000  }
0x7f: {  	[spmem:s25] =	stream.linear.scatter [tilespmem:s28], [sflag:$0x4], $0x1000, $0x38;
	[tilespmem:$0x1F800] =	vst v63  }
0x80: {  	_ =	swait.ge [sflag:s8], $0x1000  }
0x81: {  	[sflag:s8] =	ssyncset.done $0x0  }
0x82: {  	s31 =	rddreg [dreg:$0x13];
	[sflag:s8] =	ssyncadd.s32 $0xFFFFF000  }
0x83: {  	[spmem:s31] =	stream.linear.scatter [tilespmem:s28], [sflag:$0x4], $0x1000, $0x38;
	[tilespmem:$0x1F800] =	vst v63  }
0x84: {  	_ =	swait.ge [sflag:s8], $0x1000  }
0x85: {  	[sflag:s8] =	ssyncset.done $0x0  }
0x86: {  	s6 =	rddreg [dreg:$0x14];
	[sflag:s8] =	ssyncadd.s32 $0xFFFFF000  }
0x87: {  	[spmem:s6] =	stream.linear.scatter [tilespmem:s28], [sflag:$0x4], $0x1000, $0x38;
	[tilespmem:$0x1F800] =	vst v63  }
0x88: {  	_ =	swait.ge [sflag:s8], $0x1000  }
0x89: {  	[sflag:s8] =	ssyncset.done $0x0  }
0x8a: {  	s7 =	rddreg [dreg:$0x15];
	[sflag:s8] =	ssyncadd.s32 $0xFFFFF000  }
0x8b: {  	[spmem:s7] =	stream.linear.scatter [tilespmem:s28], [sflag:$0x4], $0x1000, $0x38;
	[tilespmem:$0x1F800] =	vst v63  }
0x8c: {  	_ =	swait.ge [sflag:s8], $0x1000  }
0x8d: {  	[sflag:s8] =	ssyncset.done $0x0  }
0x8e: {  	s25 =	rddreg [dreg:$0x16];
	[sflag:s8] =	ssyncadd.s32 $0xFFFFF000  }
0x8f: {  	[spmem:s25] =	stream.linear.scatter [tilespmem:s28], [sflag:$0x4], $0x1000, $0x38;
	[tilespmem:$0x1F800] =	vst v63  }
0x90: {  	_ =	swait.ge [sflag:s8], $0x1000  }
0x91: {  	[sflag:s8] =	ssyncset.done $0x0  }
0x92: {  	s31 =	rddreg [dreg:$0x17];
	[sflag:s8] =	ssyncadd.s32 $0xFFFFF000  }
0x93: {  	[spmem:s31] =	stream.linear.scatter [tilespmem:s28], [sflag:$0x4], $0x1000, $0x38;
	[tilespmem:$0x1F800] =	vst v63  }
0x94: {  	_ =	swait.ge [sflag:s8], $0x1000  }
0x95: {  	[sflag:s8] =	ssyncset.done $0x0  }
0x96: {  	[sflag:s8] =	ssyncadd.s32 $0xFFFFF000  }
.LBB2_9:
0x97: {  	[bflag:$0x0] =	sbarrier.arrive $0xFFFF;
	s1 =	simm.s32 $0x0  }
0x98: {  	[tilespmem:s1], [sflag:$0x3] =	stream.linear.gather [hbm4b:s18+s1], $0x1400, $0x38;
	[tilespmem:$0x1F800] =	vst v63  }
0x99: {  	_ =	swait.ge [sflag:s9], $0x1400  }
0x9a: {  	[sflag:s9] =	ssyncset.done $0x0  }
0x9b: {  	[sflag:s9] =	ssyncadd.s32 $0xFFFFEC00  }
0x9c: {  	[tilespmem:s10], [sflag:$0x3] =	stream.linear.gather [hbm4b:s19+s1], $0x1400, $0x38;
	[tilespmem:$0x1F800] =	vst v63  }
0x9d: {  	_ =	swait.ge [sflag:s9], $0x1400  }
0x9e: {  	[sflag:s9] =	ssyncset.done $0x0  }
0x9f: {  	[sflag:s9] =	ssyncadd.s32 $0xFFFFEC00  }
0xa0: {  	[tilespmem:s12], [sflag:$0x1] =	stream.indirect.gather [hbm4b:s2+s11], $0x80, s1, s11, $0xb8;
	[tilespmem:$0x1F800] =	vst v63  }
0xa1: {  	s25 =	simm.s32 $0x80  }
0xa2: {  	[tilespmem:s13], [sflag:$0x2] =	stream.indirect.gather [hbm4b:s2+s11], $0x80, s25, s11, $0xb8;
	[tilespmem:$0x1F800] =	vst v63  }
0xa3: {  	_ =	swait.ge [sflag:s14], $0x3E80  }
0xa4: {  	[sflag:s14] =	ssyncset.done $0x0  }
0xa5: {  	s6 =	simm.s32 $0x1400;
	[sflag:s14] =	ssyncadd.s32 $0xFFFFC180  }
0xa6: {  	[spmem:s3] =	stream.indirect.scatter.add.f32 [tilespmem:s12], [sflag:$0x4], $0x80, s6, s11, $0xb8;
	[tilespmem:$0x1F800] =	vst v63  }
0xa7: {  	_ =	swait.ge [sflag:s8], $0x3E80  }
0xa8: {  	[sflag:s8] =	ssyncset.done $0x0  }
0xa9: {  	s7 =	simm.s32 $0x100;
	[sflag:s8] =	ssyncadd.s32 $0xFFFFC180  }
0xaa: {  	[tilespmem:s12], [sflag:$0x1] =	stream.indirect.gather [hbm4b:s2+s11], $0x80, s7, s11, $0xb8;
	[tilespmem:$0x1F800] =	vst v63  }
0xab: {  	_ =	swait.ge [sflag:s15], $0x3E80  }
0xac: {  	[sflag:s15] =	ssyncset.done $0x0  }
0xad: {  	s25 =	simm.s32 $0x1480;
	[sflag:s15] =	ssyncadd.s32 $0xFFFFC180  }
0xae: {  	[spmem:s3] =	stream.indirect.scatter.add.f32 [tilespmem:s13], [sflag:$0x4], $0x80, s25, s11, $0xb8;
	[tilespmem:$0x1F800] =	vst v63  }
0xaf: {  	_ =	swait.ge [sflag:s8], $0x3E80  }
0xb0: {  	s31 =	simm.s32 $0x100;
	s1 =	simm.s32 $0x800;
	[sflag:s8] =	ssyncset.done $0x0  }
.LBB2_10:
0xb1: {  	s6 =	sadd.s32 $0x80, s31  }
0xb2: {  	[sflag:s8] =	ssyncadd.s32 $0xFFFFC180;
	s25 =	smov.u32 s1;
	s7 =	sadd.s32 $0x400, s1  }
0xb3: {  	[tilespmem:s13], [sflag:$0x2] =	stream.indirect.gather [hbm4b:s2+s11], $0x80, s6, s11, $0xb8;
	[tilespmem:$0x1F800] =	vst v63  }
0xb4: {  	p3 =	sne.s32 s1, $0x4800;
	_ =	swait.ge [sflag:s14], $0x3E80  }
0xb5: {  	[sflag:s14] =	ssyncset.done $0x0  }
0xb6: {  	s1 =	sadd.s32 $0x1400, s31;
	[sflag:s14] =	ssyncadd.s32 $0xFFFFC180  }
0xb7: {  	[spmem:s3] =	stream.indirect.scatter.add.f32 [tilespmem:s12], [sflag:$0x4], $0x80, s1, s11, $0xb8;
	[tilespmem:$0x1F800] =	vst v63  }
0xb8: {  	_ =	swait.ge [sflag:s8], $0x3E80  }
0xb9: {  	[sflag:s8] =	ssyncset.done $0x0  }
0xba: {  	s1 =	sadd.s32 $0x100, s31;
	[sflag:s8] =	ssyncadd.s32 $0xFFFFC180  }
0xbb: {  	[tilespmem:s12], [sflag:$0x1] =	stream.indirect.gather [hbm4b:s2+s11], $0x80, s1, s11, $0xb8;
	[tilespmem:$0x1F800] =	vst v63  }
0xbc: {  	_ =	swait.ge [sflag:s15], $0x3E80  }
.Ltmp6:
0xbd: {  	[sflag:s15] =	ssyncset.done $0x0;
	(pc) =	sbr.rel @p3 .LBB2_10-.Ltmp6, $4  }
0xbe: {  	s1 =	sadd.s32 $0x1480, s31;
	[sflag:s15] =	ssyncadd.s32 $0xFFFFC180  }
0xbf: {  	[spmem:s3] =	stream.indirect.scatter.add.f32 [tilespmem:s13], [sflag:$0x4], $0x80, s1, s11, $0xb8;
	[tilespmem:$0x1F800] =	vst v63  }
0xc0: {  	_ =	swait.ge [sflag:s8], $0x3E80  }
0xc1: {  	s31 =	sshra.s32 s25, $0x2;
	s1 =	smov.u32 s7;
	[sflag:s8] =	ssyncset.done $0x0  }
0xc2: {  	s1 =	sadd.s32 $0x80, s31;
	[sflag:s8] =	ssyncadd.s32 $0xFFFFC180  }
0xc3: {  	[tilespmem:s13], [sflag:$0x2] =	stream.indirect.gather [hbm4b:s2+s11], $0x80, s1, s11, $0xb8;
	[tilespmem:$0x1F800] =	vst v63  }
0xc4: {  	_ =	swait.ge [sflag:s14], $0x3E80  }
0xc5: {  	[sflag:s14] =	ssyncset.done $0x0  }
0xc6: {  	s7 =	sadd.s32 $0x1400, s31;
	[sflag:s14] =	ssyncadd.s32 $0xFFFFC180  }
0xc7: {  	[spmem:s3] =	stream.indirect.scatter.add.f32 [tilespmem:s12], [sflag:$0x4], $0x80, s7, s11, $0xb8;
	[tilespmem:$0x1F800] =	vst v63  }
0xc8: {  	_ =	swait.ge [sflag:s8], $0x3E80  }
0xc9: {  	[sflag:s8] =	ssyncset.done $0x0  }
0xca: {  	s25 =	sadd.s32 $0x100, s31;
	[sflag:s8] =	ssyncadd.s32 $0xFFFFC180  }
0xcb: {  	[tilespmem:s12], [sflag:$0x1] =	stream.indirect.gather [hbm4b:s2+s11], $0x80, s25, s11, $0xb8;
	[tilespmem:$0x1F800] =	vst v63  }
0xcc: {  	_ =	swait.ge [sflag:s15], $0x3E80  }
0xcd: {  	[sflag:s15] =	ssyncset.done $0x0  }
0xce: {  	s6 =	sadd.s32 $0x1480, s31;
	[sflag:s15] =	ssyncadd.s32 $0xFFFFC180  }
0xcf: {  	[spmem:s3] =	stream.indirect.scatter.add.f32 [tilespmem:s13], [sflag:$0x4], $0x80, s6, s11, $0xb8;
	[tilespmem:$0x1F800] =	vst v63  }
0xd0: {  	_ =	swait.ge [sflag:s8], $0x3E80  }
0xd1: {  	[sflag:s8] =	ssyncset.done $0x0  }
0xd2: {  	[sflag:s8] =	ssyncadd.s32 $0xFFFFC180  }
0xd3: {  	[tilespmem:s13], [sflag:$0x2] =	stream.indirect.gather [hbm4b:s2+s11], $0x80, s16, s11, $0xb8;
	[tilespmem:$0x1F800] =	vst v63  }
0xd4: {  	_ =	swait.ge [sflag:s14], $0x3E80  }
0xd5: {  	[sflag:s14] =	ssyncset.done $0x0  }
0xd6: {  	[sflag:s14] =	ssyncadd.s32 $0xFFFFC180  }
0xd7: {  	[spmem:s3] =	stream.indirect.scatter.add.f32 [tilespmem:s12], [sflag:$0x4], $0x80, s17, s11, $0xb8;
	[tilespmem:$0x1F800] =	vst v63  }
0xd8: {  	_ =	swait.ge [sflag:s8], $0x3E80  }
0xd9: {  	[sflag:s8] =	ssyncset.done $0x0  }
0xda: {  	[sflag:s8] =	ssyncadd.s32 $0xFFFFC180  }
0xdb: {  	_ =	swait.ge [sflag:s15], $0x3E80  }
0xdc: {  	[sflag:s15] =	ssyncset.done $0x0  }
0xdd: {  	[sflag:s15] =	ssyncadd.s32 $0xFFFFC180  }
0xde: {  	[spmem:s3] =	stream.indirect.scatter.add.f32 [tilespmem:s13], [sflag:$0x4], $0x80, s26, s11, $0xb8;
	[tilespmem:$0x1F800] =	vst v63  }
0xdf: {  	_ =	swait.ge [sflag:s8], $0x3E80  }
0xe0: {  	[sflag:s8] =	ssyncset.done $0x0  }
0xe1: {  	s7 =	simm.s32 $0x0;
	[sflag:s8] =	ssyncadd.s32 $0xFFFFC180  }
0xe2: {  	[tilespmem:s7], [sflag:$0x3] =	stream.linear.gather [hbm4b:s20+s7], $0x1400, $0x38;
	[tilespmem:$0x1F800] =	vst v63  }
0xe3: {  	_ =	swait.ge [sflag:s9], $0x1400  }
0xe4: {  	[sflag:s9] =	ssyncset.done $0x0  }
0xe5: {  	[sflag:s9] =	ssyncadd.s32 $0xFFFFEC00  }
0xe6: {  	[tilespmem:s10], [sflag:$0x3] =	stream.linear.gather [hbm4b:s21+s7], $0x1400, $0x38;
	[tilespmem:$0x1F800] =	vst v63  }
0xe7: {  	_ =	swait.ge [sflag:s9], $0x1400  }
0xe8: {  	[sflag:s9] =	ssyncset.done $0x0  }
0xe9: {  	[sflag:s9] =	ssyncadd.s32 $0xFFFFEC00  }
0xea: {  	[tilespmem:s12], [sflag:$0x1] =	stream.indirect.gather [hbm4b:s2+s11], $0x80, s7, s11, $0xb8;
	[tilespmem:$0x1F800] =	vst v63  }
0xeb: {  	s25 =	simm.s32 $0x80  }
0xec: {  	[tilespmem:s13], [sflag:$0x2] =	stream.indirect.gather [hbm4b:s2+s11], $0x80, s25, s11, $0xb8;
	[tilespmem:$0x1F800] =	vst v63  }
0xed: {  	_ =	swait.ge [sflag:s14], $0x3E80  }
0xee: {  	[sflag:s14] =	ssyncset.done $0x0  }
0xef: {  	s6 =	simm.s32 $0x1400;
	[sflag:s14] =	ssyncadd.s32 $0xFFFFC180  }
0xf0: {  	[spmem:s3] =	stream.indirect.scatter.add.f32 [tilespmem:s12], [sflag:$0x4], $0x80, s6, s11, $0xb8;
	[tilespmem:$0x1F800] =	vst v63  }
0xf1: {  	_ =	swait.ge [sflag:s8], $0x3E80  }
0xf2: {  	[sflag:s8] =	ssyncset.done $0x0  }
0xf3: {  	s7 =	simm.s32 $0x100;
	[sflag:s8] =	ssyncadd.s32 $0xFFFFC180  }
0xf4: {  	[tilespmem:s12], [sflag:$0x1] =	stream.indirect.gather [hbm4b:s2+s11], $0x80, s7, s11, $0xb8;
	[tilespmem:$0x1F800] =	vst v63  }
0xf5: {  	_ =	swait.ge [sflag:s15], $0x3E80  }
0xf6: {  	[sflag:s15] =	ssyncset.done $0x0  }
0xf7: {  	s25 =	simm.s32 $0x1480;
	[sflag:s15] =	ssyncadd.s32 $0xFFFFC180  }
0xf8: {  	[spmem:s3] =	stream.indirect.scatter.add.f32 [tilespmem:s13], [sflag:$0x4], $0x80, s25, s11, $0xb8;
	[tilespmem:$0x1F800] =	vst v63  }
0xf9: {  	_ =	swait.ge [sflag:s8], $0x3E80  }
0xfa: {  	s31 =	simm.s32 $0x100;
	s1 =	simm.s32 $0x800;
	[sflag:s8] =	ssyncset.done $0x0  }
.LBB2_12:
0xfb: {  	s6 =	sadd.s32 $0x80, s31  }
0xfc: {  	[sflag:s8] =	ssyncadd.s32 $0xFFFFC180;
	s7 =	smov.u32 s1;
	s25 =	sadd.s32 $0x400, s1  }
0xfd: {  	[tilespmem:s13], [sflag:$0x2] =	stream.indirect.gather [hbm4b:s2+s11], $0x80, s6, s11, $0xb8;
	[tilespmem:$0x1F800] =	vst v63  }
0xfe: {  	p3 =	sne.s32 s1, $0x4800;
	_ =	swait.ge [sflag:s14], $0x3E80  }
0xff: {  	[sflag:s14] =	ssyncset.done $0x0  }
0x100: {  	s1 =	sadd.s32 $0x1400, s31;
	[sflag:s14] =	ssyncadd.s32 $0xFFFFC180  }
0x101: {  	[spmem:s3] =	stream.indirect.scatter.add.f32 [tilespmem:s12], [sflag:$0x4], $0x80, s1, s11, $0xb8;
	[tilespmem:$0x1F800] =	vst v63  }
0x102: {  	_ =	swait.ge [sflag:s8], $0x3E80  }
0x103: {  	[sflag:s8] =	ssyncset.done $0x0  }
0x104: {  	s1 =	sadd.s32 $0x100, s31;
	[sflag:s8] =	ssyncadd.s32 $0xFFFFC180  }
0x105: {  	[tilespmem:s12], [sflag:$0x1] =	stream.indirect.gather [hbm4b:s2+s11], $0x80, s1, s11, $0xb8;
	[tilespmem:$0x1F800] =	vst v63  }
0x106: {  	_ =	swait.ge [sflag:s15], $0x3E80  }
.Ltmp7:
0x107: {  	[sflag:s15] =	ssyncset.done $0x0;
	(pc) =	sbr.rel @p3 .LBB2_12-.Ltmp7, $4  }
0x108: {  	s1 =	sadd.s32 $0x1480, s31;
	[sflag:s15] =	ssyncadd.s32 $0xFFFFC180  }
0x109: {  	[spmem:s3] =	stream.indirect.scatter.add.f32 [tilespmem:s13], [sflag:$0x4], $0x80, s1, s11, $0xb8;
	[tilespmem:$0x1F800] =	vst v63  }
0x10a: {  	_ =	swait.ge [sflag:s8], $0x3E80  }
0x10b: {  	s31 =	sshra.s32 s7, $0x2;
	s1 =	smov.u32 s25;
	[sflag:s8] =	ssyncset.done $0x0  }
0x10c: {  	s1 =	sadd.s32 $0x80, s31;
	[sflag:s8] =	ssyncadd.s32 $0xFFFFC180  }
0x10d: {  	[tilespmem:s13], [sflag:$0x2] =	stream.indirect.gather [hbm4b:s2+s11], $0x80, s1, s11, $0xb8;
	[tilespmem:$0x1F800] =	vst v63  }
0x10e: {  	_ =	swait.ge [sflag:s14], $0x3E80  }
0x10f: {  	[sflag:s14] =	ssyncset.done $0x0  }
0x110: {  	s7 =	sadd.s32 $0x1400, s31;
	[sflag:s14] =	ssyncadd.s32 $0xFFFFC180  }
0x111: {  	[spmem:s3] =	stream.indirect.scatter.add.f32 [tilespmem:s12], [sflag:$0x4], $0x80, s7, s11, $0xb8;
	[tilespmem:$0x1F800] =	vst v63  }
0x112: {  	_ =	swait.ge [sflag:s8], $0x3E80  }
0x113: {  	[sflag:s8] =	ssyncset.done $0x0  }
0x114: {  	s25 =	sadd.s32 $0x100, s31;
	[sflag:s8] =	ssyncadd.s32 $0xFFFFC180  }
0x115: {  	[tilespmem:s12], [sflag:$0x1] =	stream.indirect.gather [hbm4b:s2+s11], $0x80, s25, s11, $0xb8;
	[tilespmem:$0x1F800] =	vst v63  }
0x116: {  	_ =	swait.ge [sflag:s15], $0x3E80  }
0x117: {  	[sflag:s15] =	ssyncset.done $0x0  }
0x118: {  	s31 =	sadd.s32 $0x1480, s31;
	[sflag:s15] =	ssyncadd.s32 $0xFFFFC180  }
0x119: {  	[spmem:s3] =	stream.indirect.scatter.add.f32 [tilespmem:s13], [sflag:$0x4], $0x80, s31, s11, $0xb8;
	[tilespmem:$0x1F800] =	vst v63  }
0x11a: {  	_ =	swait.ge [sflag:s8], $0x3E80  }
0x11b: {  	[sflag:s8] =	ssyncset.done $0x0  }
0x11c: {  	[sflag:s8] =	ssyncadd.s32 $0xFFFFC180  }
0x11d: {  	[tilespmem:s13], [sflag:$0x2] =	stream.indirect.gather [hbm4b:s2+s11], $0x80, s16, s11, $0xb8;
	[tilespmem:$0x1F800] =	vst v63  }
0x11e: {  	_ =	swait.ge [sflag:s14], $0x3E80  }
0x11f: {  	[sflag:s14] =	ssyncset.done $0x0  }
0x120: {  	[sflag:s14] =	ssyncadd.s32 $0xFFFFC180  }
0x121: {  	[spmem:s3] =	stream.indirect.scatter.add.f32 [tilespmem:s12], [sflag:$0x4], $0x80, s17, s11, $0xb8;
	[tilespmem:$0x1F800] =	vst v63  }
0x122: {  	_ =	swait.ge [sflag:s8], $0x3E80  }
0x123: {  	[sflag:s8] =	ssyncset.done $0x0  }
0x124: {  	[sflag:s8] =	ssyncadd.s32 $0xFFFFC180  }
0x125: {  	_ =	swait.ge [sflag:s15], $0x3E80  }
0x126: {  	[sflag:s15] =	ssyncset.done $0x0  }
0x127: {  	[sflag:s15] =	ssyncadd.s32 $0xFFFFC180  }
0x128: {  	[spmem:s3] =	stream.indirect.scatter.add.f32 [tilespmem:s13], [sflag:$0x4], $0x80, s26, s11, $0xb8;
	[tilespmem:$0x1F800] =	vst v63  }
0x129: {  	_ =	swait.ge [sflag:s8], $0x3E80  }
0x12a: {  	s4 =	sadd.s32 $0x1, s4;
	[sflag:s8] =	ssyncset.done $0x0  }
0x12b: {  	p3 =	sne.s32 s4, s24;
	[sflag:s8] =	ssyncadd.s32 $0xFFFFC180  }
.Ltmp8:
0x12c: {  	[bflag:$0x0] =	sbarrier.arrive $0xFFFF;
	(pc) =	sbr.rel @p3 .LBB2_1-.Ltmp8, $4  }
0x12d: {  	[hbm:s23], [sflag:s30] =	dma.local [spmem:s29], $0x2800  }
0x12e: {  	_ =	swait.ge [sflag:s8], $0x2800  }
0x12f: {  	[sflag:s8] =	ssyncset.done $0x0  }
0x130: {  	[sflag:s8] =	ssyncadd.s32 $0xFFFFD800  }
0x131: {  	_ =	sfence.sel $0x180000  }
0x132: {  	[bflag:$0x0] =	sbarrier.arrive $0xFFFF  }
0x133: {  	_ =	strace $0x9000004A  }
0x134: {  	[bflag:$0x2] =	sbarrier.arrive $0xFFFF  }
0x135: {  	p0 =	sne.s32 s0, $0x0;
	s0 =	rddreg [dreg:$0x3]  }
0x136: {  	s0 =	sadd.s32 @!p0 $0x100000, s0  }
0x137: {  	[sflag:s0] =	ssyncadd.tile.s32 @!p0 $0x1;
	_ =	shalt  }
.Lfunc_end2:
_tile_overlayer_lowered:
.L_overlay_start_2:
0x138: {  	(tag) =	ssettag $0x2  }
0x139: {  	s0 =	rddreg [dreg:$0x0];
	s2 =	stileid.u32  }
0x13a: {  	s1 =	rddreg [dreg:$0x1];
	p0 =	sne.s32 s2, $0x0  }
0x13b: {  	s3 =	rddreg [dreg:$0x2];
	[bflag:$0x3] =	sbarrier.arrive $0xFFFF;
	s2 =	simm.s32 @!p0 $0x1C04  }
0x13c: {  	[timem:s3], [sflag:s2] =	dma.local @!p0 [hbm:s0], s1  }
0x13d: {  	s0 =	simm.s32 @!p0 $0x4  }
0x13e: {  	_ =	swait.ge @!p0 [sflag:s0], s1  }
0x13f: {  	s1 =	ssub.s32 @!p0 $0x0, s1;
	[sflag:s0] =	ssyncset.done @!p0 $0x0  }
0x140: {  	[sflag:s0] =	ssyncadd.s32 @!p0 s1  }
0x141: {  	[bflag:$0x3] =	sbarrier.arrive $0xFFFF  }
0x142: {  	_ =	shalt  }

// kernel: kernel.14.cloned.1.call-start
scs
__scs_entry_jumppad:
0x0: {  	(pc) =	sbr.rel $0x88, $3  }
0x1: {  	(tag) =	ssettag $0x0;
	lr =	simm.s32 $0x1  }
0x2: {  	[smem:$0x3F95] =	sst lr;
	_ =	strace $0xD0000000  }
0x3: {  	_ = 	snop  }
0x4: {  	_ = 	snop  }
0x5: {  	_ = 	snop  }
0x6: {  	_ = 	snop  }
0x7: {  	_ = 	snop  }
__scs_overlays_trampoline_lowered:
0x8: {  	[smem:$0x3FA4] =	sst s0  }
0x9: {  	[smem:$0x3FA5] =	sst s1  }
0xa: {  	[smem:$0x3FA6] =	sst s2  }
0xb: {  	[smem:$0x3FA7] =	sst s3  }
0xc: {  	[smem:$0x3FA8] =	sst s4  }
0xd: {  	[smem:$0x3FA9] =	sst s5  }
0xe: {  	[smem:$0x3FAA] =	sst s6  }
0xf: {  	[smem:$0x3FAB] =	sst s7  }
0x10: {  	[smem:$0x3FAC] =	sst s8  }
0x11: {  	[smem:$0x3FAD] =	sst s9;
	s0 =	simm.s32 @!p0 $0x0  }
0x12: {  	s1 =	sld [smem:$0x3F93];
	s0 =	simm.s32 @p0 $0x1  }
0x13: {  	[smem:$0x3FAE] =	sst s0;
	s0 =	simm.s32 @!p1 $0x0  }
0x14: {  	s2 =	sld [smem:$0x3F92];
	s0 =	simm.s32 @p1 $0x1  }
0x15: {  	[smem:$0x3FAF] =	sst s0;
	s0 =	simm.s32 @!p2 $0x0  }
0x16: {  	s3 =	sld [smem:$0x3FDB];
	s0 =	simm.s32 @p2 $0x1  }
0x17: {  	s4 =	simm.s32 $0x1BF5;
	[smem:$0x3FB1] =	sst s0  }
0x18: {  	s0 =	sld [smem:$0x3F94];
	_ =	swait.ge [sflag:s4], $0x0  }
0x19: {  	s7 =	sld [smem:$0x3F95]  }
0x1a: {  	s8 =	sadd.s32 $0xFFFFE003, lr  }
0x1b: {  	s9 =	sadd.s32 $0xFFFFFEF7, lr;
	s5 =	simm.s32 $0xFFFFFFFF;
	p2 =	slt.u32 s8, $0xFFFFF086  }
0x1c: {  	p1 =	slt.u32 s9, $0xF7A;
	s5 =	simm.s32 @!p2 $0x0  }
0x1d: {  	s5 =	simm.s32 @p1 $0x1;
	p0 =	seq.s32 s7, s2  }
0x1e: {  	s7 =	smul.u32 @!p0 $0xF7A, s2;
	p2 =	seq.s32 @!p0 s5, $0x0  }
0x1f: {  	s9 =	smul.u32 $0xF7A, s1;
	s8 =	simm.s32 @!p0 $0x1BF5;
	p2 =	por !p2, p0  }
0x20: {  	[sflag:s8] =	ssyncset.s32 @!p0 $0xFFFFF086;
	s6 =	sadd.s32 @!p0 s3, s7;
	s7 =	simm.s32 @!p0 $0x108  }
0x21: {  	s3 =	sadd.s32 s3, s9;
	s6 =	sadd.s32 @!p0 $0x88, s6;
	s7 =	simm.s32 @p2 $0x1082  }
0x22: {  	[simem:s7], [sflag:s8] =	dma.local @!p0 [hbm:s6], $0xF7A  }
0x23: {  	s9 =	sor.u32 $0xD0000000, s2;
	s6 =	simm.s32 $0x108;
	_ =	swait.ge @!p0 [sflag:s8], $0x0  }
0x24: {  	s3 =	sadd.s32 $0x88, s3;
	s6 =	simm.s32 @!p1 $0x1082;
	[sflag:s4] =	ssyncset.s32 $0xFFFFF086  }
0x25: {  	[simem:s6], [sflag:s4] =	dma.local [hbm:s3], $0xF7A  }
0x26: {  	[smem:$0x3F95] =	sst s1;
	(tag) =	ssettag s2;
	_ =	strace s9  }
0x27: {  	s1 =	sld [smem:$0x3FA5]  }
0x28: {  	s2 =	sld [smem:$0x3FA6]  }
0x29: {  	s4 =	sld [smem:$0x3FA8]  }
0x2a: {  	p0 =	seq.s32 s5, $0x0;
	s5 =	sld [smem:$0x3FA9]  }
0x2b: {  	s6 =	sld [smem:$0x3FAA]  }
0x2c: {  	s7 =	sld [smem:$0x3FAB]  }
0x2d: {  	s3 =	simm.s32 $0x108;
	s8 =	sld [smem:$0x3FAC]  }
0x2e: {  	s3 =	simm.s32 @!p0 $0x1082;
	s9 =	sld [smem:$0x3FAD]  }
0x2f: {  	lr =	sadd.s32 s0, s3;
	s0 =	sld [smem:$0x3FA4]  }
0x30: {  	s3 =	sld [smem:$0x3FA7]  }
0x31: {  	[smem:$0x3FB0] =	sst s10  }
0x32: {  	s10 =	sld [smem:$0x3FAE];
	_ =	sdelay $0x3  }
0x33: {  	p0 =	seq.s32 s10, $0x1;
	s10 =	sld [smem:$0x3FB0];
	_ =	sdelay $0x3  }
0x34: {  	[smem:$0x3FB0] =	sst s10  }
0x35: {  	s10 =	sld [smem:$0x3FAF];
	_ =	sdelay $0x3  }
0x36: {  	p1 =	seq.s32 s10, $0x1;
	s10 =	sld [smem:$0x3FB0];
	_ =	sdelay $0x3  }
0x37: {  	[smem:$0x3FB0] =	sst s10  }
0x38: {  	s10 =	sld [smem:$0x3FB1]  }
0x39: {  	_ = 	snop;
	(pc) =	sbr.ind lr, $3  }
0x3a: {  	_ = 	snop  }
0x3b: {  	_ = 	snop  }
0x3c: {  	p2 =	seq.s32 s10, $0x1;
	s10 =	sld [smem:$0x3FB0]  }
0x3d: {  	_ =	shalt  }
0x3e: {  	_ =	shalt  }
0x3f: {  	_ =	shalt  }
0x40: {  	_ =	shalt  }
0x41: {  	_ =	shalt  }
0x42: {  	_ =	shalt  }
0x43: {  	_ =	shalt  }
0x44: {  	_ =	shalt  }
0x45: {  	_ =	shalt  }
0x46: {  	_ =	shalt  }
0x47: {  	_ =	shalt  }
0x48: {  	_ =	shalt  }
0x49: {  	_ =	shalt  }
0x4a: {  	_ =	shalt  }
0x4b: {  	_ =	shalt  }
0x4c: {  	_ =	shalt  }
0x4d: {  	_ =	shalt  }
0x4e: {  	_ =	shalt  }
0x4f: {  	_ =	shalt  }
0x50: {  	_ =	shalt  }
0x51: {  	_ =	shalt  }
0x52: {  	_ =	shalt  }
0x53: {  	_ =	shalt  }
0x54: {  	_ =	shalt  }
0x55: {  	_ =	shalt  }
0x56: {  	_ =	shalt  }
0x57: {  	_ =	shalt  }
0x58: {  	_ =	shalt  }
0x59: {  	_ =	shalt  }
0x5a: {  	_ =	shalt  }
0x5b: {  	_ =	shalt  }
0x5c: {  	_ =	shalt  }
0x5d: {  	_ =	shalt  }
0x5e: {  	_ =	shalt  }
0x5f: {  	_ =	shalt  }
0x60: {  	_ =	shalt  }
0x61: {  	_ =	shalt  }
0x62: {  	_ =	shalt  }
0x63: {  	_ =	shalt  }
0x64: {  	_ =	shalt  }
0x65: {  	_ =	shalt  }
0x66: {  	_ =	shalt  }
0x67: {  	_ =	shalt  }
0x68: {  	_ =	shalt  }
0x69: {  	_ =	shalt  }
0x6a: {  	_ =	shalt  }
0x6b: {  	_ =	shalt  }
0x6c: {  	_ =	shalt  }
0x6d: {  	_ =	shalt  }
0x6e: {  	_ =	shalt  }
0x6f: {  	_ =	shalt  }
0x70: {  	_ =	shalt  }
0x71: {  	_ =	shalt  }
0x72: {  	_ =	shalt  }
0x73: {  	_ =	shalt  }
0x74: {  	_ =	shalt  }
0x75: {  	_ =	shalt  }
0x76: {  	_ =	shalt  }
0x77: {  	_ =	shalt  }
0x78: {  	_ =	shalt  }
0x79: {  	_ =	shalt  }
0x7a: {  	_ =	shalt  }
0x7b: {  	_ =	shalt  }
0x7c: {  	_ =	shalt  }
0x7d: {  	_ =	shalt  }
0x7e: {  	_ =	shalt  }
0x7f: {  	_ =	shalt  }
0x80: {  	_ =	shalt  }
0x81: {  	_ =	shalt  }
0x82: {  	_ =	shalt  }
0x83: {  	_ =	shalt  }
0x84: {  	_ =	shalt  }
0x85: {  	_ =	shalt  }
0x86: {  	_ =	shalt  }
0x87: {  	_ =	shalt  }
.Lfunc_end0:
.L_simem_size_0:
called_computation.2_lowered:
.L_overlay_start_0:
0x88: {  	s2 =	sld [smem:$0x3FD9]  }
0x89: {  	s3 =	sld [smem:$0x3FFE];
	_ =	sdelay $0x1  }
0x8a: {  	s1 =	srdreg.scid  }
0x8b: {  	s0 =	sand.u32 $0x1, s1  }
0x8c: {  	s17 =	sshll.u32 s0, $0xA;
	s2 =	sadd.s32 s3, s2  }
0x8d: {  	s2 =	sadd.s32 s2, s17  }
0x8e: {  	[smem:$0x3FBC] =	sst s2  }
0x8f: {  	_ = 	snop  }
0x90: {  	s2 =	sld [smem:$0x3FD0];
	(tm) =	ssettm $0x1  }
0x91: {  	s18 =	sld [smem:$0x3FFB];
	_ =	sdelay $0x3  }
0x92: {  	_ =	strace s18  }
0x93: {  	s3 =	sld [smem:$0x3FFC];
	_ =	sdelay $0x3  }
0x94: {  	_ =	strace s3  }
0x95: {  	s3 =	sld [smem:$0x3FFD];
	_ =	sdelay $0x3  }
0x96: {  	_ =	strace s3  }
0x97: {  	_ =	strace $0x8FFFFFFF  }
0x98: {  	s19 =	sld [smem:$0x3FDB];
	_ =	sdelay $0x1  }
0x99: {  	s4 =	simm.s32 $_scs_section_size  }
0x9a: {  	s5 =	simm.s32 $_size__tile_overlayer_lowered;
	s6 =	simm.s32 $_tile_overlayer_lowered  }
0x9b: {  	s22 =	simm.s32 $0x1BFF;
	s21 =	sshll.u32 s6, $0x1;
	s3 =	sadd.s32 s4, s19  }
0x9c: {  	s7 =	simm.s32 $0x0;
	s20 =	sshll.u32 s5, $0x1;
	s5 =	sadd.s32 s21, s3  }
0x9d: {  	[timem:s7], [sflag:s22] =	dma.local [hbm:s5], s20  }
0x9e: {  	_ =	swait.ge [sflag:s22], s20  }
0x9f: {  	s4 =	ssub.s32 $0x0, s20;
	[sflag:s22] =	ssyncset.done $0x0  }
0xa0: {  	[sflag:s22] =	ssyncadd.s32 s4;
	_ =	sdelay $0x1  }
0xa1: {  	s23 =	simm.s32 $0x1B8B  }
0xa2: {  	_ =	swait.ge [sflag:s23], $0x1  }
0xa3: {  	[sflag:s23] =	ssyncset.done $0x0  }
0xa4: {  	s25 =	simm.s32 $0x1B8E;
	s24 =	sld [smem:$0x3FFE];
	[sflag:s23] =	ssyncadd.s32 $0xFFFFFFFF  }
0xa5: {  	s26 =	simm.s32 $execute0_lowered;
	[smem:$0x3FD2] =	sst s25  }
0xa6: {  	s5 =	sshll.u32 s26, $0x1;
	_ =	strace $0x8000004C;
	[dreg:$0x1] =	wrdreg $0xFFFFFFFF  }
0xa7: {  	s28 =	simm.s32 $_size_execute0_lowered;
	s3 =	sadd.s32 s3, s5;
	[dreg:$0x0] =	wrdreg $0x0  }
0xa8: {  	s5 =	sshll.u32 s28, $0x1;
	[dreg:$0x2] =	wrdreg s3  }
0xa9: {  	[dreg:$0x3] =	wrdreg s5  }
0xaa: {  	[dreg:$0x4] =	wrdreg $0xC0  }
0xab: {  	_ =	task [dreg:s7], $0x5FFFF  }
0xac: {  	[dreg:$0x1] =	wrdreg $0xFFFFFFFF  }
0xad: {  	[dreg:$0x0] =	wrdreg $0x60  }
0xae: {  	[dreg:$0x2] =	wrdreg s24  }
0xaf: {  	[dreg:$0x3] =	wrdreg s2  }
0xb0: {  	[dreg:$0x4] =	wrdreg $0xB8000  }
0xb1: {  	[dreg:$0x5] =	wrdreg $0x9  }
0xb2: {  	_ =	task.clear_ibuf [dreg:s7], $0x6FFFF;
	_ =	strace $0x9000004C  }
0xb3: {  	s29 =	simm.s32 $0x9;
	_ =	strace $0x8000004E  }
0xb4: {  	_ =	swait.ge [sflag:s29], $0x1  }
0xb5: {  	[sflag:s29] =	ssyncadd.s32 $0xFFFFFFFF  }
0xb6: {  	_ =	strace $0x9000004E  }
0xb7: {  	_ =	sfence  }
0xb8: {  	s30 =	sld [smem:$0x0];
	_ =	sdelay $0x2  }
0xb9: {  	s31 =	sshll.u32 s1, $0xD;
	s1 =	sshrl.u32 s1, $0x2  }
0xba: {  	s3 =	sand.u32 $0x4000, s31;
	s1 =	sadd.s32 s1, s30  }
0xbb: {  	s0 =	sor.u32 s3, s0;
	s1 =	sshll.u32 s1, $0x11  }
0xbc: {  	s0 =	sor.u32 s1, s0  }
0xbd: {  	s0 =	sadd.s32 $0x8F2B, s0  }
0xbe: {  	[sflag:s0] =	ssyncadd.remote.s32 $0x1  }
0xbf: {  	_ =	sfence.sel $0xFFFF  }
0xc0: {  	[dreg:$0x0] =	wrdreg $0xFFFFFFFF;
	(pc) =	sbr.abs _section_cstart, $3  }
0xc1: {  	[dreg:$0x1] =	wrdreg $0xFFFFFFFF  }
0xc2: {  	_ =	task.clear_ibuf [dreg:s7], $0x2FFFF;
	_ =	strace $0x9FFFFFFF  }
0xc3: {  	(tm) =	ssettm $0x7FFFFFFF  }
tec
execute0_lowered:
.L_overlay_start_1:
0x0: {  	(tag) =	ssettag $0x1  }
0x1: {  	s1 =	rddreg [dreg:$0x0]  }
0x2: {  	s2 =	rddreg [dreg:$0x1];
	s4 =	srdreg.scid  }
0x3: {  	s0 =	stileid.u32;
	s3 =	rddreg [dreg:$0x2];
	s28 =	simm.s32 $0xA800  }
0x4: {  	s5 =	sand.u32 $0x1, s4;
	s6 =	smul.u32 $0x2800, s0;
	s4 =	simm.s32 $0x0  }
0x5: {  	s8 =	sadd.s32 $0xC600, s1;
	s9 =	sadd.s32 $0x2600, s1;
	s11 =	sshll.u32 s0, $0x1  }
0x6: {  	s12 =	smul.u32 $0x50000, s0;
	p1 =	sne.s32 s0, $0xF;
	p2 =	seq.s32 s0, $0xF  }
0x7: {  	s13 =	sadd.s32 $0x12C000, s3;
	s7 =	smul.u32 $0x28000, s5;
	[smem:$0x7FF] =	sst s4  }
0x8: {  	s14 =	ssub.s32 $0x2, s5;
	s15 =	sor.u32 s5, s11;
	s16 =	sshrl.u32 s12, $0x2  }
0x9: {  	p0 =	seq.s32 s5, $0x0;
	_ =	strace $0x8000004D;
	s5 =	sadd.s32 s16, s3  }
0xa: {  	s10 =	sshrl.u32 s14, $0x1;
	p1 =	por !p0, !p1;
	s17 =	sadd.s32 $0x1000, s5  }
0xb: {  	p2 =	por !p0, !p2;
	s18 =	sadd.s32 $0x2000, s5;
	[dreg:$0x4] =	wrdreg s17  }
0xc: {  	s23 =	smul.u32 $0x2800, s15;
	s19 =	sadd.s32 $0x3000, s5;
	[dreg:$0x5] =	wrdreg s18  }
0xd: {  	s12 =	simm.s32 $0x2800;
	s20 =	sadd.s32 $0x4000, s5;
	[dreg:$0x6] =	wrdreg s19  }
0xe: {  	s7 =	sadd.s32 s6, s7;
	s21 =	sadd.s32 $0x5000, s5;
	[dreg:$0x7] =	wrdreg s20  }
0xf: {  	p1 =	por !p1, !p1;
	s22 =	sadd.s32 $0x6000, s5;
	[dreg:$0x8] =	wrdreg s21  }
0x10: {  	p2 =	por !p2, !p2;
	s24 =	sadd.s32 $0x7000, s5;
	[dreg:$0x9] =	wrdreg s22  }
0x11: {  	s1 =	sadd.s32 s7, s1;
	s25 =	sadd.s32 $0x8000, s5;
	[dreg:$0xa] =	wrdreg s24  }
0x12: {  	s7 =	ssub.s32 s14, s10;
	s26 =	sadd.s32 $0x9000, s5;
	[dreg:$0xb] =	wrdreg s25  }
0x13: {  	s29 =	sadd.s32 $0xA000, s5;
	s10 =	smul.u32 $0x500, s15;
	[dreg:$0xc] =	wrdreg s26  }
0x14: {  	s11 =	sshrl.u32 s23, $0x3;
	s30 =	sadd.s32 $0xB000, s5;
	[dreg:$0xd] =	wrdreg s29  }
0x15: {  	s31 =	sadd.s32 $0xC000, s5;
	s14 =	sshrl.u32 s13, $0x3;
	[dreg:$0xe] =	wrdreg s30  }
0x16: {  	s15 =	sadd.s32 $0xD000, s5;
	s16 =	sadd.s32 $0xE000, s5;
	[dreg:$0xf] =	wrdreg s31  }
0x17: {  	s13 =	simm.s32 $0x6800;
	s11 =	sadd.s32 $0x280, s11;
	[dreg:$0x10] =	wrdreg s14  }
0x18: {  	s22 =	sadd.s32 s2, s6;
	s23 =	sadd.s32 $0x16600, s1;
	[dreg:$0x11] =	wrdreg s15  }
0x19: {  	s24 =	smax.u32 s7, $0x1;
	[dreg:$0x12] =	wrdreg s16;
	s17 =	sadd.s32 $0xF000, s5  }
0x1a: {  	s25 =	sadd.s32 $0x10000, s5;
	s26 =	sadd.s32 $0x11000, s5;
	[dreg:$0x13] =	wrdreg s17  }
0x1b: {  	s29 =	sadd.s32 $0x12000, s5;
	s30 =	sadd.s32 $0x13000, s5;
	[dreg:$0x14] =	wrdreg s25  }
0x1c: {  	s31 =	sadd.s32 $0x25800, s2;
	s14 =	simm.s32 $0x1;
	[dreg:$0x15] =	wrdreg s26  }
0x1d: {  	s15 =	simm.s32 $0x2;
	s16 =	simm.s32 $0x1380;
	[dreg:$0x16] =	wrdreg s29  }
0x1e: {  	s18 =	sadd.s32 s8, s10;
	s19 =	sadd.s32 s9, s10;
	[dreg:$0x17] =	wrdreg s30  }
0x1f: {  	s20 =	sadd.s32 s8, s11;
	s21 =	sadd.s32 s9, s11;
	[dreg:$0x18] =	wrdreg s31  }
0x20: {  	s8 =	simm.s32 $0x4;
	s9 =	simm.s32 $0x3;
	s10 =	simm.s32 $0x1400  }
0x21: {  	v0 =	vimm.f32 $0.0e+00;
	s11 =	simm.s32 $0x7D;
	s17 =	simm.s32 $0x2700;
	s26 =	simm.s32 $0x2780  }
.LBB2_1:
.Ltmp0:
0x22: {  	(pc) =	sbr.rel @!p1 .LBB2_3-.Ltmp0, $3  }
0x23: {  	_ =	sdelay $0x1  }
0x24: {  	s1 =	sshll.u32 s0, $0x6  }
0x25: {  	s29 =	sshrl.u32 s5, $0x3;
	s30 =	sor.u32 $0x1C04, s1  }
.Ltmp1:
0x26: {  	(pc) =	sbr.rel .LBB2_9-.Ltmp1, $4  }
0x27: {  	[spmem:s29], [sflag:s30] =	dma.local [hbm:s22], $0x2800  }
0x28: {  	_ =	swait.ge [sflag:s8], $0x2800  }
0x29: {  	[sflag:s8] =	ssyncset.done $0x0  }
0x2a: {  	[sflag:s8] =	ssyncadd.s32 $0xFFFFD800  }
.LBB2_3:
.Ltmp2:
0x2b: {  	(pc) =	sbr.rel @!p2 .LBB2_5-.Ltmp2, $1  }
0x2c: {  	_ =	sdelay $0x3  }
0x2d: {  	s1 =	rddreg [dreg:$0x10]  }
.Ltmp3:
0x2e: {  	s6 =	rddreg [dreg:$0x18];
	s7 =	simm.s32 $0x1FC4;
	(pc) =	sbr.rel .LBB2_9-.Ltmp3, $4  }
0x2f: {  	[spmem:s1], [sflag:s7] =	dma.local [hbm:s6], $0x1900  }
0x30: {  	_ =	swait.ge [sflag:s8], $0x1900  }
0x31: {  	[sflag:s8] =	ssyncset.done $0x0  }
0x32: {  	[sflag:s8] =	ssyncadd.s32 $0xFFFFE700  }
.LBB2_5:
.Ltmp4:
0x33: {  	(pc) =	sbr.rel @p0 .LBB2_9-.Ltmp4, $2  }
0x34: {  	_ =	sdelay $0x2  }
0x35: {  	s1 =	simm.s32 $0x0  }
0x36: {  	s31 =	sshra.s32 s1, $0x2;
	s1 =	sadd.s32 $0x200, s1  }
.LBB2_7:
0x37: {  	p3 =	sne.s32 s1, $0x3E00;
	[tilespmem:s31+$0xA870] =	vst v0  }
0x38: {  	[tilespmem:s31+$0xA800] =	vst v0  }
0x39: {  	[tilespmem:s31+$0xA810] =	vst v0  }
.Ltmp5:
0x3a: {  	[tilespmem:s31+$0xA820] =	vst v0;
	(pc) =	sbr.rel @p3 .LBB2_7-.Ltmp5, $4  }
0x3b: {  	[tilespmem:s31+$0xA830] =	vst v0  }
0x3c: {  	[tilespmem:s31+$0xA840] =	vst v0  }
0x3d: {  	[tilespmem:s31+$0xA850] =	vst v0  }
0x3e: {  	[tilespmem:s31+$0xA860] =	vst v0;
	s31 =	sshra.s32 s1, $0x2;
	s1 =	sadd.s32 $0x200, s1  }
0x3f: {  	[tilespmem:s31+$0xA870] =	vst v0  }
0x40: {  	[tilespmem:s31+$0xA800] =	vst v0  }
0x41: {  	[tilespmem:s31+$0xA810] =	vst v0  }
0x42: {  	[tilespmem:s31+$0xA820] =	vst v0  }
0x43: {  	[tilespmem:s31+$0xA830] =	vst v0  }
0x44: {  	[tilespmem:s31+$0xA840] =	vst v0  }
0x45: {  	[tilespmem:s31+$0xA850] =	vst v0  }
0x46: {  	[tilespmem:s31+$0xA860] =	vst v0  }
0x47: {  	[spmem:s5] =	stream.linear.scatter [tilespmem:s28], [sflag:$0x4], $0x1000, $0x38;
	[tilespmem:$0x1F800] =	vst v63  }
0x48: {  	_ =	swait.ge [sflag:s8], $0x1000  }
0x49: {  	[sflag:s8] =	ssyncset.done $0x0  }
0x4a: {  	s1 =	rddreg [dreg:$0x4];
	[sflag:s8] =	ssyncadd.s32 $0xFFFFF000  }
0x4b: {  	[spmem:s1] =	stream.linear.scatter [tilespmem:s28], [sflag:$0x4], $0x1000, $0x38;
	[tilespmem:$0x1F800] =	vst v63  }
0x4c: {  	_ =	swait.ge [sflag:s8], $0x1000  }
0x4d: {  	[sflag:s8] =	ssyncset.done $0x0  }
0x4e: {  	s25 =	rddreg [dreg:$0x5];
	[sflag:s8] =	ssyncadd.s32 $0xFFFFF000  }
0x4f: {  	[spmem:s25] =	stream.linear.scatter [tilespmem:s28], [sflag:$0x4], $0x1000, $0x38;
	[tilespmem:$0x1F800] =	vst v63  }
0x50: {  	_ =	swait.ge [sflag:s8], $0x1000  }
0x51: {  	[sflag:s8] =	ssyncset.done $0x0  }
0x52: {  	s31 =	rddreg [dreg:$0x6];
	[sflag:s8] =	ssyncadd.s32 $0xFFFFF000  }
0x53: {  	[spmem:s31] =	stream.linear.scatter [tilespmem:s28], [sflag:$0x4], $0x1000, $0x38;
	[tilespmem:$0x1F800] =	vst v63  }
0x54: {  	_ =	swait.ge [sflag:s8], $0x1000  }
0x55: {  	[sflag:s8] =	ssyncset.done $0x0  }
0x56: {  	s6 =	rddreg [dreg:$0x7];
	[sflag:s8] =	ssyncadd.s32 $0xFFFFF000  }
0x57: {  	[spmem:s6] =	stream.linear.scatter [tilespmem:s28], [sflag:$0x4], $0x1000, $0x38;
	[tilespmem:$0x1F800] =	vst v63  }
0x58: {  	_ =	swait.ge [sflag:s8], $0x1000  }
0x59: {  	[sflag:s8] =	ssyncset.done $0x0  }
0x5a: {  	s7 =	rddreg [dreg:$0x8];
	[sflag:s8] =	ssyncadd.s32 $0xFFFFF000  }
0x5b: {  	[spmem:s7] =	stream.linear.scatter [tilespmem:s28], [sflag:$0x4], $0x1000, $0x38;
	[tilespmem:$0x1F800] =	vst v63  }
0x5c: {  	_ =	swait.ge [sflag:s8], $0x1000  }
0x5d: {  	[sflag:s8] =	ssyncset.done $0x0  }
0x5e: {  	s25 =	rddreg [dreg:$0x9];
	[sflag:s8] =	ssyncadd.s32 $0xFFFFF000  }
0x5f: {  	[spmem:s25] =	stream.linear.scatter [tilespmem:s28], [sflag:$0x4], $0x1000, $0x38;
	[tilespmem:$0x1F800] =	vst v63  }
0x60: {  	_ =	swait.ge [sflag:s8], $0x1000  }
0x61: {  	[sflag:s8] =	ssyncset.done $0x0  }
0x62: {  	s31 =	rddreg [dreg:$0xa];
	[sflag:s8] =	ssyncadd.s32 $0xFFFFF000  }
0x63: {  	[spmem:s31] =	stream.linear.scatter [tilespmem:s28], [sflag:$0x4], $0x1000, $0x38;
	[tilespmem:$0x1F800] =	vst v63  }
0x64: {  	_ =	swait.ge [sflag:s8], $0x1000  }
0x65: {  	[sflag:s8] =	ssyncset.done $0x0  }
0x66: {  	s6 =	rddreg [dreg:$0xb];
	[sflag:s8] =	ssyncadd.s32 $0xFFFFF000  }
0x67: {  	[spmem:s6] =	stream.linear.scatter [tilespmem:s28], [sflag:$0x4], $0x1000, $0x38;
	[tilespmem:$0x1F800] =	vst v63  }
0x68: {  	_ =	swait.ge [sflag:s8], $0x1000  }
0x69: {  	[sflag:s8] =	ssyncset.done $0x0  }
0x6a: {  	s7 =	rddreg [dreg:$0xc];
	[sflag:s8] =	ssyncadd.s32 $0xFFFFF000  }
0x6b: {  	[spmem:s7] =	stream.linear.scatter [tilespmem:s28], [sflag:$0x4], $0x1000, $0x38;
	[tilespmem:$0x1F800] =	vst v63  }
0x6c: {  	_ =	swait.ge [sflag:s8], $0x1000  }
0x6d: {  	[sflag:s8] =	ssyncset.done $0x0  }
0x6e: {  	s25 =	rddreg [dreg:$0xd];
	[sflag:s8] =	ssyncadd.s32 $0xFFFFF000  }
0x6f: {  	[spmem:s25] =	stream.linear.scatter [tilespmem:s28], [sflag:$0x4], $0x1000, $0x38;
	[tilespmem:$0x1F800] =	vst v63  }
0x70: {  	_ =	swait.ge [sflag:s8], $0x1000  }
0x71: {  	[sflag:s8] =	ssyncset.done $0x0  }
0x72: {  	s31 =	rddreg [dreg:$0xe];
	[sflag:s8] =	ssyncadd.s32 $0xFFFFF000  }
0x73: {  	[spmem:s31] =	stream.linear.scatter [tilespmem:s28], [sflag:$0x4], $0x1000, $0x38;
	[tilespmem:$0x1F800] =	vst v63  }
0x74: {  	_ =	swait.ge [sflag:s8], $0x1000  }
0x75: {  	[sflag:s8] =	ssyncset.done $0x0  }
0x76: {  	s6 =	rddreg [dreg:$0xf];
	[sflag:s8] =	ssyncadd.s32 $0xFFFFF000  }
0x77: {  	[spmem:s6] =	stream.linear.scatter [tilespmem:s28], [sflag:$0x4], $0x1000, $0x38;
	[tilespmem:$0x1F800] =	vst v63  }
0x78: {  	_ =	swait.ge [sflag:s8], $0x1000  }
0x79: {  	[sflag:s8] =	ssyncset.done $0x0  }
0x7a: {  	s7 =	rddreg [dreg:$0x11];
	[sflag:s8] =	ssyncadd.s32 $0xFFFFF000  }
0x7b: {  	[spmem:s7] =	stream.linear.scatter [tilespmem:s28], [sflag:$0x4], $0x1000, $0x38;
	[tilespmem:$0x1F800] =	vst v63  }
0x7c: {  	_ =	swait.ge [sflag:s8], $0x1000  }
0x7d: {  	[sflag:s8] =	ssyncset.done $0x0  }
0x7e: {  	s25 =	rddreg [dreg:$0x12];
	[sflag:s8] =	ssyncadd.s32 $0xFFFFF000  }
0x7f: {  	[spmem:s25] =	stream.linear.scatter [tilespmem:s28], [sflag:$0x4], $0x1000, $0x38;
	[tilespmem:$0x1F800] =	vst v63  }
0x80: {  	_ =	swait.ge [sflag:s8], $0x1000  }
0x81: {  	[sflag:s8] =	ssyncset.done $0x0  }
0x82: {  	s31 =	rddreg [dreg:$0x13];
	[sflag:s8] =	ssyncadd.s32 $0xFFFFF000  }
0x83: {  	[spmem:s31] =	stream.linear.scatter [tilespmem:s28], [sflag:$0x4], $0x1000, $0x38;
	[tilespmem:$0x1F800] =	vst v63  }
0x84: {  	_ =	swait.ge [sflag:s8], $0x1000  }
0x85: {  	[sflag:s8] =	ssyncset.done $0x0  }
0x86: {  	s6 =	rddreg [dreg:$0x14];
	[sflag:s8] =	ssyncadd.s32 $0xFFFFF000  }
0x87: {  	[spmem:s6] =	stream.linear.scatter [tilespmem:s28], [sflag:$0x4], $0x1000, $0x38;
	[tilespmem:$0x1F800] =	vst v63  }
0x88: {  	_ =	swait.ge [sflag:s8], $0x1000  }
0x89: {  	[sflag:s8] =	ssyncset.done $0x0  }
0x8a: {  	s7 =	rddreg [dreg:$0x15];
	[sflag:s8] =	ssyncadd.s32 $0xFFFFF000  }
0x8b: {  	[spmem:s7] =	stream.linear.scatter [tilespmem:s28], [sflag:$0x4], $0x1000, $0x38;
	[tilespmem:$0x1F800] =	vst v63  }
0x8c: {  	_ =	swait.ge [sflag:s8], $0x1000  }
0x8d: {  	[sflag:s8] =	ssyncset.done $0x0  }
0x8e: {  	s25 =	rddreg [dreg:$0x16];
	[sflag:s8] =	ssyncadd.s32 $0xFFFFF000  }
0x8f: {  	[spmem:s25] =	stream.linear.scatter [tilespmem:s28], [sflag:$0x4], $0x1000, $0x38;
	[tilespmem:$0x1F800] =	vst v63  }
0x90: {  	_ =	swait.ge [sflag:s8], $0x1000  }
0x91: {  	[sflag:s8] =	ssyncset.done $0x0  }
0x92: {  	s31 =	rddreg [dreg:$0x17];
	[sflag:s8] =	ssyncadd.s32 $0xFFFFF000  }
0x93: {  	[spmem:s31] =	stream.linear.scatter [tilespmem:s28], [sflag:$0x4], $0x1000, $0x38;
	[tilespmem:$0x1F800] =	vst v63  }
0x94: {  	_ =	swait.ge [sflag:s8], $0x1000  }
0x95: {  	[sflag:s8] =	ssyncset.done $0x0  }
0x96: {  	[sflag:s8] =	ssyncadd.s32 $0xFFFFF000  }
.LBB2_9:
0x97: {  	[bflag:$0x0] =	sbarrier.arrive $0xFFFF;
	s1 =	simm.s32 $0x0  }
0x98: {  	[tilespmem:s1], [sflag:$0x3] =	stream.linear.gather [hbm4b:s18+s1], $0x1400, $0x38;
	[tilespmem:$0x1F800] =	vst v63  }
0x99: {  	_ =	swait.ge [sflag:s9], $0x1400  }
0x9a: {  	[sflag:s9] =	ssyncset.done $0x0  }
0x9b: {  	[sflag:s9] =	ssyncadd.s32 $0xFFFFEC00  }
0x9c: {  	[tilespmem:s10], [sflag:$0x3] =	stream.linear.gather [hbm4b:s19+s1], $0x1400, $0x38;
	[tilespmem:$0x1F800] =	vst v63  }
0x9d: {  	_ =	swait.ge [sflag:s9], $0x1400  }
0x9e: {  	[sflag:s9] =	ssyncset.done $0x0  }
0x9f: {  	[sflag:s9] =	ssyncadd.s32 $0xFFFFEC00  }
0xa0: {  	[tilespmem:s12], [sflag:$0x1] =	stream.indirect.gather [hbm4b:s2+s11], $0x80, s1, s11, $0xb8;
	[tilespmem:$0x1F800] =	vst v63  }
0xa1: {  	s25 =	simm.s32 $0x80  }
0xa2: {  	[tilespmem:s13], [sflag:$0x2] =	stream.indirect.gather [hbm4b:s2+s11], $0x80, s25, s11, $0xb8;
	[tilespmem:$0x1F800] =	vst v63  }
0xa3: {  	_ =	swait.ge [sflag:s14], $0x3E80  }
0xa4: {  	[sflag:s14] =	ssyncset.done $0x0  }
0xa5: {  	s6 =	simm.s32 $0x1400;
	[sflag:s14] =	ssyncadd.s32 $0xFFFFC180  }
0xa6: {  	[spmem:s3] =	stream.indirect.scatter.add.f32 [tilespmem:s12], [sflag:$0x4], $0x80, s6, s11, $0xb8;
	[tilespmem:$0x1F800] =	vst v63  }
0xa7: {  	_ =	swait.ge [sflag:s8], $0x3E80  }
0xa8: {  	[sflag:s8] =	ssyncset.done $0x0  }
0xa9: {  	s7 =	simm.s32 $0x100;
	[sflag:s8] =	ssyncadd.s32 $0xFFFFC180  }
0xaa: {  	[tilespmem:s12], [sflag:$0x1] =	stream.indirect.gather [hbm4b:s2+s11], $0x80, s7, s11, $0xb8;
	[tilespmem:$0x1F800] =	vst v63  }
0xab: {  	_ =	swait.ge [sflag:s15], $0x3E80  }
0xac: {  	[sflag:s15] =	ssyncset.done $0x0  }
0xad: {  	s25 =	simm.s32 $0x1480;
	[sflag:s15] =	ssyncadd.s32 $0xFFFFC180  }
0xae: {  	[spmem:s3] =	stream.indirect.scatter.add.f32 [tilespmem:s13], [sflag:$0x4], $0x80, s25, s11, $0xb8;
	[tilespmem:$0x1F800] =	vst v63  }
0xaf: {  	_ =	swait.ge [sflag:s8], $0x3E80  }
0xb0: {  	s31 =	simm.s32 $0x100;
	s1 =	simm.s32 $0x800;
	[sflag:s8] =	ssyncset.done $0x0  }
.LBB2_10:
0xb1: {  	s6 =	sadd.s32 $0x80, s31  }
0xb2: {  	[sflag:s8] =	ssyncadd.s32 $0xFFFFC180;
	s25 =	smov.u32 s1;
	s7 =	sadd.s32 $0x400, s1  }
0xb3: {  	[tilespmem:s13], [sflag:$0x2] =	stream.indirect.gather [hbm4b:s2+s11], $0x80, s6, s11, $0xb8;
	[tilespmem:$0x1F800] =	vst v63  }
0xb4: {  	p3 =	sne.s32 s1, $0x4800;
	_ =	swait.ge [sflag:s14], $0x3E80  }
0xb5: {  	[sflag:s14] =	ssyncset.done $0x0  }
0xb6: {  	s1 =	sadd.s32 $0x1400, s31;
	[sflag:s14] =	ssyncadd.s32 $0xFFFFC180  }
0xb7: {  	[spmem:s3] =	stream.indirect.scatter.add.f32 [tilespmem:s12], [sflag:$0x4], $0x80, s1, s11, $0xb8;
	[tilespmem:$0x1F800] =	vst v63  }
0xb8: {  	_ =	swait.ge [sflag:s8], $0x3E80  }
0xb9: {  	[sflag:s8] =	ssyncset.done $0x0  }
0xba: {  	s1 =	sadd.s32 $0x100, s31;
	[sflag:s8] =	ssyncadd.s32 $0xFFFFC180  }
0xbb: {  	[tilespmem:s12], [sflag:$0x1] =	stream.indirect.gather [hbm4b:s2+s11], $0x80, s1, s11, $0xb8;
	[tilespmem:$0x1F800] =	vst v63  }
0xbc: {  	_ =	swait.ge [sflag:s15], $0x3E80  }
.Ltmp6:
0xbd: {  	[sflag:s15] =	ssyncset.done $0x0;
	(pc) =	sbr.rel @p3 .LBB2_10-.Ltmp6, $4  }
0xbe: {  	s1 =	sadd.s32 $0x1480, s31;
	[sflag:s15] =	ssyncadd.s32 $0xFFFFC180  }
0xbf: {  	[spmem:s3] =	stream.indirect.scatter.add.f32 [tilespmem:s13], [sflag:$0x4], $0x80, s1, s11, $0xb8;
	[tilespmem:$0x1F800] =	vst v63  }
0xc0: {  	_ =	swait.ge [sflag:s8], $0x3E80  }
0xc1: {  	s31 =	sshra.s32 s25, $0x2;
	s1 =	smov.u32 s7;
	[sflag:s8] =	ssyncset.done $0x0  }
0xc2: {  	s1 =	sadd.s32 $0x80, s31;
	[sflag:s8] =	ssyncadd.s32 $0xFFFFC180  }
0xc3: {  	[tilespmem:s13], [sflag:$0x2] =	stream.indirect.gather [hbm4b:s2+s11], $0x80, s1, s11, $0xb8;
	[tilespmem:$0x1F800] =	vst v63  }
0xc4: {  	_ =	swait.ge [sflag:s14], $0x3E80  }
0xc5: {  	[sflag:s14] =	ssyncset.done $0x0  }
0xc6: {  	s7 =	sadd.s32 $0x1400, s31;
	[sflag:s14] =	ssyncadd.s32 $0xFFFFC180  }
0xc7: {  	[spmem:s3] =	stream.indirect.scatter.add.f32 [tilespmem:s12], [sflag:$0x4], $0x80, s7, s11, $0xb8;
	[tilespmem:$0x1F800] =	vst v63  }
0xc8: {  	_ =	swait.ge [sflag:s8], $0x3E80  }
0xc9: {  	[sflag:s8] =	ssyncset.done $0x0  }
0xca: {  	s25 =	sadd.s32 $0x100, s31;
	[sflag:s8] =	ssyncadd.s32 $0xFFFFC180  }
0xcb: {  	[tilespmem:s12], [sflag:$0x1] =	stream.indirect.gather [hbm4b:s2+s11], $0x80, s25, s11, $0xb8;
	[tilespmem:$0x1F800] =	vst v63  }
0xcc: {  	_ =	swait.ge [sflag:s15], $0x3E80  }
0xcd: {  	[sflag:s15] =	ssyncset.done $0x0  }
0xce: {  	s6 =	sadd.s32 $0x1480, s31;
	[sflag:s15] =	ssyncadd.s32 $0xFFFFC180  }
0xcf: {  	[spmem:s3] =	stream.indirect.scatter.add.f32 [tilespmem:s13], [sflag:$0x4], $0x80, s6, s11, $0xb8;
	[tilespmem:$0x1F800] =	vst v63  }
0xd0: {  	_ =	swait.ge [sflag:s8], $0x3E80  }
0xd1: {  	[sflag:s8] =	ssyncset.done $0x0  }
0xd2: {  	[sflag:s8] =	ssyncadd.s32 $0xFFFFC180  }
0xd3: {  	[tilespmem:s13], [sflag:$0x2] =	stream.indirect.gather [hbm4b:s2+s11], $0x80, s16, s11, $0xb8;
	[tilespmem:$0x1F800] =	vst v63  }
0xd4: {  	_ =	swait.ge [sflag:s14], $0x3E80  }
0xd5: {  	[sflag:s14] =	ssyncset.done $0x0  }
0xd6: {  	[sflag:s14] =	ssyncadd.s32 $0xFFFFC180  }
0xd7: {  	[spmem:s3] =	stream.indirect.scatter.add.f32 [tilespmem:s12], [sflag:$0x4], $0x80, s17, s11, $0xb8;
	[tilespmem:$0x1F800] =	vst v63  }
0xd8: {  	_ =	swait.ge [sflag:s8], $0x3E80  }
0xd9: {  	[sflag:s8] =	ssyncset.done $0x0  }
0xda: {  	[sflag:s8] =	ssyncadd.s32 $0xFFFFC180  }
0xdb: {  	_ =	swait.ge [sflag:s15], $0x3E80  }
0xdc: {  	[sflag:s15] =	ssyncset.done $0x0  }
0xdd: {  	[sflag:s15] =	ssyncadd.s32 $0xFFFFC180  }
0xde: {  	[spmem:s3] =	stream.indirect.scatter.add.f32 [tilespmem:s13], [sflag:$0x4], $0x80, s26, s11, $0xb8;
	[tilespmem:$0x1F800] =	vst v63  }
0xdf: {  	_ =	swait.ge [sflag:s8], $0x3E80  }
0xe0: {  	[sflag:s8] =	ssyncset.done $0x0  }
0xe1: {  	s7 =	simm.s32 $0x0;
	[sflag:s8] =	ssyncadd.s32 $0xFFFFC180  }
0xe2: {  	[tilespmem:s7], [sflag:$0x3] =	stream.linear.gather [hbm4b:s20+s7], $0x1400, $0x38;
	[tilespmem:$0x1F800] =	vst v63  }
0xe3: {  	_ =	swait.ge [sflag:s9], $0x1400  }
0xe4: {  	[sflag:s9] =	ssyncset.done $0x0  }
0xe5: {  	[sflag:s9] =	ssyncadd.s32 $0xFFFFEC00  }
0xe6: {  	[tilespmem:s10], [sflag:$0x3] =	stream.linear.gather [hbm4b:s21+s7], $0x1400, $0x38;
	[tilespmem:$0x1F800] =	vst v63  }
0xe7: {  	_ =	swait.ge [sflag:s9], $0x1400  }
0xe8: {  	[sflag:s9] =	ssyncset.done $0x0  }
0xe9: {  	[sflag:s9] =	ssyncadd.s32 $0xFFFFEC00  }
0xea: {  	[tilespmem:s12], [sflag:$0x1] =	stream.indirect.gather [hbm4b:s2+s11], $0x80, s7, s11, $0xb8;
	[tilespmem:$0x1F800] =	vst v63  }
0xeb: {  	s25 =	simm.s32 $0x80  }
0xec: {  	[tilespmem:s13], [sflag:$0x2] =	stream.indirect.gather [hbm4b:s2+s11], $0x80, s25, s11, $0xb8;
	[tilespmem:$0x1F800] =	vst v63  }
0xed: {  	_ =	swait.ge [sflag:s14], $0x3E80  }
0xee: {  	[sflag:s14] =	ssyncset.done $0x0  }
0xef: {  	s6 =	simm.s32 $0x1400;
	[sflag:s14] =	ssyncadd.s32 $0xFFFFC180  }
0xf0: {  	[spmem:s3] =	stream.indirect.scatter.add.f32 [tilespmem:s12], [sflag:$0x4], $0x80, s6, s11, $0xb8;
	[tilespmem:$0x1F800] =	vst v63  }
0xf1: {  	_ =	swait.ge [sflag:s8], $0x3E80  }
0xf2: {  	[sflag:s8] =	ssyncset.done $0x0  }
0xf3: {  	s7 =	simm.s32 $0x100;
	[sflag:s8] =	ssyncadd.s32 $0xFFFFC180  }
0xf4: {  	[tilespmem:s12], [sflag:$0x1] =	stream.indirect.gather [hbm4b:s2+s11], $0x80, s7, s11, $0xb8;
	[tilespmem:$0x1F800] =	vst v63  }
0xf5: {  	_ =	swait.ge [sflag:s15], $0x3E80  }
0xf6: {  	[sflag:s15] =	ssyncset.done $0x0  }
0xf7: {  	s25 =	simm.s32 $0x1480;
	[sflag:s15] =	ssyncadd.s32 $0xFFFFC180  }
0xf8: {  	[spmem:s3] =	stream.indirect.scatter.add.f32 [tilespmem:s13], [sflag:$0x4], $0x80, s25, s11, $0xb8;
	[tilespmem:$0x1F800] =	vst v63  }
0xf9: {  	_ =	swait.ge [sflag:s8], $0x3E80  }
0xfa: {  	s31 =	simm.s32 $0x100;
	s1 =	simm.s32 $0x800;
	[sflag:s8] =	ssyncset.done $0x0  }
.LBB2_12:
0xfb: {  	s6 =	sadd.s32 $0x80, s31  }
0xfc: {  	[sflag:s8] =	ssyncadd.s32 $0xFFFFC180;
	s7 =	smov.u32 s1;
	s25 =	sadd.s32 $0x400, s1  }
0xfd: {  	[tilespmem:s13], [sflag:$0x2] =	stream.indirect.gather [hbm4b:s2+s11], $0x80, s6, s11, $0xb8;
	[tilespmem:$0x1F800] =	vst v63  }
0xfe: {  	p3 =	sne.s32 s1, $0x4800;
	_ =	swait.ge [sflag:s14], $0x3E80  }
0xff: {  	[sflag:s14] =	ssyncset.done $0x0  }
0x100: {  	s1 =	sadd.s32 $0x1400, s31;
	[sflag:s14] =	ssyncadd.s32 $0xFFFFC180  }
0x101: {  	[spmem:s3] =	stream.indirect.scatter.add.f32 [tilespmem:s12], [sflag:$0x4], $0x80, s1, s11, $0xb8;
	[tilespmem:$0x1F800] =	vst v63  }
0x102: {  	_ =	swait.ge [sflag:s8], $0x3E80  }
0x103: {  	[sflag:s8] =	ssyncset.done $0x0  }
0x104: {  	s1 =	sadd.s32 $0x100, s31;
	[sflag:s8] =	ssyncadd.s32 $0xFFFFC180  }
0x105: {  	[tilespmem:s12], [sflag:$0x1] =	stream.indirect.gather [hbm4b:s2+s11], $0x80, s1, s11, $0xb8;
	[tilespmem:$0x1F800] =	vst v63  }
0x106: {  	_ =	swait.ge [sflag:s15], $0x3E80  }
.Ltmp7:
0x107: {  	[sflag:s15] =	ssyncset.done $0x0;
	(pc) =	sbr.rel @p3 .LBB2_12-.Ltmp7, $4  }
0x108: {  	s1 =	sadd.s32 $0x1480, s31;
	[sflag:s15] =	ssyncadd.s32 $0xFFFFC180  }
0x109: {  	[spmem:s3] =	stream.indirect.scatter.add.f32 [tilespmem:s13], [sflag:$0x4], $0x80, s1, s11, $0xb8;
	[tilespmem:$0x1F800] =	vst v63  }
0x10a: {  	_ =	swait.ge [sflag:s8], $0x3E80  }
0x10b: {  	s31 =	sshra.s32 s7, $0x2;
	s1 =	smov.u32 s25;
	[sflag:s8] =	ssyncset.done $0x0  }
0x10c: {  	s1 =	sadd.s32 $0x80, s31;
	[sflag:s8] =	ssyncadd.s32 $0xFFFFC180  }
0x10d: {  	[tilespmem:s13], [sflag:$0x2] =	stream.indirect.gather [hbm4b:s2+s11], $0x80, s1, s11, $0xb8;
	[tilespmem:$0x1F800] =	vst v63  }
0x10e: {  	_ =	swait.ge [sflag:s14], $0x3E80  }
0x10f: {  	[sflag:s14] =	ssyncset.done $0x0  }
0x110: {  	s7 =	sadd.s32 $0x1400, s31;
	[sflag:s14] =	ssyncadd.s32 $0xFFFFC180  }
0x111: {  	[spmem:s3] =	stream.indirect.scatter.add.f32 [tilespmem:s12], [sflag:$0x4], $0x80, s7, s11, $0xb8;
	[tilespmem:$0x1F800] =	vst v63  }
0x112: {  	_ =	swait.ge [sflag:s8], $0x3E80  }
0x113: {  	[sflag:s8] =	ssyncset.done $0x0  }
0x114: {  	s25 =	sadd.s32 $0x100, s31;
	[sflag:s8] =	ssyncadd.s32 $0xFFFFC180  }
0x115: {  	[tilespmem:s12], [sflag:$0x1] =	stream.indirect.gather [hbm4b:s2+s11], $0x80, s25, s11, $0xb8;
	[tilespmem:$0x1F800] =	vst v63  }
0x116: {  	_ =	swait.ge [sflag:s15], $0x3E80  }
0x117: {  	[sflag:s15] =	ssyncset.done $0x0  }
0x118: {  	s31 =	sadd.s32 $0x1480, s31;
	[sflag:s15] =	ssyncadd.s32 $0xFFFFC180  }
0x119: {  	[spmem:s3] =	stream.indirect.scatter.add.f32 [tilespmem:s13], [sflag:$0x4], $0x80, s31, s11, $0xb8;
	[tilespmem:$0x1F800] =	vst v63  }
0x11a: {  	_ =	swait.ge [sflag:s8], $0x3E80  }
0x11b: {  	[sflag:s8] =	ssyncset.done $0x0  }
0x11c: {  	[sflag:s8] =	ssyncadd.s32 $0xFFFFC180  }
0x11d: {  	[tilespmem:s13], [sflag:$0x2] =	stream.indirect.gather [hbm4b:s2+s11], $0x80, s16, s11, $0xb8;
	[tilespmem:$0x1F800] =	vst v63  }
0x11e: {  	_ =	swait.ge [sflag:s14], $0x3E80  }
0x11f: {  	[sflag:s14] =	ssyncset.done $0x0  }
0x120: {  	[sflag:s14] =	ssyncadd.s32 $0xFFFFC180  }
0x121: {  	[spmem:s3] =	stream.indirect.scatter.add.f32 [tilespmem:s12], [sflag:$0x4], $0x80, s17, s11, $0xb8;
	[tilespmem:$0x1F800] =	vst v63  }
0x122: {  	_ =	swait.ge [sflag:s8], $0x3E80  }
0x123: {  	[sflag:s8] =	ssyncset.done $0x0  }
0x124: {  	[sflag:s8] =	ssyncadd.s32 $0xFFFFC180  }
0x125: {  	_ =	swait.ge [sflag:s15], $0x3E80  }
0x126: {  	[sflag:s15] =	ssyncset.done $0x0  }
0x127: {  	[sflag:s15] =	ssyncadd.s32 $0xFFFFC180  }
0x128: {  	[spmem:s3] =	stream.indirect.scatter.add.f32 [tilespmem:s13], [sflag:$0x4], $0x80, s26, s11, $0xb8;
	[tilespmem:$0x1F800] =	vst v63  }
0x129: {  	_ =	swait.ge [sflag:s8], $0x3E80  }
0x12a: {  	s4 =	sadd.s32 $0x1, s4;
	[sflag:s8] =	ssyncset.done $0x0  }
0x12b: {  	p3 =	sne.s32 s4, s24;
	[sflag:s8] =	ssyncadd.s32 $0xFFFFC180  }
.Ltmp8:
0x12c: {  	[bflag:$0x0] =	sbarrier.arrive $0xFFFF;
	(pc) =	sbr.rel @p3 .LBB2_1-.Ltmp8, $4  }
0x12d: {  	[hbm:s23], [sflag:s30] =	dma.local [spmem:s29], $0x2800  }
0x12e: {  	_ =	swait.ge [sflag:s8], $0x2800  }
0x12f: {  	[sflag:s8] =	ssyncset.done $0x0  }
0x130: {  	[sflag:s8] =	ssyncadd.s32 $0xFFFFD800  }
0x131: {  	_ =	sfence.sel $0x180000  }
0x132: {  	[bflag:$0x0] =	sbarrier.arrive $0xFFFF  }
0x133: {  	_ =	strace $0x9000004D  }
0x134: {  	[bflag:$0x2] =	sbarrier.arrive $0xFFFF  }
0x135: {  	p0 =	sne.s32 s0, $0x0;
	s0 =	rddreg [dreg:$0x3]  }
0x136: {  	s0 =	sadd.s32 @!p0 $0x100000, s0  }
0x137: {  	[sflag:s0] =	ssyncadd.tile.s32 @!p0 $0x1;
	_ =	shalt  }
.Lfunc_end2:
_tile_overlayer_lowered:
.L_overlay_start_2:
0x138: {  	(tag) =	ssettag $0x2  }
0x139: {  	s0 =	rddreg [dreg:$0x0];
	s2 =	stileid.u32  }
0x13a: {  	s1 =	rddreg [dreg:$0x1];
	p0 =	sne.s32 s2, $0x0  }
0x13b: {  	s3 =	rddreg [dreg:$0x2];
	[bflag:$0x3] =	sbarrier.arrive $0xFFFF;
	s2 =	simm.s32 @!p0 $0x1C04  }
0x13c: {  	[timem:s3], [sflag:s2] =	dma.local @!p0 [hbm:s0], s1  }
0x13d: {  	s0 =	simm.s32 @!p0 $0x4  }
0x13e: {  	_ =	swait.ge @!p0 [sflag:s0], s1  }
0x13f: {  	s1 =	ssub.s32 @!p0 $0x0, s1;
	[sflag:s0] =	ssyncset.done @!p0 $0x0  }
0x140: {  	[sflag:s0] =	ssyncadd.s32 @!p0 s1  }
0x141: {  	[bflag:$0x3] =	sbarrier.arrive $0xFFFF  }
0x142: {  	_ =	shalt  }

// kernel: kernel.8.cloned.1.call-start
scs
__scs_entry_jumppad:
0x0: {  	(pc) =	sbr.rel $0x88, $3  }
0x1: {  	(tag) =	ssettag $0x0;
	lr =	simm.s32 $0x1  }
0x2: {  	[smem:$0x3F95] =	sst lr;
	_ =	strace $0xD0000000  }
0x3: {  	_ = 	snop  }
0x4: {  	_ = 	snop  }
0x5: {  	_ = 	snop  }
0x6: {  	_ = 	snop  }
0x7: {  	_ = 	snop  }
__scs_overlays_trampoline_lowered:
0x8: {  	[smem:$0x3FA4] =	sst s0  }
0x9: {  	[smem:$0x3FA5] =	sst s1  }
0xa: {  	[smem:$0x3FA6] =	sst s2  }
0xb: {  	[smem:$0x3FA7] =	sst s3  }
0xc: {  	[smem:$0x3FA8] =	sst s4  }
0xd: {  	[smem:$0x3FA9] =	sst s5  }
0xe: {  	[smem:$0x3FAA] =	sst s6  }
0xf: {  	[smem:$0x3FAB] =	sst s7  }
0x10: {  	[smem:$0x3FAC] =	sst s8  }
0x11: {  	[smem:$0x3FAD] =	sst s9;
	s0 =	simm.s32 @!p0 $0x0  }
0x12: {  	s1 =	sld [smem:$0x3F93];
	s0 =	simm.s32 @p0 $0x1  }
0x13: {  	[smem:$0x3FAE] =	sst s0;
	s0 =	simm.s32 @!p1 $0x0  }
0x14: {  	s2 =	sld [smem:$0x3F92];
	s0 =	simm.s32 @p1 $0x1  }
0x15: {  	[smem:$0x3FAF] =	sst s0;
	s0 =	simm.s32 @!p2 $0x0  }
0x16: {  	s3 =	sld [smem:$0x3FDB];
	s0 =	simm.s32 @p2 $0x1  }
0x17: {  	s4 =	simm.s32 $0x1BF5;
	[smem:$0x3FB1] =	sst s0  }
0x18: {  	s0 =	sld [smem:$0x3F94];
	_ =	swait.ge [sflag:s4], $0x0  }
0x19: {  	s7 =	sld [smem:$0x3F95]  }
0x1a: {  	s8 =	sadd.s32 $0xFFFFE003, lr  }
0x1b: {  	s9 =	sadd.s32 $0xFFFFFEF7, lr;
	s5 =	simm.s32 $0xFFFFFFFF;
	p2 =	slt.u32 s8, $0xFFFFF086  }
0x1c: {  	p1 =	slt.u32 s9, $0xF7A;
	s5 =	simm.s32 @!p2 $0x0  }
0x1d: {  	s5 =	simm.s32 @p1 $0x1;
	p0 =	seq.s32 s7, s2  }
0x1e: {  	s7 =	smul.u32 @!p0 $0xF7A, s2;
	p2 =	seq.s32 @!p0 s5, $0x0  }
0x1f: {  	s9 =	smul.u32 $0xF7A, s1;
	s8 =	simm.s32 @!p0 $0x1BF5;
	p2 =	por !p2, p0  }
0x20: {  	[sflag:s8] =	ssyncset.s32 @!p0 $0xFFFFF086;
	s6 =	sadd.s32 @!p0 s3, s7;
	s7 =	simm.s32 @!p0 $0x108  }
0x21: {  	s3 =	sadd.s32 s3, s9;
	s6 =	sadd.s32 @!p0 $0x88, s6;
	s7 =	simm.s32 @p2 $0x1082  }
0x22: {  	[simem:s7], [sflag:s8] =	dma.local @!p0 [hbm:s6], $0xF7A  }
0x23: {  	s9 =	sor.u32 $0xD0000000, s2;
	s6 =	simm.s32 $0x108;
	_ =	swait.ge @!p0 [sflag:s8], $0x0  }
0x24: {  	s3 =	sadd.s32 $0x88, s3;
	s6 =	simm.s32 @!p1 $0x1082;
	[sflag:s4] =	ssyncset.s32 $0xFFFFF086  }
0x25: {  	[simem:s6], [sflag:s4] =	dma.local [hbm:s3], $0xF7A  }
0x26: {  	[smem:$0x3F95] =	sst s1;
	(tag) =	ssettag s2;
	_ =	strace s9  }
0x27: {  	s1 =	sld [smem:$0x3FA5]  }
0x28: {  	s2 =	sld [smem:$0x3FA6]  }
0x29: {  	s4 =	sld [smem:$0x3FA8]  }
0x2a: {  	p0 =	seq.s32 s5, $0x0;
	s5 =	sld [smem:$0x3FA9]  }
0x2b: {  	s6 =	sld [smem:$0x3FAA]  }
0x2c: {  	s7 =	sld [smem:$0x3FAB]  }
0x2d: {  	s3 =	simm.s32 $0x108;
	s8 =	sld [smem:$0x3FAC]  }
0x2e: {  	s3 =	simm.s32 @!p0 $0x1082;
	s9 =	sld [smem:$0x3FAD]  }
0x2f: {  	lr =	sadd.s32 s0, s3;
	s0 =	sld [smem:$0x3FA4]  }
0x30: {  	s3 =	sld [smem:$0x3FA7]  }
0x31: {  	[smem:$0x3FB0] =	sst s10  }
0x32: {  	s10 =	sld [smem:$0x3FAE];
	_ =	sdelay $0x3  }
0x33: {  	p0 =	seq.s32 s10, $0x1;
	s10 =	sld [smem:$0x3FB0];
	_ =	sdelay $0x3  }
0x34: {  	[smem:$0x3FB0] =	sst s10  }
0x35: {  	s10 =	sld [smem:$0x3FAF];
	_ =	sdelay $0x3  }
0x36: {  	p1 =	seq.s32 s10, $0x1;
	s10 =	sld [smem:$0x3FB0];
	_ =	sdelay $0x3  }
0x37: {  	[smem:$0x3FB0] =	sst s10  }
0x38: {  	s10 =	sld [smem:$0x3FB1]  }
0x39: {  	_ = 	snop;
	(pc) =	sbr.ind lr, $3  }
0x3a: {  	_ = 	snop  }
0x3b: {  	_ = 	snop  }
0x3c: {  	p2 =	seq.s32 s10, $0x1;
	s10 =	sld [smem:$0x3FB0]  }
0x3d: {  	_ =	shalt  }
0x3e: {  	_ =	shalt  }
0x3f: {  	_ =	shalt  }
0x40: {  	_ =	shalt  }
0x41: {  	_ =	shalt  }
0x42: {  	_ =	shalt  }
0x43: {  	_ =	shalt  }
0x44: {  	_ =	shalt  }
0x45: {  	_ =	shalt  }
0x46: {  	_ =	shalt  }
0x47: {  	_ =	shalt  }
0x48: {  	_ =	shalt  }
0x49: {  	_ =	shalt  }
0x4a: {  	_ =	shalt  }
0x4b: {  	_ =	shalt  }
0x4c: {  	_ =	shalt  }
0x4d: {  	_ =	shalt  }
0x4e: {  	_ =	shalt  }
0x4f: {  	_ =	shalt  }
0x50: {  	_ =	shalt  }
0x51: {  	_ =	shalt  }
0x52: {  	_ =	shalt  }
0x53: {  	_ =	shalt  }
0x54: {  	_ =	shalt  }
0x55: {  	_ =	shalt  }
0x56: {  	_ =	shalt  }
0x57: {  	_ =	shalt  }
0x58: {  	_ =	shalt  }
0x59: {  	_ =	shalt  }
0x5a: {  	_ =	shalt  }
0x5b: {  	_ =	shalt  }
0x5c: {  	_ =	shalt  }
0x5d: {  	_ =	shalt  }
0x5e: {  	_ =	shalt  }
0x5f: {  	_ =	shalt  }
0x60: {  	_ =	shalt  }
0x61: {  	_ =	shalt  }
0x62: {  	_ =	shalt  }
0x63: {  	_ =	shalt  }
0x64: {  	_ =	shalt  }
0x65: {  	_ =	shalt  }
0x66: {  	_ =	shalt  }
0x67: {  	_ =	shalt  }
0x68: {  	_ =	shalt  }
0x69: {  	_ =	shalt  }
0x6a: {  	_ =	shalt  }
0x6b: {  	_ =	shalt  }
0x6c: {  	_ =	shalt  }
0x6d: {  	_ =	shalt  }
0x6e: {  	_ =	shalt  }
0x6f: {  	_ =	shalt  }
0x70: {  	_ =	shalt  }
0x71: {  	_ =	shalt  }
0x72: {  	_ =	shalt  }
0x73: {  	_ =	shalt  }
0x74: {  	_ =	shalt  }
0x75: {  	_ =	shalt  }
0x76: {  	_ =	shalt  }
0x77: {  	_ =	shalt  }
0x78: {  	_ =	shalt  }
0x79: {  	_ =	shalt  }
0x7a: {  	_ =	shalt  }
0x7b: {  	_ =	shalt  }
0x7c: {  	_ =	shalt  }
0x7d: {  	_ =	shalt  }
0x7e: {  	_ =	shalt  }
0x7f: {  	_ =	shalt  }
0x80: {  	_ =	shalt  }
0x81: {  	_ =	shalt  }
0x82: {  	_ =	shalt  }
0x83: {  	_ =	shalt  }
0x84: {  	_ =	shalt  }
0x85: {  	_ =	shalt  }
0x86: {  	_ =	shalt  }
0x87: {  	_ =	shalt  }
.Lfunc_end0:
.L_simem_size_0:
called_computation_lowered:
.L_overlay_start_0:
0x88: {  	s2 =	sld [smem:$0x3FD9]  }
0x89: {  	s3 =	sld [smem:$0x3FFE];
	_ =	sdelay $0x1  }
0x8a: {  	s1 =	srdreg.scid  }
0x8b: {  	s0 =	sand.u32 $0x1, s1  }
0x8c: {  	s17 =	sshll.u32 s0, $0xA;
	s2 =	sadd.s32 s3, s2  }
0x8d: {  	s2 =	sadd.s32 s2, s17  }
0x8e: {  	[smem:$0x3FBC] =	sst s2  }
0x8f: {  	_ = 	snop  }
0x90: {  	s2 =	sld [smem:$0x3FD0];
	(tm) =	ssettm $0x1  }
0x91: {  	s18 =	sld [smem:$0x3FFB];
	_ =	sdelay $0x3  }
0x92: {  	_ =	strace s18  }
0x93: {  	s3 =	sld [smem:$0x3FFC];
	_ =	sdelay $0x3  }
0x94: {  	_ =	strace s3  }
0x95: {  	s3 =	sld [smem:$0x3FFD];
	_ =	sdelay $0x3  }
0x96: {  	_ =	strace s3  }
0x97: {  	_ =	strace $0x8FFFFFFF  }
0x98: {  	s19 =	sld [smem:$0x3FDB];
	_ =	sdelay $0x1  }
0x99: {  	s4 =	simm.s32 $_scs_section_size  }
0x9a: {  	s5 =	simm.s32 $_size__tile_overlayer_lowered;
	s6 =	simm.s32 $_tile_overlayer_lowered  }
0x9b: {  	s22 =	simm.s32 $0x1BFF;
	s21 =	sshll.u32 s6, $0x1;
	s3 =	sadd.s32 s4, s19  }
0x9c: {  	s7 =	simm.s32 $0x0;
	s20 =	sshll.u32 s5, $0x1;
	s5 =	sadd.s32 s21, s3  }
0x9d: {  	[timem:s7], [sflag:s22] =	dma.local [hbm:s5], s20  }
0x9e: {  	_ =	swait.ge [sflag:s22], s20  }
0x9f: {  	s4 =	ssub.s32 $0x0, s20;
	[sflag:s22] =	ssyncset.done $0x0  }
0xa0: {  	[sflag:s22] =	ssyncadd.s32 s4;
	_ =	sdelay $0x1  }
0xa1: {  	s23 =	simm.s32 $0x1B8B  }
0xa2: {  	_ =	swait.ge [sflag:s23], $0x1  }
0xa3: {  	[sflag:s23] =	ssyncset.done $0x0  }
0xa4: {  	s25 =	simm.s32 $0x1B8E;
	s24 =	sld [smem:$0x3FFE];
	[sflag:s23] =	ssyncadd.s32 $0xFFFFFFFF  }
0xa5: {  	s26 =	simm.s32 $execute0_lowered;
	[smem:$0x3FD2] =	sst s25  }
0xa6: {  	s5 =	sshll.u32 s26, $0x1;
	_ =	strace $0x80000046;
	[dreg:$0x1] =	wrdreg $0xFFFFFFFF  }
0xa7: {  	s28 =	simm.s32 $_size_execute0_lowered;
	s3 =	sadd.s32 s3, s5;
	[dreg:$0x0] =	wrdreg $0x0  }
0xa8: {  	s5 =	sshll.u32 s28, $0x1;
	[dreg:$0x2] =	wrdreg s3  }
0xa9: {  	[dreg:$0x3] =	wrdreg s5  }
0xaa: {  	[dreg:$0x4] =	wrdreg $0xC0  }
0xab: {  	_ =	task [dreg:s7], $0x5FFFF  }
0xac: {  	[dreg:$0x1] =	wrdreg $0xFFFFFFFF  }
0xad: {  	[dreg:$0x0] =	wrdreg $0x60  }
0xae: {  	[dreg:$0x2] =	wrdreg s24  }
0xaf: {  	[dreg:$0x3] =	wrdreg s2  }
0xb0: {  	[dreg:$0x4] =	wrdreg $0x2B000  }
0xb1: {  	[dreg:$0x5] =	wrdreg $0x9  }
0xb2: {  	_ =	task.clear_ibuf [dreg:s7], $0x6FFFF;
	_ =	strace $0x90000046  }
0xb3: {  	s29 =	simm.s32 $0x9;
	_ =	strace $0x80000048  }
0xb4: {  	_ =	swait.ge [sflag:s29], $0x1  }
0xb5: {  	[sflag:s29] =	ssyncadd.s32 $0xFFFFFFFF  }
0xb6: {  	_ =	strace $0x90000048  }
0xb7: {  	_ =	sfence  }
0xb8: {  	s30 =	sld [smem:$0x0];
	_ =	sdelay $0x2  }
0xb9: {  	s31 =	sshll.u32 s1, $0xD;
	s1 =	sshrl.u32 s1, $0x2  }
0xba: {  	s3 =	sand.u32 $0x4000, s31;
	s1 =	sadd.s32 s1, s30  }
0xbb: {  	s0 =	sor.u32 s3, s0;
	s1 =	sshll.u32 s1, $0x11  }
0xbc: {  	s0 =	sor.u32 s1, s0  }
0xbd: {  	s0 =	sadd.s32 $0x8F2B, s0  }
0xbe: {  	[sflag:s0] =	ssyncadd.remote.s32 $0x1  }
0xbf: {  	_ =	sfence.sel $0xFFFF  }
0xc0: {  	[dreg:$0x0] =	wrdreg $0xFFFFFFFF;
	(pc) =	sbr.abs _section_cstart, $3  }
0xc1: {  	[dreg:$0x1] =	wrdreg $0xFFFFFFFF  }
0xc2: {  	_ =	task.clear_ibuf [dreg:s7], $0x2FFFF;
	_ =	strace $0x9FFFFFFF  }
0xc3: {  	(tm) =	ssettm $0x7FFFFFFF  }
tec
execute0_lowered:
.L_overlay_start_1:
0x0: {  	(tag) =	ssettag $0x1  }
0x1: {  	s1 =	srdreg.scid;
	s4 =	rddreg [dreg:$0x0]  }
0x2: {  	s0 =	stileid.u32;
	s6 =	rddreg [dreg:$0x1]  }
0x3: {  	s2 =	rddreg [dreg:$0x2];
	s3 =	simm.s32 $0x0;
	s11 =	simm.s32 $0x7D  }
0x4: {  	s12 =	simm.s32 $0x2800;
	s15 =	simm.s32 $0x0;
	s5 =	sand.u32 $0x1, s1  }
0x5: {  	s29 =	sshll.u32 s0, $0x1;
	s8 =	smul.u32 $0x280, s0;
	[smem:$0x7FF] =	sst s3  }
0x6: {  	s13 =	sshll.u32 s0, $0x6;
	s1 =	sor.u32 s5, s29;
	s9 =	smul.u32 $0x2800, s5  }
0x7: {  	s5 =	ssub.s32 $0x2, s5;
	s13 =	sor.u32 $0x1C02, s13;
	s7 =	smul.u32 $0x500, s1  }
0x8: {  	s1 =	rddreg [dreg:$0x3];
	_ =	strace $0x80000047;
	s30 =	sshrl.u32 s5, $0x1  }
0x9: {  	s9 =	sadd.s32 s8, s9;
	s10 =	ssub.s32 s5, s30;
	s7 =	sadd.s32 s7, s4  }
0xa: {  	s4 =	sadd.s32 s8, s2;
	s31 =	sshrl.u32 s9, $0x3;
	s8 =	simm.s32 $0x2880  }
0xb: {  	s9 =	simm.s32 $0x2;
	s5 =	sadd.s32 $0x2600, s7;
	s6 =	sadd.s32 s6, s31  }
0xc: {  	v0 =	vimm.f32 $1.000000000e+00;
	v1 =	vimm.f32 $0.0e+00;
	s7 =	smax.u32 s10, $0x1;
	s10 =	simm.s32 $0x1;
	s14 =	sshrl.u32 s4, $0x3  }
.LBB2_1:
0xd: {  	[tilespmem:$0x2800] =	vst v0  }
0xe: {  	[tilespmem:$0x2810] =	vst v0  }
0xf: {  	[tilespmem:$0x2820] =	vst v0  }
0x10: {  	[tilespmem:$0x2830] =	vst v0  }
0x11: {  	[tilespmem:$0x2840] =	vst v0  }
0x12: {  	[tilespmem:$0x2850] =	vst v0  }
0x13: {  	[tilespmem:$0x2860] =	vst v0  }
0x14: {  	[tilespmem:$0x2870] =	vst v0  }
0x15: {  	[tilespmem:$0x2880] =	vst v1  }
0x16: {  	[tilespmem:$0x2890] =	vst v1  }
0x17: {  	[tilespmem:$0x28A0] =	vst v1  }
0x18: {  	[tilespmem:$0x28B0] =	vst v1  }
0x19: {  	[tilespmem:$0x28C0] =	vst v1  }
0x1a: {  	[tilespmem:$0x28D0] =	vst v1  }
0x1b: {  	[tilespmem:$0x28E0] =	vst v1  }
0x1c: {  	[tilespmem:$0x28F0] =	vst v1  }
0x1d: {  	[tilespmem:$0x2900] =	vst v1  }
0x1e: {  	[tilespmem:$0x2910] =	vst v1  }
0x1f: {  	[tilespmem:$0x2920] =	vst v1  }
0x20: {  	[tilespmem:$0x2930] =	vst v1  }
0x21: {  	[tilespmem:$0x2940] =	vst v1  }
0x22: {  	[tilespmem:$0x2950] =	vst v1  }
0x23: {  	[tilespmem:$0x2960] =	vst v1  }
0x24: {  	[tilespmem:$0x2970] =	vst v1  }
0x25: {  	[tilespmem:$0x2980] =	vst v1  }
0x26: {  	[tilespmem:$0x2990] =	vst v1  }
0x27: {  	[tilespmem:$0x29A0] =	vst v1  }
0x28: {  	[tilespmem:$0x29B0] =	vst v1  }
0x29: {  	[tilespmem:$0x29C0] =	vst v1  }
0x2a: {  	[tilespmem:$0x29D0] =	vst v1  }
0x2b: {  	[tilespmem:$0x29E0] =	vst v1  }
0x2c: {  	[tilespmem:$0x29F0] =	vst v1  }
0x2d: {  	[tilespmem:$0x2A00] =	vst v1  }
0x2e: {  	[tilespmem:$0x2A10] =	vst v1  }
0x2f: {  	[tilespmem:$0x2A20] =	vst v1  }
0x30: {  	[tilespmem:$0x2A30] =	vst v1  }
0x31: {  	[tilespmem:$0x2A40] =	vst v1  }
0x32: {  	[tilespmem:$0x2A50] =	vst v1  }
0x33: {  	[tilespmem:$0x2A60] =	vst v1  }
0x34: {  	[tilespmem:$0x2A70] =	vst v1  }
0x35: {  	[tilespmem:$0x2A80] =	vst v1  }
0x36: {  	[tilespmem:$0x2A90] =	vst v1  }
0x37: {  	[tilespmem:$0x2AA0] =	vst v1  }
0x38: {  	[tilespmem:$0x2AB0] =	vst v1  }
0x39: {  	[tilespmem:$0x2AC0] =	vst v1  }
0x3a: {  	[tilespmem:$0x2AD0] =	vst v1  }
0x3b: {  	[tilespmem:$0x2AE0] =	vst v1  }
0x3c: {  	[tilespmem:$0x2AF0] =	vst v1  }
0x3d: {  	[spmem:s4] =	stream.linear.scatter [tilespmem:s8], [sflag:$0x2], $0x280, $0x38;
	[tilespmem:$0x2D80] =	vst v63  }
0x3e: {  	_ =	swait.ge [sflag:s9], $0x280  }
0x3f: {  	[sflag:s9] =	ssyncset.done $0x0  }
0x40: {  	[sflag:s9] =	ssyncadd.s32 $0xFFFFFD80  }
0x41: {  	[bflag:$0x0] =	sbarrier.arrive $0xFFFF  }
0x42: {  	[tilespmem:s3], [sflag:$0x1] =	stream.linear.gather [hbm4b:s5+s3], $0x2800, $0x38;
	[tilespmem:$0x2D80] =	vst v63  }
0x43: {  	_ =	swait.ge [sflag:s10], $0x2800  }
0x44: {  	[sflag:s10] =	ssyncset.done $0x0  }
0x45: {  	s16 =	simm.s32 $0x0;
	[sflag:s10] =	ssyncadd.s32 $0xFFFFD800  }
0x46: {  	[spmem:s2] =	stream.indirect.scatter.add.f32 [tilespmem:s12], [sflag:$0x2], $0x1, s16, s11, $0xb8;
	[tilespmem:$0x2D80] =	vst v63  }
0x47: {  	_ =	swait.ge [sflag:s9], $0x7D  }
0x48: {  	s16 =	simm.s32 $0x200;
	[sflag:s9] =	ssyncset.done $0x0  }
.LBB2_2:
0x49: {  	s17 =	sshra.s32 s16, $0x2;
	[sflag:s9] =	ssyncadd.s32 $0xFFFFFF83;
	p0 =	sne.s32 s16, $0x9E00  }
0x4a: {  	[spmem:s2] =	stream.indirect.scatter.add.f32 [tilespmem:s12], [sflag:$0x2], $0x1, s17, s11, $0xb8;
	[tilespmem:$0x2D80] =	vst v63  }
.Ltmp0:
0x4b: {  	_ = 	snop;
	(pc) =	sbr.rel @p0 .LBB2_2-.Ltmp0, $4  }
0x4c: {  	_ = 	snop  }
0x4d: {  	s16 =	sadd.s32 $0x200, s16  }
0x4e: {  	_ =	swait.ge [sflag:s9], $0x7D  }
0x4f: {  	[sflag:s9] =	ssyncset.done $0x0  }
0x50: {  	s15 =	sadd.s32 $0x1, s15  }
0x51: {  	[sflag:s9] =	ssyncadd.s32 $0xFFFFFF83;
	p0 =	sne.s32 s15, s7  }
.Ltmp1:
0x52: {  	[bflag:$0x0] =	sbarrier.arrive $0xFFFF;
	(pc) =	sbr.rel @p0 .LBB2_1-.Ltmp1, $4  }
0x53: {  	[hbm:s6], [sflag:s13] =	dma.local [spmem:s14], $0x50  }
0x54: {  	_ =	swait.ge [sflag:s9], $0x50  }
0x55: {  	[sflag:s9] =	ssyncset.done $0x0  }
0x56: {  	[sflag:s9] =	ssyncadd.s32 $0xFFFFFFB0  }
0x57: {  	_ =	sfence.sel $0x180000  }
0x58: {  	[bflag:$0x0] =	sbarrier.arrive $0xFFFF  }
0x59: {  	p0 =	sne.s32 s0, $0x0;
	_ =	strace $0x90000047  }
0x5a: {  	s0 =	sadd.s32 @!p0 $0x100000, s1;
	[bflag:$0x2] =	sbarrier.arrive $0xFFFF  }
0x5b: {  	[sflag:s0] =	ssyncadd.tile.s32 @!p0 $0x1;
	_ =	shalt  }
.Lfunc_end2:
_tile_overlayer_lowered:
.L_overlay_start_2:
0x5c: {  	(tag) =	ssettag $0x2  }
0x5d: {  	s0 =	rddreg [dreg:$0x0];
	s2 =	stileid.u32  }
0x5e: {  	s1 =	rddreg [dreg:$0x1];
	p0 =	sne.s32 s2, $0x0  }
0x5f: {  	s3 =	rddreg [dreg:$0x2];
	[bflag:$0x3] =	sbarrier.arrive $0xFFFF;
	s2 =	simm.s32 @!p0 $0x1C02  }
0x60: {  	[timem:s3], [sflag:s2] =	dma.local @!p0 [hbm:s0], s1  }
0x61: {  	s0 =	simm.s32 @!p0 $0x2  }
0x62: {  	_ =	swait.ge @!p0 [sflag:s0], s1  }
0x63: {  	s1 =	ssub.s32 @!p0 $0x0, s1;
	[sflag:s0] =	ssyncset.done @!p0 $0x0  }
0x64: {  	[sflag:s0] =	ssyncadd.s32 @!p0 s1  }
0x65: {  	[bflag:$0x3] =	sbarrier.arrive $0xFFFF  }
0x66: {  	_ =	shalt  }

</sc_bundles>
